<compile_context>
chip_gen: v7x
topology: tpu7x:2x2x1
jax: 0.10.2.dev20260603
libtpu: 0.0.44.dev20260713+nightly
codegen_flags: <defaults>
</compile_context>

<pallas_src>
import functools

import jax
import jax.numpy as jnp
from jax import lax
from jax.experimental import pallas as pl
from jax.experimental.pallas import tpu as pltpu
from jax.experimental.pallas import tpu_sc as plsc

N = 10000
E = 320000
D = 128
NEG = 0.2
NC = 2
NS = 16
NW = NC * NS
EPW = E // NW
CHUNK = 32
NFULL = EPW // CHUNK
OUTER = NFULL // 4
TAIL = EPW - NFULL * CHUNK
NPAD = 10240
DROWS = NPAD // D
RPT = NPAD // NS
BN = 1000



def _dense_body(x_ref, w1_ref, w2_ref, a8_ref, h_ref, at_ref):
    xb = x_ref[...]
    h_ref[...] = jnp.dot(xb, w1_ref[...], preferred_element_type=jnp.float32)
    q = lax.dot_general(a8_ref[...], w2_ref[...], (((1,), (1,)), ((), ())),
                        preferred_element_type=jnp.float32)
    at_ref[...] = lax.dot_general(q, xb, (((1,), (1,)), ((), ())),
                                  preferred_element_type=jnp.float32)


_dense = pl.pallas_call(
    _dense_body,
    out_shape=[
        jax.ShapeDtypeStruct((N, D), jnp.float32),
        jax.ShapeDtypeStruct((8, N), jnp.float32),
    ],
)



def _edge_body(src_hbm, dst_hbm, as_hbm, ad_hbm, h_hbm, acc_hbm, den_hbm,
               acc_sh, den_sh, as_v, ad_v,
               rows0_v, rows1_v, rows2_v, rows3_v,
               src0_v, src1_v, src2_v, src3_v,
               dst0_v, dst1_v, dst2_v, dst3_v,
               sct0_v, sct1_v, sct2_v, sct3_v,
               w_v, den_v,
               semg0, semg1, semg2, semg3,
               sems0, sems1, sems2, sems3,
               semi0, semi1, semi2, semi3):
    c = lax.axis_index("c")
    s = lax.axis_index("s")
    wid = c * NS + s
    zero16 = jnp.zeros((16,), jnp.float32)
    rows = [rows0_v, rows1_v, rows2_v, rows3_v]
    srcv = [src0_v, src1_v, src2_v, src3_v]
    dstv = [dst0_v, dst1_v, dst2_v, dst3_v]
    sctv = [sct0_v, sct1_v, sct2_v, sct3_v]
    semg = [semg0, semg1, semg2, semg3]
    sems = [sems0, sems1, sems2, sems3]
    semi = [semi0, semi1, semi2, semi3]

    def zrow(i, carry):
        for k in range(D // 16):
            rows0_v[i, pl.ds(k * 16, 16)] = zero16
        return carry
    lax.fori_loop(0, CHUNK, zrow, 0)

    def zden(i, carry):
        for k in range(D // 16):
            den_v[i, pl.ds(k * 16, 16)] = zero16
        return carry
    lax.fori_loop(0, DROWS, zden, 0)

    for m in range(RPT // CHUNK):
        pltpu.sync_copy(rows0_v,
                        acc_sh.at[pl.ds(s * RPT + m * CHUNK, CHUNK), :])

    @pl.when(s == 0)
    def _():
        pltpu.sync_copy(rows0_v, den_sh.at[pl.ds(0, CHUNK), :])
        pltpu.sync_copy(rows0_v, den_sh.at[pl.ds(CHUNK, CHUNK), :])
        pltpu.sync_copy(rows0_v.at[pl.ds(0, DROWS - 2 * CHUNK), :],
                        den_sh.at[pl.ds(2 * CHUNK, DROWS - 2 * CHUNK), :])

    pltpu.sync_copy(as_hbm.at[pl.ds(0, N)], as_v)
    pltpu.sync_copy(ad_hbm.at[pl.ds(0, N)], ad_v)

    plsc.subcore_barrier()

    def wgroup(sv, dv):
        e = plsc.load_gather(as_v, [sv]) + plsc.load_gather(ad_v, [dv])
        e = jnp.where(e >= 0, e, NEG * e)
        return jnp.exp(e)

    def scale_rows(rows_ref):
        def srow(i, carry):
            wi = plsc.load_gather(w_v, [jnp.full((16,), i, jnp.int32)])
            for k in range(D // 16):
                rows_ref[i, pl.ds(k * 16, 16)] = \
                    rows_ref[i, pl.ds(k * 16, 16)] * wi
            return carry
        lax.fori_loop(0, CHUNK, srow, 0)

    base = wid * EPW

    def step(j, b):
        b2, b3 = (b + 2) % 4, (b + 3) % 4
        pltpu.make_async_copy(h_hbm.at[srcv[b]], rows[b], semg[b]).wait()
        for q in range(CHUNK // 16):
            dv = dstv[b][pl.ds(q * 16, 16)]
            w = wgroup(srcv[b][pl.ds(q * 16, 16)], dv)
            w_v[pl.ds(q * 16, 16)] = w
            plsc.addupdate_scatter(
                den_v,
                [lax.shift_right_logical(dv, 7), jnp.bitwise_and(dv, 127)],
                w)
            sctv[b][pl.ds(q * 16, 16)] = dv
        scale_rows(rows[b])
        pltpu.async_copy(rows[b], acc_sh.at[sctv[b]], sems[b], add=True)

        @pl.when(j + 3 < NFULL)
        def _():
            off3 = base + (j + 3) * CHUNK
            pltpu.async_copy(src_hbm.at[pl.ds(off3, CHUNK)], srcv[b3],
                             semi[b3])
            pltpu.async_copy(dst_hbm.at[pl.ds(off3, CHUNK)], dstv[b3],
                             semi[b3])

        @pl.when(j + 2 < NFULL)
        def _():
            @pl.when(j >= 1)
            def _():
                pltpu.make_async_copy(
                    src_hbm.at[pl.ds(0, CHUNK)], srcv[b2], semi[b2]).wait()
                pltpu.make_async_copy(
                    dst_hbm.at[pl.ds(0, CHUNK)], dstv[b2], semi[b2]).wait()

            @pl.when(j >= 2)
            def _():
                pltpu.make_async_copy(rows[b2], acc_sh.at[sctv[b2]],
                                      sems[b2]).wait()
            pltpu.async_copy(h_hbm.at[srcv[b2]], rows[b2], semg[b2])

    for jj in range(3):
        pltpu.sync_copy(src_hbm.at[pl.ds(base + jj * CHUNK, CHUNK)], srcv[jj])
        pltpu.sync_copy(dst_hbm.at[pl.ds(base + jj * CHUNK, CHUNK)], dstv[jj])
    pltpu.async_copy(h_hbm.at[srcv[0]], rows[0], semg[0])
    pltpu.async_copy(h_hbm.at[srcv[1]], rows[1], semg[1])

    def outer(jo, carry):
        for b in range(4):
            step(4 * jo + b, b)
        return carry
    lax.fori_loop(0, OUTER, outer, 0)

    for b in range(4):
        pltpu.make_async_copy(rows[b], acc_sh.at[sctv[b]], sems[b]).wait()

    offt = base + NFULL * CHUNK
    pltpu.sync_copy(src_hbm.at[pl.ds(offt, TAIL)],
                    src0_v.at[pl.ds(0, TAIL)])
    pltpu.sync_copy(dst_hbm.at[pl.ds(offt, TAIL)],
                    dst0_v.at[pl.ds(0, TAIL)])
    zi16 = jnp.zeros((16,), jnp.int32)
    src0_v[pl.ds(TAIL, 16)] = zi16
    dst0_v[pl.ds(TAIL, 16)] = zi16
    dv = dst0_v[pl.ds(0, TAIL)]
    w = wgroup(src0_v[pl.ds(0, TAIL)], dv)
    w_v[pl.ds(0, TAIL)] = w
    w_v[pl.ds(TAIL, 16)] = zero16
    plsc.addupdate_scatter(
        den_v, [lax.shift_right_logical(dv, 7), jnp.bitwise_and(dv, 127)], w)
    pltpu.async_copy(h_hbm.at[src0_v], rows0_v, semg0).wait()
    scale_rows(rows0_v)
    pltpu.sync_copy(rows0_v, acc_sh.at[dst0_v], add=True)

    i16 = lax.iota(jnp.int32, 16)
    sct0_v[pl.ds(0, 16)] = i16
    sct0_v[pl.ds(16, 16)] = i16 + 16
    sct1_v[pl.ds(0, 16)] = i16 + 32
    sct1_v[pl.ds(16, 16)] = i16 + 48
    sct2_v[pl.ds(0, 16)] = i16 + 64
    pltpu.sync_copy(den_v.at[pl.ds(0, CHUNK), :], den_sh.at[sct0_v], add=True)
    pltpu.sync_copy(den_v.at[pl.ds(CHUNK, CHUNK), :], den_sh.at[sct1_v],
                    add=True)
    pltpu.sync_copy(den_v.at[pl.ds(2 * CHUNK, 16), :],
                    den_sh.at[sct2_v.at[pl.ds(0, 16)]], add=True)
    plsc.subcore_barrier()

    pltpu.sync_copy(acc_sh.at[pl.ds(s * RPT, RPT), :],
                    acc_hbm.at[c, pl.ds(s * RPT, RPT), :])

    @pl.when(s == 0)
    def _():
        pltpu.sync_copy(den_sh, den_hbm.at[c])


_edges = functools.partial(
    pl.kernel,
    out_type=[
        jax.ShapeDtypeStruct((NC, NPAD, D), jnp.float32),
        jax.ShapeDtypeStruct((NC, DROWS, D), jnp.float32),
    ],
    mesh=plsc.VectorSubcoreMesh(core_axis_name="c", subcore_axis_name="s",
                                num_cores=NC, num_subcores=NS),
    compiler_params=pltpu.CompilerParams(needs_layout_passes=False),
    scratch_types=[
        pltpu.VMEM_SHARED((NPAD, D), jnp.float32),
        pltpu.VMEM_SHARED((DROWS, D), jnp.float32),
        pltpu.VMEM((N,), jnp.float32),
        pltpu.VMEM((N,), jnp.float32),
        pltpu.VMEM((CHUNK, D), jnp.float32),
        pltpu.VMEM((CHUNK, D), jnp.float32),
        pltpu.VMEM((CHUNK, D), jnp.float32),
        pltpu.VMEM((CHUNK, D), jnp.float32),
        pltpu.VMEM((CHUNK,), jnp.int32),
        pltpu.VMEM((CHUNK,), jnp.int32),
        pltpu.VMEM((CHUNK,), jnp.int32),
        pltpu.VMEM((CHUNK,), jnp.int32),
        pltpu.VMEM((CHUNK,), jnp.int32),
        pltpu.VMEM((CHUNK,), jnp.int32),
        pltpu.VMEM((CHUNK,), jnp.int32),
        pltpu.VMEM((CHUNK,), jnp.int32),
        pltpu.VMEM((CHUNK,), jnp.int32),
        pltpu.VMEM((CHUNK,), jnp.int32),
        pltpu.VMEM((CHUNK,), jnp.int32),
        pltpu.VMEM((CHUNK,), jnp.int32),
        pltpu.VMEM((CHUNK,), jnp.float32),
        pltpu.VMEM((DROWS, D), jnp.float32),
        pltpu.SemaphoreType.DMA,
        pltpu.SemaphoreType.DMA,
        pltpu.SemaphoreType.DMA,
        pltpu.SemaphoreType.DMA,
        pltpu.SemaphoreType.DMA,
        pltpu.SemaphoreType.DMA,
        pltpu.SemaphoreType.DMA,
        pltpu.SemaphoreType.DMA,
        pltpu.SemaphoreType.DMA,
        pltpu.SemaphoreType.DMA,
        pltpu.SemaphoreType.DMA,
        pltpu.SemaphoreType.DMA,
    ],
)(_edge_body)



def _finish_body(acc_ref, den_ref, bias_ref, out_ref):
    t = acc_ref[0] + acc_ref[1]
    d = den_ref[...]
    r = jnp.where(d > 0, t / jnp.where(d > 0, d, 1.0), 0.0) + bias_ref[...]
    out_ref[...] = jnp.where(r >= 0, r, NEG * r)


_finish = pl.pallas_call(
    _finish_body,
    grid=(N // BN,),
    in_specs=[
        pl.BlockSpec((NC, BN, D), lambda i: (0, i, 0)),
        pl.BlockSpec((BN, 1), lambda i: (i, 0)),
        pl.BlockSpec((D,), lambda i: (0,)),
    ],
    out_specs=pl.BlockSpec((BN, D), lambda i: (i, 0)),
    out_shape=jax.ShapeDtypeStruct((N, D), jnp.float32),
)


@jax.jit
def kernel(x, edge_index, W1, W2, W3, attn, bias):
    a8 = jnp.zeros((8, D), jnp.float32)
    a8 = a8.at[0].set(attn[:D]).at[1].set(attn[D:])
    h_trans, alphaT = _dense(x, W1, W2, a8)
    alphaP = jnp.pad(alphaT, ((0, 0), (0, NPAD - N)))
    acc, denT = _edges(edge_index[0], edge_index[1],
                       alphaP[0], alphaP[1], h_trans)
    den = (denT[0] + denT[1]).reshape(NPAD)[:N, None]
    return _finish(acc, den, bias)

# --- scband reference (transcript-rebuilt; emitter-appended) ---
"""Pipeline reference for scband-gatlayer-44779329028364 (READ-ONLY COPY).

The authoritative reference and input builder live on the scoring server;
editing this copy changes nothing except your own understanding.
"""

import jax, jax.numpy as jnp
import numpy as np
import math

N = 10000
E = 320000
IN_DIM = 128
OUT_DIM = 128
NEG_SLOPE = 0.2


def setup_inputs(seed: int = 0) -> dict:
    key = jax.random.key(seed)
    k1, k2, k3, k4, k5, k6 = jax.random.split(key, 6)
    x = jax.random.normal(k1, (N, IN_DIM), dtype=jnp.float32)
    edge_index = jax.random.randint(k2, (2, E), 0, N, dtype=jnp.int32)
    w_scale = math.sqrt(2.0 / (IN_DIM + OUT_DIM))
    W1 = jax.random.normal(k3, (IN_DIM, OUT_DIM), dtype=jnp.float32) * w_scale
    W2 = jax.random.normal(k4, (IN_DIM, OUT_DIM), dtype=jnp.float32) * w_scale
    W3 = jax.random.normal(k5, (IN_DIM, OUT_DIM), dtype=jnp.float32) * w_scale
    a_scale = math.sqrt(2.0 / (1 + 2 * OUT_DIM))
    attn = jax.random.normal(k6, (2 * OUT_DIM,), dtype=jnp.float32) * a_scale
    bias = jnp.zeros((OUT_DIM,), dtype=jnp.float32)
    return {"x": x, "edge_index": edge_index, "W1": W1, "W2": W2, "W3": W3, "attn": attn, "bias": bias}


def reference(x, edge_index, W1, W2, W3, attn, bias):
    src = edge_index[0]
    dst = edge_index[1]
    h_trans = x @ W1          # W1 * H
    h_att = x @ W2            # used for BOTH src and dst (faithful to original: both read 'h_att')
    h_att_dst = x @ W3        # computed but unused in original forward (faithful)
    # e_ij = LeakyReLU(a^T [h_att[src] || h_att[dst]])
    cat = jnp.concatenate([jnp.take(h_att, src, axis=0), jnp.take(h_att, dst, axis=0)], axis=1)
    e = jax.nn.leaky_relu(jnp.sum(cat * attn, axis=1), negative_slope=NEG_SLOPE)
    # edge softmax grouped by destination node
    e_max = jax.ops.segment_max(e, dst, num_segments=N)
    e_exp = jnp.exp(e - jnp.take(e_max, dst, axis=0))
    denom = jax.ops.segment_sum(e_exp, dst, num_segments=N)
    a = e_exp / jnp.take(denom, dst, axis=0)
    # message: a_ij * (W1 h_j), aggregated by sum at dst
    m = jnp.take(h_trans, src, axis=0) * a[:, None]
    h_new = jax.ops.segment_sum(m, dst, num_segments=N) + bias
    return jax.nn.leaky_relu(h_new, negative_slope=NEG_SLOPE)

if __name__ == "__main__":
    import jax
    _d = setup_inputs()
    print(jax.jit(kernel)(*tuple(_d.values())))

</pallas_src>

<mosaic_0001>
#map = affine_map<(d0, d1) -> (0)>
#map1 = affine_map<(d0, d1) -> (0, 0)>
#map2 = affine_map<(d0, d1) -> (0, 0, 0)>
module attributes {stable_mosaic.version = 14 : i64} {
  func.func @_edge_body(%arg0: i32, %arg1: i32, %arg2: memref<320000xi32, #tpu.memory_space<hbm>>, %arg3: memref<320000xi32, #tpu.memory_space<hbm>>, %arg4: memref<10240xf32, #tpu.memory_space<hbm>>, %arg5: memref<10240xf32, #tpu.memory_space<hbm>>, %arg6: memref<10000x128xf32, #tpu.memory_space<hbm>>, %arg7: memref<2x10240x128xf32, #tpu.memory_space<hbm>>, %arg8: memref<2x80x128xf32, #tpu.memory_space<hbm>>, %arg9: memref<10240x128xf32, #tpu.memory_space<vmem_shared>>, %arg10: memref<80x128xf32, #tpu.memory_space<vmem_shared>>, %arg11: memref<10000xf32, #tpu.memory_space<vmem>>, %arg12: memref<10000xf32, #tpu.memory_space<vmem>>, %arg13: memref<32x128xf32, #tpu.memory_space<vmem>>, %arg14: memref<32x128xf32, #tpu.memory_space<vmem>>, %arg15: memref<32x128xf32, #tpu.memory_space<vmem>>, %arg16: memref<32x128xf32, #tpu.memory_space<vmem>>, %arg17: memref<32xi32, #tpu.memory_space<vmem>>, %arg18: memref<32xi32, #tpu.memory_space<vmem>>, %arg19: memref<32xi32, #tpu.memory_space<vmem>>, %arg20: memref<32xi32, #tpu.memory_space<vmem>>, %arg21: memref<32xi32, #tpu.memory_space<vmem>>, %arg22: memref<32xi32, #tpu.memory_space<vmem>>, %arg23: memref<32xi32, #tpu.memory_space<vmem>>, %arg24: memref<32xi32, #tpu.memory_space<vmem>>, %arg25: memref<32xi32, #tpu.memory_space<vmem>>, %arg26: memref<32xi32, #tpu.memory_space<vmem>>, %arg27: memref<32xi32, #tpu.memory_space<vmem>>, %arg28: memref<32xi32, #tpu.memory_space<vmem>>, %arg29: memref<32xf32, #tpu.memory_space<vmem>>, %arg30: memref<80x128xf32, #tpu.memory_space<vmem>>, %arg31: memref<!tpu.dma_semaphore, #tpu.memory_space<semaphore_mem>>, %arg32: memref<!tpu.dma_semaphore, #tpu.memory_space<semaphore_mem>>, %arg33: memref<!tpu.dma_semaphore, #tpu.memory_space<semaphore_mem>>, %arg34: memref<!tpu.dma_semaphore, #tpu.memory_space<semaphore_mem>>, %arg35: memref<!tpu.dma_semaphore, #tpu.memory_space<semaphore_mem>>, %arg36: memref<!tpu.dma_semaphore, #tpu.memory_space<semaphore_mem>>, %arg37: memref<!tpu.dma_semaphore, #tpu.memory_space<semaphore_mem>>, %arg38: memref<!tpu.dma_semaphore, #tpu.memory_space<semaphore_mem>>, %arg39: memref<!tpu.dma_semaphore, #tpu.memory_space<semaphore_mem>>, %arg40: memref<!tpu.dma_semaphore, #tpu.memory_space<semaphore_mem>>, %arg41: memref<!tpu.dma_semaphore, #tpu.memory_space<semaphore_mem>>, %arg42: memref<!tpu.dma_semaphore, #tpu.memory_space<semaphore_mem>>) attributes {dimension_semantics = [#tpu.dimension_semantics<core_parallel>, #tpu.dimension_semantics<subcore_parallel>], iteration_bounds = array<i64: 2, 16>, scalar_prefetch = 0 : i64, scratch_operands = 34 : i64, tpu.core_type = #tpu.core_type<sc_vector_subcore>, window_params = [{transform_indices = #map}, {transform_indices = #map}, {transform_indices = #map}, {transform_indices = #map}, {transform_indices = #map1}, {transform_indices = #map2}, {transform_indices = #map2}]} {
    %mul3A = arith.constant 16 : i32
    %mul3A_0 = arith.muli %arg0, %mul3A : i32
    %add3A = arith.addi %mul3A_0, %arg1 : i32
    %broadcast_in_dim3A = arith.constant 0.000000e+00 : f32
    %broadcast_in_dim3A_1 = vector.broadcast %broadcast_in_dim3A : f32 to vector<16xf32>
    %scan3A = arith.constant 0 : i32
    %scan3A_2 = arith.constant 0 : i32
    %scan3A_3 = arith.constant 32 : i32
    %scan3A_4 = arith.addi %scan3A_2, %scan3A_3 : i32
    %scan3A_5 = arith.constant 1 : i32
    scf.for %scan3A_200 = %scan3A_2 to %scan3A_4 step %scan3A_5  : i32 {
      %swap3A_201 = arith.index_cast %scan3A_200 : i32 to index
      %swap3A_202 = arith.constant 0 : index
      %swap3A_203 = tpu.vector_load %arg13[%swap3A_201, %swap3A_202] {strides = array<i32>} : memref<32x128xf32, #tpu.memory_space<vmem>>, vector<16xf32>,
      tpu.vector_store %arg13[%swap3A_201, %swap3A_202], %broadcast_in_dim3A_1 {strides = array<i32>} : memref<32x128xf32, #tpu.memory_space<vmem>>, vector<16xf32>,
      %swap3A_204 = arith.index_cast %scan3A_200 : i32 to index
      %swap3A_205 = arith.constant 16 : index
      %swap3A_206 = tpu.vector_load %arg13[%swap3A_204, %swap3A_205] {strides = array<i32>} : memref<32x128xf32, #tpu.memory_space<vmem>>, vector<16xf32>,
      tpu.vector_store %arg13[%swap3A_204, %swap3A_205], %broadcast_in_dim3A_1 {strides = array<i32>} : memref<32x128xf32, #tpu.memory_space<vmem>>, vector<16xf32>,
      %swap3A_207 = arith.index_cast %scan3A_200 : i32 to index
      %swap3A_208 = arith.constant 32 : index
      %swap3A_209 = tpu.vector_load %arg13[%swap3A_207, %swap3A_208] {strides = array<i32>} : memref<32x128xf32, #tpu.memory_space<vmem>>, vector<16xf32>,
      tpu.vector_store %arg13[%swap3A_207, %swap3A_208], %broadcast_in_dim3A_1 {strides = array<i32>} : memref<32x128xf32, #tpu.memory_space<vmem>>, vector<16xf32>,
      %swap3A_210 = arith.index_cast %scan3A_200 : i32 to index
      %swap3A_211 = arith.constant 48 : index
      %swap3A_212 = tpu.vector_load %arg13[%swap3A_210, %swap3A_211] {strides = array<i32>} : memref<32x128xf32, #tpu.memory_space<vmem>>, vector<16xf32>,
      tpu.vector_store %arg13[%swap3A_210, %swap3A_211], %broadcast_in_dim3A_1 {strides = array<i32>} : memref<32x128xf32, #tpu.memory_space<vmem>>, vector<16xf32>,
      %swap3A_213 = arith.index_cast %scan3A_200 : i32 to index
      %swap3A_214 = arith.constant 64 : index
      %swap3A_215 = tpu.vector_load %arg13[%swap3A_213, %swap3A_214] {strides = array<i32>} : memref<32x128xf32, #tpu.memory_space<vmem>>, vector<16xf32>,
      tpu.vector_store %arg13[%swap3A_213, %swap3A_214], %broadcast_in_dim3A_1 {strides = array<i32>} : memref<32x128xf32, #tpu.memory_space<vmem>>, vector<16xf32>,
      %swap3A_216 = arith.index_cast %scan3A_200 : i32 to index
      %swap3A_217 = arith.constant 80 : index
      %swap3A_218 = tpu.vector_load %arg13[%swap3A_216, %swap3A_217] {strides = array<i32>} : memref<32x128xf32, #tpu.memory_space<vmem>>, vector<16xf32>,
      tpu.vector_store %arg13[%swap3A_216, %swap3A_217], %broadcast_in_dim3A_1 {strides = array<i32>} : memref<32x128xf32, #tpu.memory_space<vmem>>, vector<16xf32>,
      %swap3A_219 = arith.index_cast %scan3A_200 : i32 to index
      %swap3A_220 = arith.constant 96 : index
      %swap3A_221 = tpu.vector_load %arg13[%swap3A_219, %swap3A_220] {strides = array<i32>} : memref<32x128xf32, #tpu.memory_space<vmem>>, vector<16xf32>,
      tpu.vector_store %arg13[%swap3A_219, %swap3A_220], %broadcast_in_dim3A_1 {strides = array<i32>} : memref<32x128xf32, #tpu.memory_space<vmem>>, vector<16xf32>,
      %swap3A_222 = arith.index_cast %scan3A_200 : i32 to index
      %swap3A_223 = arith.constant 112 : index
      %swap3A_224 = tpu.vector_load %arg13[%swap3A_222, %swap3A_223] {strides = array<i32>} : memref<32x128xf32, #tpu.memory_space<vmem>>, vector<16xf32>,
      tpu.vector_store %arg13[%swap3A_222, %swap3A_223], %broadcast_in_dim3A_1 {strides = array<i32>} : memref<32x128xf32, #tpu.memory_space<vmem>>, vector<16xf32>,
    }
    %scan3A_6 = arith.constant 32 : i32
    %scan3A_7 = arith.constant 0 : i32
    %scan3A_8 = arith.constant 0 : i32
    %scan3A_9 = arith.constant 80 : i32
    %scan3A_10 = arith.addi %scan3A_8, %scan3A_9 : i32
    %scan3A_11 = arith.constant 1 : i32
    scf.for %scan3A_200 = %scan3A_8 to %scan3A_10 step %scan3A_11  : i32 {
      %swap3A_201 = arith.index_cast %scan3A_200 : i32 to index
      %swap3A_202 = arith.constant 0 : index
      %swap3A_203 = tpu.vector_load %arg30[%swap3A_201, %swap3A_202] {strides = array<i32>} : memref<80x128xf32, #tpu.memory_space<vmem>>, vector<16xf32>,
      tpu.vector_store %arg30[%swap3A_201, %swap3A_202], %broadcast_in_dim3A_1 {strides = array<i32>} : memref<80x128xf32, #tpu.memory_space<vmem>>, vector<16xf32>,
      %swap3A_204 = arith.index_cast %scan3A_200 : i32 to index
      %swap3A_205 = arith.constant 16 : index
      %swap3A_206 = tpu.vector_load %arg30[%swap3A_204, %swap3A_205] {strides = array<i32>} : memref<80x128xf32, #tpu.memory_space<vmem>>, vector<16xf32>,
      tpu.vector_store %arg30[%swap3A_204, %swap3A_205], %broadcast_in_dim3A_1 {strides = array<i32>} : memref<80x128xf32, #tpu.memory_space<vmem>>, vector<16xf32>,
      %swap3A_207 = arith.index_cast %scan3A_200 : i32 to index
      %swap3A_208 = arith.constant 32 : index
      %swap3A_209 = tpu.vector_load %arg30[%swap3A_207, %swap3A_208] {strides = array<i32>} : memref<80x128xf32, #tpu.memory_space<vmem>>, vector<16xf32>,
      tpu.vector_store %arg30[%swap3A_207, %swap3A_208], %broadcast_in_dim3A_1 {strides = array<i32>} : memref<80x128xf32, #tpu.memory_space<vmem>>, vector<16xf32>,
      %swap3A_210 = arith.index_cast %scan3A_200 : i32 to index
      %swap3A_211 = arith.constant 48 : index
      %swap3A_212 = tpu.vector_load %arg30[%swap3A_210, %swap3A_211] {strides = array<i32>} : memref<80x128xf32, #tpu.memory_space<vmem>>, vector<16xf32>,
      tpu.vector_store %arg30[%swap3A_210, %swap3A_211], %broadcast_in_dim3A_1 {strides = array<i32>} : memref<80x128xf32, #tpu.memory_space<vmem>>, vector<16xf32>,
      %swap3A_213 = arith.index_cast %scan3A_200 : i32 to index
      %swap3A_214 = arith.constant 64 : index
      %swap3A_215 = tpu.vector_load %arg30[%swap3A_213, %swap3A_214] {strides = array<i32>} : memref<80x128xf32, #tpu.memory_space<vmem>>, vector<16xf32>,
      tpu.vector_store %arg30[%swap3A_213, %swap3A_214], %broadcast_in_dim3A_1 {strides = array<i32>} : memref<80x128xf32, #tpu.memory_space<vmem>>, vector<16xf32>,
      %swap3A_216 = arith.index_cast %scan3A_200 : i32 to index
      %swap3A_217 = arith.constant 80 : index
      %swap3A_218 = tpu.vector_load %arg30[%swap3A_216, %swap3A_217] {strides = array<i32>} : memref<80x128xf32, #tpu.memory_space<vmem>>, vector<16xf32>,
      tpu.vector_store %arg30[%swap3A_216, %swap3A_217], %broadcast_in_dim3A_1 {strides = array<i32>} : memref<80x128xf32, #tpu.memory_space<vmem>>, vector<16xf32>,
      %swap3A_219 = arith.index_cast %scan3A_200 : i32 to index
      %swap3A_220 = arith.constant 96 : index
      %swap3A_221 = tpu.vector_load %arg30[%swap3A_219, %swap3A_220] {strides = array<i32>} : memref<80x128xf32, #tpu.memory_space<vmem>>, vector<16xf32>,
      tpu.vector_store %arg30[%swap3A_219, %swap3A_220], %broadcast_in_dim3A_1 {strides = array<i32>} : memref<80x128xf32, #tpu.memory_space<vmem>>, vector<16xf32>,
      %swap3A_222 = arith.index_cast %scan3A_200 : i32 to index
      %swap3A_223 = arith.constant 112 : index
      %swap3A_224 = tpu.vector_load %arg30[%swap3A_222, %swap3A_223] {strides = array<i32>} : memref<80x128xf32, #tpu.memory_space<vmem>>, vector<16xf32>,
      tpu.vector_store %arg30[%swap3A_222, %swap3A_223], %broadcast_in_dim3A_1 {strides = array<i32>} : memref<80x128xf32, #tpu.memory_space<vmem>>, vector<16xf32>,
    }
    %scan3A_12 = arith.constant 80 : i32
    %mul3A_13 = arith.constant 640 : i32
    %mul3A_14 = arith.muli %arg1, %mul3A_13 : i32
    %add3A_15 = arith.constant 0 : i32
    %add3A_16 = arith.addi %mul3A_14, %add3A_15 : i32
    "tpu.region"() ({
      %run_scoped3A = tpu.sem_alloc : memref<!tpu.dma_semaphore, #tpu.memory_space<semaphore_mem>>
      %dma_start3A_200 = arith.constant 0 : i32
      %dma_start3A_201 = tpu.memref_slice %arg9[%add3A_16, %dma_start3A_200] : memref<10240x128xf32, #tpu.memory_space<vmem_shared>> -> memref<32x128xf32, #tpu.memory_space<vmem_shared>>
      %dma_start3A_202 = arith.constant 0 : i32
      %dma_start3A_203 = tpu.memref_slice %arg9[%add3A_16, %dma_start3A_202] : memref<10240x128xf32, #tpu.memory_space<vmem_shared>> -> memref<32x128xf32, #tpu.memory_space<vmem_shared>>
      tpu.enqueue_dma source(%arg13 : memref<32x128xf32, #tpu.memory_space<vmem>>) target(%dma_start3A_203 : memref<32x128xf32, #tpu.memory_space<vmem_shared>>) target_semaphore(%run_scoped3A : memref<!tpu.dma_semaphore, #tpu.memory_space<semaphore_mem>>)
      %dma_wait3A_204 = arith.constant 0 : i32
      %dma_wait3A_205 = tpu.memref_slice %arg9[%add3A_16, %dma_wait3A_204] : memref<10240x128xf32, #tpu.memory_space<vmem_shared>> -> memref<32x128xf32, #tpu.memory_space<vmem_shared>>
      %dma_wait3A_206 = arith.constant 0 : i32
      %dma_wait3A_207 = tpu.memref_slice %arg9[%add3A_16, %dma_wait3A_206] : memref<10240x128xf32, #tpu.memory_space<vmem_shared>> -> memref<32x128xf32, #tpu.memory_space<vmem_shared>>
      tpu.wait_dma2 semaphore(%run_scoped3A : memref<!tpu.dma_semaphore, #tpu.memory_space<semaphore_mem>>) src(%arg13 : memref<32x128xf32, #tpu.memory_space<vmem>>) dst(%dma_wait3A_207 : memref<32x128xf32, #tpu.memory_space<vmem_shared>>)
      tpu.yield
    }) : () -> ()
    %mul3A_17 = arith.constant 640 : i32
    %mul3A_18 = arith.muli %arg1, %mul3A_17 : i32
    %add3A_19 = arith.constant 32 : i32
    %add3A_20 = arith.addi %mul3A_18, %add3A_19 : i32
    "tpu.region"() ({
      %run_scoped3A = tpu.sem_alloc : memref<!tpu.dma_semaphore, #tpu.memory_space<semaphore_mem>>
      %dma_start3A_200 = arith.constant 0 : i32
      %dma_start3A_201 = tpu.memref_slice %arg9[%add3A_20, %dma_start3A_200] : memref<10240x128xf32, #tpu.memory_space<vmem_shared>> -> memref<32x128xf32, #tpu.memory_space<vmem_shared>>
      %dma_start3A_202 = arith.constant 0 : i32
      %dma_start3A_203 = tpu.memref_slice %arg9[%add3A_20, %dma_start3A_202] : memref<10240x128xf32, #tpu.memory_space<vmem_shared>> -> memref<32x128xf32, #tpu.memory_space<vmem_shared>>
      tpu.enqueue_dma source(%arg13 : memref<32x128xf32, #tpu.memory_space<vmem>>) target(%dma_start3A_203 : memref<32x128xf32, #tpu.memory_space<vmem_shared>>) target_semaphore(%run_scoped3A : memref<!tpu.dma_semaphore, #tpu.memory_space<semaphore_mem>>)
      %dma_wait3A_204 = arith.constant 0 : i32
      %dma_wait3A_205 = tpu.memref_slice %arg9[%add3A_20, %dma_wait3A_204] : memref<10240x128xf32, #tpu.memory_space<vmem_shared>> -> memref<32x128xf32, #tpu.memory_space<vmem_shared>>
      %dma_wait3A_206 = arith.constant 0 : i32
      %dma_wait3A_207 = tpu.memref_slice %arg9[%add3A_20, %dma_wait3A_206] : memref<10240x128xf32, #tpu.memory_space<vmem_shared>> -> memref<32x128xf32, #tpu.memory_space<vmem_shared>>
      tpu.wait_dma2 semaphore(%run_scoped3A : memref<!tpu.dma_semaphore, #tpu.memory_space<semaphore_mem>>) src(%arg13 : memref<32x128xf32, #tpu.memory_space<vmem>>) dst(%dma_wait3A_207 : memref<32x128xf32, #tpu.memory_space<vmem_shared>>)
      tpu.yield
    }) : () -> ()
    %mul3A_21 = arith.constant 640 : i32
    %mul3A_22 = arith.muli %arg1, %mul3A_21 : i32
    %add3A_23 = arith.constant 64 : i32
    %add3A_24 = arith.addi %mul3A_22, %add3A_23 : i32
    "tpu.region"() ({
      %run_scoped3A = tpu.sem_alloc : memref<!tpu.dma_semaphore, #tpu.memory_space<semaphore_mem>>
      %dma_start3A_200 = arith.constant 0 : i32
      %dma_start3A_201 = tpu.memref_slice %arg9[%add3A_24, %dma_start3A_200] : memref<10240x128xf32, #tpu.memory_space<vmem_shared>> -> memref<32x128xf32, #tpu.memory_space<vmem_shared>>
      %dma_start3A_202 = arith.constant 0 : i32
      %dma_start3A_203 = tpu.memref_slice %arg9[%add3A_24, %dma_start3A_202] : memref<10240x128xf32, #tpu.memory_space<vmem_shared>> -> memref<32x128xf32, #tpu.memory_space<vmem_shared>>
      tpu.enqueue_dma source(%arg13 : memref<32x128xf32, #tpu.memory_space<vmem>>) target(%dma_start3A_203 : memref<32x128xf32, #tpu.memory_space<vmem_shared>>) target_semaphore(%run_scoped3A : memref<!tpu.dma_semaphore, #tpu.memory_space<semaphore_mem>>)
      %dma_wait3A_204 = arith.constant 0 : i32
      %dma_wait3A_205 = tpu.memref_slice %arg9[%add3A_24, %dma_wait3A_204] : memref<10240x128xf32, #tpu.memory_space<vmem_shared>> -> memref<32x128xf32, #tpu.memory_space<vmem_shared>>
      %dma_wait3A_206 = arith.constant 0 : i32
      %dma_wait3A_207 = tpu.memref_slice %arg9[%add3A_24, %dma_wait3A_206] : memref<10240x128xf32, #tpu.memory_space<vmem_shared>> -> memref<32x128xf32, #tpu.memory_space<vmem_shared>>
      tpu.wait_dma2 semaphore(%run_scoped3A : memref<!tpu.dma_semaphore, #tpu.memory_space<semaphore_mem>>) src(%arg13 : memref<32x128xf32, #tpu.memory_space<vmem>>) dst(%dma_wait3A_207 : memref<32x128xf32, #tpu.memory_space<vmem_shared>>)
      tpu.yield
    }) : () -> ()
    %mul3A_25 = arith.constant 640 : i32
    %mul3A_26 = arith.muli %arg1, %mul3A_25 : i32
    %add3A_27 = arith.constant 96 : i32
    %add3A_28 = arith.addi %mul3A_26, %add3A_27 : i32
    "tpu.region"() ({
      %run_scoped3A = tpu.sem_alloc : memref<!tpu.dma_semaphore, #tpu.memory_space<semaphore_mem>>
      %dma_start3A_200 = arith.constant 0 : i32
      %dma_start3A_201 = tpu.memref_slice %arg9[%add3A_28, %dma_start3A_200] : memref<10240x128xf32, #tpu.memory_space<vmem_shared>> -> memref<32x128xf32, #tpu.memory_space<vmem_shared>>
      %dma_start3A_202 = arith.constant 0 : i32
      %dma_start3A_203 = tpu.memref_slice %arg9[%add3A_28, %dma_start3A_202] : memref<10240x128xf32, #tpu.memory_space<vmem_shared>> -> memref<32x128xf32, #tpu.memory_space<vmem_shared>>
      tpu.enqueue_dma source(%arg13 : memref<32x128xf32, #tpu.memory_space<vmem>>) target(%dma_start3A_203 : memref<32x128xf32, #tpu.memory_space<vmem_shared>>) target_semaphore(%run_scoped3A : memref<!tpu.dma_semaphore, #tpu.memory_space<semaphore_mem>>)
      %dma_wait3A_204 = arith.constant 0 : i32
      %dma_wait3A_205 = tpu.memref_slice %arg9[%add3A_28, %dma_wait3A_204] : memref<10240x128xf32, #tpu.memory_space<vmem_shared>> -> memref<32x128xf32, #tpu.memory_space<vmem_shared>>
      %dma_wait3A_206 = arith.constant 0 : i32
      %dma_wait3A_207 = tpu.memref_slice %arg9[%add3A_28, %dma_wait3A_206] : memref<10240x128xf32, #tpu.memory_space<vmem_shared>> -> memref<32x128xf32, #tpu.memory_space<vmem_shared>>
      tpu.wait_dma2 semaphore(%run_scoped3A : memref<!tpu.dma_semaphore, #tpu.memory_space<semaphore_mem>>) src(%arg13 : memref<32x128xf32, #tpu.memory_space<vmem>>) dst(%dma_wait3A_207 : memref<32x128xf32, #tpu.memory_space<vmem_shared>>)
      tpu.yield
    }) : () -> ()
    %mul3A_29 = arith.constant 640 : i32
    %mul3A_30 = arith.muli %arg1, %mul3A_29 : i32
    %add3A_31 = arith.constant 128 : i32
    %add3A_32 = arith.addi %mul3A_30, %add3A_31 : i32
    "tpu.region"() ({
      %run_scoped3A = tpu.sem_alloc : memref<!tpu.dma_semaphore, #tpu.memory_space<semaphore_mem>>
      %dma_start3A_200 = arith.constant 0 : i32
      %dma_start3A_201 = tpu.memref_slice %arg9[%add3A_32, %dma_start3A_200] : memref<10240x128xf32, #tpu.memory_space<vmem_shared>> -> memref<32x128xf32, #tpu.memory_space<vmem_shared>>
      %dma_start3A_202 = arith.constant 0 : i32
      %dma_start3A_203 = tpu.memref_slice %arg9[%add3A_32, %dma_start3A_202] : memref<10240x128xf32, #tpu.memory_space<vmem_shared>> -> memref<32x128xf32, #tpu.memory_space<vmem_shared>>
      tpu.enqueue_dma source(%arg13 : memref<32x128xf32, #tpu.memory_space<vmem>>) target(%dma_start3A_203 : memref<32x128xf32, #tpu.memory_space<vmem_shared>>) target_semaphore(%run_scoped3A : memref<!tpu.dma_semaphore, #tpu.memory_space<semaphore_mem>>)
      %dma_wait3A_204 = arith.constant 0 : i32
      %dma_wait3A_205 = tpu.memref_slice %arg9[%add3A_32, %dma_wait3A_204] : memref<10240x128xf32, #tpu.memory_space<vmem_shared>> -> memref<32x128xf32, #tpu.memory_space<vmem_shared>>
      %dma_wait3A_206 = arith.constant 0 : i32
      %dma_wait3A_207 = tpu.memref_slice %arg9[%add3A_32, %dma_wait3A_206] : memref<10240x128xf32, #tpu.memory_space<vmem_shared>> -> memref<32x128xf32, #tpu.memory_space<vmem_shared>>
      tpu.wait_dma2 semaphore(%run_scoped3A : memref<!tpu.dma_semaphore, #tpu.memory_space<semaphore_mem>>) src(%arg13 : memref<32x128xf32, #tpu.memory_space<vmem>>) dst(%dma_wait3A_207 : memref<32x128xf32, #tpu.memory_space<vmem_shared>>)
      tpu.yield
    }) : () -> ()
    %mul3A_33 = arith.constant 640 : i32
    %mul3A_34 = arith.muli %arg1, %mul3A_33 : i32
    %add3A_35 = arith.constant 160 : i32
    %add3A_36 = arith.addi %mul3A_34, %add3A_35 : i32
    "tpu.region"() ({
      %run_scoped3A = tpu.sem_alloc : memref<!tpu.dma_semaphore, #tpu.memory_space<semaphore_mem>>
      %dma_start3A_200 = arith.constant 0 : i32
      %dma_start3A_201 = tpu.memref_slice %arg9[%add3A_36, %dma_start3A_200] : memref<10240x128xf32, #tpu.memory_space<vmem_shared>> -> memref<32x128xf32, #tpu.memory_space<vmem_shared>>
      %dma_start3A_202 = arith.constant 0 : i32
      %dma_start3A_203 = tpu.memref_slice %arg9[%add3A_36, %dma_start3A_202] : memref<10240x128xf32, #tpu.memory_space<vmem_shared>> -> memref<32x128xf32, #tpu.memory_space<vmem_shared>>
      tpu.enqueue_dma source(%arg13 : memref<32x128xf32, #tpu.memory_space<vmem>>) target(%dma_start3A_203 : memref<32x128xf32, #tpu.memory_space<vmem_shared>>) target_semaphore(%run_scoped3A : memref<!tpu.dma_semaphore, #tpu.memory_space<semaphore_mem>>)
      %dma_wait3A_204 = arith.constant 0 : i32
      %dma_wait3A_205 = tpu.memref_slice %arg9[%add3A_36, %dma_wait3A_204] : memref<10240x128xf32, #tpu.memory_space<vmem_shared>> -> memref<32x128xf32, #tpu.memory_space<vmem_shared>>
      %dma_wait3A_206 = arith.constant 0 : i32
      %dma_wait3A_207 = tpu.memref_slice %arg9[%add3A_36, %dma_wait3A_206] : memref<10240x128xf32, #tpu.memory_space<vmem_shared>> -> memref<32x128xf32, #tpu.memory_space<vmem_shared>>
      tpu.wait_dma2 semaphore(%run_scoped3A : memref<!tpu.dma_semaphore, #tpu.memory_space<semaphore_mem>>) src(%arg13 : memref<32x128xf32, #tpu.memory_space<vmem>>) dst(%dma_wait3A_207 : memref<32x128xf32, #tpu.memory_space<vmem_shared>>)
      tpu.yield
    }) : () -> ()
    %mul3A_37 = arith.constant 640 : i32
    %mul3A_38 = arith.muli %arg1, %mul3A_37 : i32
    %add3A_39 = arith.constant 192 : i32
    %add3A_40 = arith.addi %mul3A_38, %add3A_39 : i32
    "tpu.region"() ({
      %run_scoped3A = tpu.sem_alloc : memref<!tpu.dma_semaphore, #tpu.memory_space<semaphore_mem>>
      %dma_start3A_200 = arith.constant 0 : i32
      %dma_start3A_201 = tpu.memref_slice %arg9[%add3A_40, %dma_start3A_200] : memref<10240x128xf32, #tpu.memory_space<vmem_shared>> -> memref<32x128xf32, #tpu.memory_space<vmem_shared>>
      %dma_start3A_202 = arith.constant 0 : i32
      %dma_start3A_203 = tpu.memref_slice %arg9[%add3A_40, %dma_start3A_202] : memref<10240x128xf32, #tpu.memory_space<vmem_shared>> -> memref<32x128xf32, #tpu.memory_space<vmem_shared>>
      tpu.enqueue_dma source(%arg13 : memref<32x128xf32, #tpu.memory_space<vmem>>) target(%dma_start3A_203 : memref<32x128xf32, #tpu.memory_space<vmem_shared>>) target_semaphore(%run_scoped3A : memref<!tpu.dma_semaphore, #tpu.memory_space<semaphore_mem>>)
      %dma_wait3A_204 = arith.constant 0 : i32
      %dma_wait3A_205 = tpu.memref_slice %arg9[%add3A_40, %dma_wait3A_204] : memref<10240x128xf32, #tpu.memory_space<vmem_shared>> -> memref<32x128xf32, #tpu.memory_space<vmem_shared>>
      %dma_wait3A_206 = arith.constant 0 : i32
      %dma_wait3A_207 = tpu.memref_slice %arg9[%add3A_40, %dma_wait3A_206] : memref<10240x128xf32, #tpu.memory_space<vmem_shared>> -> memref<32x128xf32, #tpu.memory_space<vmem_shared>>
      tpu.wait_dma2 semaphore(%run_scoped3A : memref<!tpu.dma_semaphore, #tpu.memory_space<semaphore_mem>>) src(%arg13 : memref<32x128xf32, #tpu.memory_space<vmem>>) dst(%dma_wait3A_207 : memref<32x128xf32, #tpu.memory_space<vmem_shared>>)
      tpu.yield
    }) : () -> ()
    %mul3A_41 = arith.constant 640 : i32
    %mul3A_42 = arith.muli %arg1, %mul3A_41 : i32
    %add3A_43 = arith.constant 224 : i32
    %add3A_44 = arith.addi %mul3A_42, %add3A_43 : i32
    "tpu.region"() ({
      %run_scoped3A = tpu.sem_alloc : memref<!tpu.dma_semaphore, #tpu.memory_space<semaphore_mem>>
      %dma_start3A_200 = arith.constant 0 : i32
      %dma_start3A_201 = tpu.memref_slice %arg9[%add3A_44, %dma_start3A_200] : memref<10240x128xf32, #tpu.memory_space<vmem_shared>> -> memref<32x128xf32, #tpu.memory_space<vmem_shared>>
      %dma_start3A_202 = arith.constant 0 : i32
      %dma_start3A_203 = tpu.memref_slice %arg9[%add3A_44, %dma_start3A_202] : memref<10240x128xf32, #tpu.memory_space<vmem_shared>> -> memref<32x128xf32, #tpu.memory_space<vmem_shared>>
      tpu.enqueue_dma source(%arg13 : memref<32x128xf32, #tpu.memory_space<vmem>>) target(%dma_start3A_203 : memref<32x128xf32, #tpu.memory_space<vmem_shared>>) target_semaphore(%run_scoped3A : memref<!tpu.dma_semaphore, #tpu.memory_space<semaphore_mem>>)
      %dma_wait3A_204 = arith.constant 0 : i32
      %dma_wait3A_205 = tpu.memref_slice %arg9[%add3A_44, %dma_wait3A_204] : memref<10240x128xf32, #tpu.memory_space<vmem_shared>> -> memref<32x128xf32, #tpu.memory_space<vmem_shared>>
      %dma_wait3A_206 = arith.constant 0 : i32
      %dma_wait3A_207 = tpu.memref_slice %arg9[%add3A_44, %dma_wait3A_206] : memref<10240x128xf32, #tpu.memory_space<vmem_shared>> -> memref<32x128xf32, #tpu.memory_space<vmem_shared>>
      tpu.wait_dma2 semaphore(%run_scoped3A : memref<!tpu.dma_semaphore, #tpu.memory_space<semaphore_mem>>) src(%arg13 : memref<32x128xf32, #tpu.memory_space<vmem>>) dst(%dma_wait3A_207 : memref<32x128xf32, #tpu.memory_space<vmem_shared>>)
      tpu.yield
    }) : () -> ()
    %mul3A_45 = arith.constant 640 : i32
    %mul3A_46 = arith.muli %arg1, %mul3A_45 : i32
    %add3A_47 = arith.constant 256 : i32
    %add3A_48 = arith.addi %mul3A_46, %add3A_47 : i32
    "tpu.region"() ({
      %run_scoped3A = tpu.sem_alloc : memref<!tpu.dma_semaphore, #tpu.memory_space<semaphore_mem>>
      %dma_start3A_200 = arith.constant 0 : i32
      %dma_start3A_201 = tpu.memref_slice %arg9[%add3A_48, %dma_start3A_200] : memref<10240x128xf32, #tpu.memory_space<vmem_shared>> -> memref<32x128xf32, #tpu.memory_space<vmem_shared>>
      %dma_start3A_202 = arith.constant 0 : i32
      %dma_start3A_203 = tpu.memref_slice %arg9[%add3A_48, %dma_start3A_202] : memref<10240x128xf32, #tpu.memory_space<vmem_shared>> -> memref<32x128xf32, #tpu.memory_space<vmem_shared>>
      tpu.enqueue_dma source(%arg13 : memref<32x128xf32, #tpu.memory_space<vmem>>) target(%dma_start3A_203 : memref<32x128xf32, #tpu.memory_space<vmem_shared>>) target_semaphore(%run_scoped3A : memref<!tpu.dma_semaphore, #tpu.memory_space<semaphore_mem>>)
      %dma_wait3A_204 = arith.constant 0 : i32
      %dma_wait3A_205 = tpu.memref_slice %arg9[%add3A_48, %dma_wait3A_204] : memref<10240x128xf32, #tpu.memory_space<vmem_shared>> -> memref<32x128xf32, #tpu.memory_space<vmem_shared>>
      %dma_wait3A_206 = arith.constant 0 : i32
      %dma_wait3A_207 = tpu.memref_slice %arg9[%add3A_48, %dma_wait3A_206] : memref<10240x128xf32, #tpu.memory_space<vmem_shared>> -> memref<32x128xf32, #tpu.memory_space<vmem_shared>>
      tpu.wait_dma2 semaphore(%run_scoped3A : memref<!tpu.dma_semaphore, #tpu.memory_space<semaphore_mem>>) src(%arg13 : memref<32x128xf32, #tpu.memory_space<vmem>>) dst(%dma_wait3A_207 : memref<32x128xf32, #tpu.memory_space<vmem_shared>>)
      tpu.yield
    }) : () -> ()
    %mul3A_49 = arith.constant 640 : i32
    %mul3A_50 = arith.muli %arg1, %mul3A_49 : i32
    %add3A_51 = arith.constant 288 : i32
    %add3A_52 = arith.addi %mul3A_50, %add3A_51 : i32
    "tpu.region"() ({
      %run_scoped3A = tpu.sem_alloc : memref<!tpu.dma_semaphore, #tpu.memory_space<semaphore_mem>>
      %dma_start3A_200 = arith.constant 0 : i32
      %dma_start3A_201 = tpu.memref_slice %arg9[%add3A_52, %dma_start3A_200] : memref<10240x128xf32, #tpu.memory_space<vmem_shared>> -> memref<32x128xf32, #tpu.memory_space<vmem_shared>>
      %dma_start3A_202 = arith.constant 0 : i32
      %dma_start3A_203 = tpu.memref_slice %arg9[%add3A_52, %dma_start3A_202] : memref<10240x128xf32, #tpu.memory_space<vmem_shared>> -> memref<32x128xf32, #tpu.memory_space<vmem_shared>>
      tpu.enqueue_dma source(%arg13 : memref<32x128xf32, #tpu.memory_space<vmem>>) target(%dma_start3A_203 : memref<32x128xf32, #tpu.memory_space<vmem_shared>>) target_semaphore(%run_scoped3A : memref<!tpu.dma_semaphore, #tpu.memory_space<semaphore_mem>>)
      %dma_wait3A_204 = arith.constant 0 : i32
      %dma_wait3A_205 = tpu.memref_slice %arg9[%add3A_52, %dma_wait3A_204] : memref<10240x128xf32, #tpu.memory_space<vmem_shared>> -> memref<32x128xf32, #tpu.memory_space<vmem_shared>>
      %dma_wait3A_206 = arith.constant 0 : i32
      %dma_wait3A_207 = tpu.memref_slice %arg9[%add3A_52, %dma_wait3A_206] : memref<10240x128xf32, #tpu.memory_space<vmem_shared>> -> memref<32x128xf32, #tpu.memory_space<vmem_shared>>
      tpu.wait_dma2 semaphore(%run_scoped3A : memref<!tpu.dma_semaphore, #tpu.memory_space<semaphore_mem>>) src(%arg13 : memref<32x128xf32, #tpu.memory_space<vmem>>) dst(%dma_wait3A_207 : memref<32x128xf32, #tpu.memory_space<vmem_shared>>)
      tpu.yield
    }) : () -> ()
    %mul3A_53 = arith.constant 640 : i32
    %mul3A_54 = arith.muli %arg1, %mul3A_53 : i32
    %add3A_55 = arith.constant 320 : i32
    %add3A_56 = arith.addi %mul3A_54, %add3A_55 : i32
    "tpu.region"() ({
      %run_scoped3A = tpu.sem_alloc : memref<!tpu.dma_semaphore, #tpu.memory_space<semaphore_mem>>
      %dma_start3A_200 = arith.constant 0 : i32
      %dma_start3A_201 = tpu.memref_slice %arg9[%add3A_56, %dma_start3A_200] : memref<10240x128xf32, #tpu.memory_space<vmem_shared>> -> memref<32x128xf32, #tpu.memory_space<vmem_shared>>
      %dma_start3A_202 = arith.constant 0 : i32
      %dma_start3A_203 = tpu.memref_slice %arg9[%add3A_56, %dma_start3A_202] : memref<10240x128xf32, #tpu.memory_space<vmem_shared>> -> memref<32x128xf32, #tpu.memory_space<vmem_shared>>
      tpu.enqueue_dma source(%arg13 : memref<32x128xf32, #tpu.memory_space<vmem>>) target(%dma_start3A_203 : memref<32x128xf32, #tpu.memory_space<vmem_shared>>) target_semaphore(%run_scoped3A : memref<!tpu.dma_semaphore, #tpu.memory_space<semaphore_mem>>)
      %dma_wait3A_204 = arith.constant 0 : i32
      %dma_wait3A_205 = tpu.memref_slice %arg9[%add3A_56, %dma_wait3A_204] : memref<10240x128xf32, #tpu.memory_space<vmem_shared>> -> memref<32x128xf32, #tpu.memory_space<vmem_shared>>
      %dma_wait3A_206 = arith.constant 0 : i32
      %dma_wait3A_207 = tpu.memref_slice %arg9[%add3A_56, %dma_wait3A_206] : memref<10240x128xf32, #tpu.memory_space<vmem_shared>> -> memref<32x128xf32, #tpu.memory_space<vmem_shared>>
      tpu.wait_dma2 semaphore(%run_scoped3A : memref<!tpu.dma_semaphore, #tpu.memory_space<semaphore_mem>>) src(%arg13 : memref<32x128xf32, #tpu.memory_space<vmem>>) dst(%dma_wait3A_207 : memref<32x128xf32, #tpu.memory_space<vmem_shared>>)
      tpu.yield
    }) : () -> ()
    %mul3A_57 = arith.constant 640 : i32
    %mul3A_58 = arith.muli %arg1, %mul3A_57 : i32
    %add3A_59 = arith.constant 352 : i32
    %add3A_60 = arith.addi %mul3A_58, %add3A_59 : i32
    "tpu.region"() ({
      %run_scoped3A = tpu.sem_alloc : memref<!tpu.dma_semaphore, #tpu.memory_space<semaphore_mem>>
      %dma_start3A_200 = arith.constant 0 : i32
      %dma_start3A_201 = tpu.memref_slice %arg9[%add3A_60, %dma_start3A_200] : memref<10240x128xf32, #tpu.memory_space<vmem_shared>> -> memref<32x128xf32, #tpu.memory_space<vmem_shared>>
      %dma_start3A_202 = arith.constant 0 : i32
      %dma_start3A_203 = tpu.memref_slice %arg9[%add3A_60, %dma_start3A_202] : memref<10240x128xf32, #tpu.memory_space<vmem_shared>> -> memref<32x128xf32, #tpu.memory_space<vmem_shared>>
      tpu.enqueue_dma source(%arg13 : memref<32x128xf32, #tpu.memory_space<vmem>>) target(%dma_start3A_203 : memref<32x128xf32, #tpu.memory_space<vmem_shared>>) target_semaphore(%run_scoped3A : memref<!tpu.dma_semaphore, #tpu.memory_space<semaphore_mem>>)
      %dma_wait3A_204 = arith.constant 0 : i32
      %dma_wait3A_205 = tpu.memref_slice %arg9[%add3A_60, %dma_wait3A_204] : memref<10240x128xf32, #tpu.memory_space<vmem_shared>> -> memref<32x128xf32, #tpu.memory_space<vmem_shared>>
      %dma_wait3A_206 = arith.constant 0 : i32
      %dma_wait3A_207 = tpu.memref_slice %arg9[%add3A_60, %dma_wait3A_206] : memref<10240x128xf32, #tpu.memory_space<vmem_shared>> -> memref<32x128xf32, #tpu.memory_space<vmem_shared>>
      tpu.wait_dma2 semaphore(%run_scoped3A : memref<!tpu.dma_semaphore, #tpu.memory_space<semaphore_mem>>) src(%arg13 : memref<32x128xf32, #tpu.memory_space<vmem>>) dst(%dma_wait3A_207 : memref<32x128xf32, #tpu.memory_space<vmem_shared>>)
      tpu.yield
    }) : () -> ()
    %mul3A_61 = arith.constant 640 : i32
    %mul3A_62 = arith.muli %arg1, %mul3A_61 : i32
    %add3A_63 = arith.constant 384 : i32
    %add3A_64 = arith.addi %mul3A_62, %add3A_63 : i32
    "tpu.region"() ({
      %run_scoped3A = tpu.sem_alloc : memref<!tpu.dma_semaphore, #tpu.memory_space<semaphore_mem>>
      %dma_start3A_200 = arith.constant 0 : i32
      %dma_start3A_201 = tpu.memref_slice %arg9[%add3A_64, %dma_start3A_200] : memref<10240x128xf32, #tpu.memory_space<vmem_shared>> -> memref<32x128xf32, #tpu.memory_space<vmem_shared>>
      %dma_start3A_202 = arith.constant 0 : i32
      %dma_start3A_203 = tpu.memref_slice %arg9[%add3A_64, %dma_start3A_202] : memref<10240x128xf32, #tpu.memory_space<vmem_shared>> -> memref<32x128xf32, #tpu.memory_space<vmem_shared>>
      tpu.enqueue_dma source(%arg13 : memref<32x128xf32, #tpu.memory_space<vmem>>) target(%dma_start3A_203 : memref<32x128xf32, #tpu.memory_space<vmem_shared>>) target_semaphore(%run_scoped3A : memref<!tpu.dma_semaphore, #tpu.memory_space<semaphore_mem>>)
      %dma_wait3A_204 = arith.constant 0 : i32
      %dma_wait3A_205 = tpu.memref_slice %arg9[%add3A_64, %dma_wait3A_204] : memref<10240x128xf32, #tpu.memory_space<vmem_shared>> -> memref<32x128xf32, #tpu.memory_space<vmem_shared>>
      %dma_wait3A_206 = arith.constant 0 : i32
      %dma_wait3A_207 = tpu.memref_slice %arg9[%add3A_64, %dma_wait3A_206] : memref<10240x128xf32, #tpu.memory_space<vmem_shared>> -> memref<32x128xf32, #tpu.memory_space<vmem_shared>>
      tpu.wait_dma2 semaphore(%run_scoped3A : memref<!tpu.dma_semaphore, #tpu.memory_space<semaphore_mem>>) src(%arg13 : memref<32x128xf32, #tpu.memory_space<vmem>>) dst(%dma_wait3A_207 : memref<32x128xf32, #tpu.memory_space<vmem_shared>>)
      tpu.yield
    }) : () -> ()
    %mul3A_65 = arith.constant 640 : i32
    %mul3A_66 = arith.muli %arg1, %mul3A_65 : i32
    %add3A_67 = arith.constant 416 : i32
    %add3A_68 = arith.addi %mul3A_66, %add3A_67 : i32
    "tpu.region"() ({
      %run_scoped3A = tpu.sem_alloc : memref<!tpu.dma_semaphore, #tpu.memory_space<semaphore_mem>>
      %dma_start3A_200 = arith.constant 0 : i32
      %dma_start3A_201 = tpu.memref_slice %arg9[%add3A_68, %dma_start3A_200] : memref<10240x128xf32, #tpu.memory_space<vmem_shared>> -> memref<32x128xf32, #tpu.memory_space<vmem_shared>>
      %dma_start3A_202 = arith.constant 0 : i32
      %dma_start3A_203 = tpu.memref_slice %arg9[%add3A_68, %dma_start3A_202] : memref<10240x128xf32, #tpu.memory_space<vmem_shared>> -> memref<32x128xf32, #tpu.memory_space<vmem_shared>>
      tpu.enqueue_dma source(%arg13 : memref<32x128xf32, #tpu.memory_space<vmem>>) target(%dma_start3A_203 : memref<32x128xf32, #tpu.memory_space<vmem_shared>>) target_semaphore(%run_scoped3A : memref<!tpu.dma_semaphore, #tpu.memory_space<semaphore_mem>>)
      %dma_wait3A_204 = arith.constant 0 : i32
      %dma_wait3A_205 = tpu.memref_slice %arg9[%add3A_68, %dma_wait3A_204] : memref<10240x128xf32, #tpu.memory_space<vmem_shared>> -> memref<32x128xf32, #tpu.memory_space<vmem_shared>>
      %dma_wait3A_206 = arith.constant 0 : i32
      %dma_wait3A_207 = tpu.memref_slice %arg9[%add3A_68, %dma_wait3A_206] : memref<10240x128xf32, #tpu.memory_space<vmem_shared>> -> memref<32x128xf32, #tpu.memory_space<vmem_shared>>
      tpu.wait_dma2 semaphore(%run_scoped3A : memref<!tpu.dma_semaphore, #tpu.memory_space<semaphore_mem>>) src(%arg13 : memref<32x128xf32, #tpu.memory_space<vmem>>) dst(%dma_wait3A_207 : memref<32x128xf32, #tpu.memory_space<vmem_shared>>)
      tpu.yield
    }) : () -> ()
    %mul3A_69 = arith.constant 640 : i32
    %mul3A_70 = arith.muli %arg1, %mul3A_69 : i32
    %add3A_71 = arith.constant 448 : i32
    %add3A_72 = arith.addi %mul3A_70, %add3A_71 : i32
    "tpu.region"() ({
      %run_scoped3A = tpu.sem_alloc : memref<!tpu.dma_semaphore, #tpu.memory_space<semaphore_mem>>
      %dma_start3A_200 = arith.constant 0 : i32
      %dma_start3A_201 = tpu.memref_slice %arg9[%add3A_72, %dma_start3A_200] : memref<10240x128xf32, #tpu.memory_space<vmem_shared>> -> memref<32x128xf32, #tpu.memory_space<vmem_shared>>
      %dma_start3A_202 = arith.constant 0 : i32
      %dma_start3A_203 = tpu.memref_slice %arg9[%add3A_72, %dma_start3A_202] : memref<10240x128xf32, #tpu.memory_space<vmem_shared>> -> memref<32x128xf32, #tpu.memory_space<vmem_shared>>
      tpu.enqueue_dma source(%arg13 : memref<32x128xf32, #tpu.memory_space<vmem>>) target(%dma_start3A_203 : memref<32x128xf32, #tpu.memory_space<vmem_shared>>) target_semaphore(%run_scoped3A : memref<!tpu.dma_semaphore, #tpu.memory_space<semaphore_mem>>)
      %dma_wait3A_204 = arith.constant 0 : i32
      %dma_wait3A_205 = tpu.memref_slice %arg9[%add3A_72, %dma_wait3A_204] : memref<10240x128xf32, #tpu.memory_space<vmem_shared>> -> memref<32x128xf32, #tpu.memory_space<vmem_shared>>
      %dma_wait3A_206 = arith.constant 0 : i32
      %dma_wait3A_207 = tpu.memref_slice %arg9[%add3A_72, %dma_wait3A_206] : memref<10240x128xf32, #tpu.memory_space<vmem_shared>> -> memref<32x128xf32, #tpu.memory_space<vmem_shared>>
      tpu.wait_dma2 semaphore(%run_scoped3A : memref<!tpu.dma_semaphore, #tpu.memory_space<semaphore_mem>>) src(%arg13 : memref<32x128xf32, #tpu.memory_space<vmem>>) dst(%dma_wait3A_207 : memref<32x128xf32, #tpu.memory_space<vmem_shared>>)
      tpu.yield
    }) : () -> ()
    %mul3A_73 = arith.constant 640 : i32
    %mul3A_74 = arith.muli %arg1, %mul3A_73 : i32
    %add3A_75 = arith.constant 480 : i32
    %add3A_76 = arith.addi %mul3A_74, %add3A_75 : i32
    "tpu.region"() ({
      %run_scoped3A = tpu.sem_alloc : memref<!tpu.dma_semaphore, #tpu.memory_space<semaphore_mem>>
      %dma_start3A_200 = arith.constant 0 : i32
      %dma_start3A_201 = tpu.memref_slice %arg9[%add3A_76, %dma_start3A_200] : memref<10240x128xf32, #tpu.memory_space<vmem_shared>> -> memref<32x128xf32, #tpu.memory_space<vmem_shared>>
      %dma_start3A_202 = arith.constant 0 : i32
      %dma_start3A_203 = tpu.memref_slice %arg9[%add3A_76, %dma_start3A_202] : memref<10240x128xf32, #tpu.memory_space<vmem_shared>> -> memref<32x128xf32, #tpu.memory_space<vmem_shared>>
      tpu.enqueue_dma source(%arg13 : memref<32x128xf32, #tpu.memory_space<vmem>>) target(%dma_start3A_203 : memref<32x128xf32, #tpu.memory_space<vmem_shared>>) target_semaphore(%run_scoped3A : memref<!tpu.dma_semaphore, #tpu.memory_space<semaphore_mem>>)
      %dma_wait3A_204 = arith.constant 0 : i32
      %dma_wait3A_205 = tpu.memref_slice %arg9[%add3A_76, %dma_wait3A_204] : memref<10240x128xf32, #tpu.memory_space<vmem_shared>> -> memref<32x128xf32, #tpu.memory_space<vmem_shared>>
      %dma_wait3A_206 = arith.constant 0 : i32
      %dma_wait3A_207 = tpu.memref_slice %arg9[%add3A_76, %dma_wait3A_206] : memref<10240x128xf32, #tpu.memory_space<vmem_shared>> -> memref<32x128xf32, #tpu.memory_space<vmem_shared>>
      tpu.wait_dma2 semaphore(%run_scoped3A : memref<!tpu.dma_semaphore, #tpu.memory_space<semaphore_mem>>) src(%arg13 : memref<32x128xf32, #tpu.memory_space<vmem>>) dst(%dma_wait3A_207 : memref<32x128xf32, #tpu.memory_space<vmem_shared>>)
      tpu.yield
    }) : () -> ()
    %mul3A_77 = arith.constant 640 : i32
    %mul3A_78 = arith.muli %arg1, %mul3A_77 : i32
    %add3A_79 = arith.constant 512 : i32
    %add3A_80 = arith.addi %mul3A_78, %add3A_79 : i32
    "tpu.region"() ({
      %run_scoped3A = tpu.sem_alloc : memref<!tpu.dma_semaphore, #tpu.memory_space<semaphore_mem>>
      %dma_start3A_200 = arith.constant 0 : i32
      %dma_start3A_201 = tpu.memref_slice %arg9[%add3A_80, %dma_start3A_200] : memref<10240x128xf32, #tpu.memory_space<vmem_shared>> -> memref<32x128xf32, #tpu.memory_space<vmem_shared>>
      %dma_start3A_202 = arith.constant 0 : i32
      %dma_start3A_203 = tpu.memref_slice %arg9[%add3A_80, %dma_start3A_202] : memref<10240x128xf32, #tpu.memory_space<vmem_shared>> -> memref<32x128xf32, #tpu.memory_space<vmem_shared>>
      tpu.enqueue_dma source(%arg13 : memref<32x128xf32, #tpu.memory_space<vmem>>) target(%dma_start3A_203 : memref<32x128xf32, #tpu.memory_space<vmem_shared>>) target_semaphore(%run_scoped3A : memref<!tpu.dma_semaphore, #tpu.memory_space<semaphore_mem>>)
      %dma_wait3A_204 = arith.constant 0 : i32
      %dma_wait3A_205 = tpu.memref_slice %arg9[%add3A_80, %dma_wait3A_204] : memref<10240x128xf32, #tpu.memory_space<vmem_shared>> -> memref<32x128xf32, #tpu.memory_space<vmem_shared>>
      %dma_wait3A_206 = arith.constant 0 : i32
      %dma_wait3A_207 = tpu.memref_slice %arg9[%add3A_80, %dma_wait3A_206] : memref<10240x128xf32, #tpu.memory_space<vmem_shared>> -> memref<32x128xf32, #tpu.memory_space<vmem_shared>>
      tpu.wait_dma2 semaphore(%run_scoped3A : memref<!tpu.dma_semaphore, #tpu.memory_space<semaphore_mem>>) src(%arg13 : memref<32x128xf32, #tpu.memory_space<vmem>>) dst(%dma_wait3A_207 : memref<32x128xf32, #tpu.memory_space<vmem_shared>>)
      tpu.yield
    }) : () -> ()
    %mul3A_81 = arith.constant 640 : i32
    %mul3A_82 = arith.muli %arg1, %mul3A_81 : i32
    %add3A_83 = arith.constant 544 : i32
    %add3A_84 = arith.addi %mul3A_82, %add3A_83 : i32
    "tpu.region"() ({
      %run_scoped3A = tpu.sem_alloc : memref<!tpu.dma_semaphore, #tpu.memory_space<semaphore_mem>>
      %dma_start3A_200 = arith.constant 0 : i32
      %dma_start3A_201 = tpu.memref_slice %arg9[%add3A_84, %dma_start3A_200] : memref<10240x128xf32, #tpu.memory_space<vmem_shared>> -> memref<32x128xf32, #tpu.memory_space<vmem_shared>>
      %dma_start3A_202 = arith.constant 0 : i32
      %dma_start3A_203 = tpu.memref_slice %arg9[%add3A_84, %dma_start3A_202] : memref<10240x128xf32, #tpu.memory_space<vmem_shared>> -> memref<32x128xf32, #tpu.memory_space<vmem_shared>>
      tpu.enqueue_dma source(%arg13 : memref<32x128xf32, #tpu.memory_space<vmem>>) target(%dma_start3A_203 : memref<32x128xf32, #tpu.memory_space<vmem_shared>>) target_semaphore(%run_scoped3A : memref<!tpu.dma_semaphore, #tpu.memory_space<semaphore_mem>>)
      %dma_wait3A_204 = arith.constant 0 : i32
      %dma_wait3A_205 = tpu.memref_slice %arg9[%add3A_84, %dma_wait3A_204] : memref<10240x128xf32, #tpu.memory_space<vmem_shared>> -> memref<32x128xf32, #tpu.memory_space<vmem_shared>>
      %dma_wait3A_206 = arith.constant 0 : i32
      %dma_wait3A_207 = tpu.memref_slice %arg9[%add3A_84, %dma_wait3A_206] : memref<10240x128xf32, #tpu.memory_space<vmem_shared>> -> memref<32x128xf32, #tpu.memory_space<vmem_shared>>
      tpu.wait_dma2 semaphore(%run_scoped3A : memref<!tpu.dma_semaphore, #tpu.memory_space<semaphore_mem>>) src(%arg13 : memref<32x128xf32, #tpu.memory_space<vmem>>) dst(%dma_wait3A_207 : memref<32x128xf32, #tpu.memory_space<vmem_shared>>)
      tpu.yield
    }) : () -> ()
    %mul3A_85 = arith.constant 640 : i32
    %mul3A_86 = arith.muli %arg1, %mul3A_85 : i32
    %add3A_87 = arith.constant 576 : i32
    %add3A_88 = arith.addi %mul3A_86, %add3A_87 : i32
    "tpu.region"() ({
      %run_scoped3A = tpu.sem_alloc : memref<!tpu.dma_semaphore, #tpu.memory_space<semaphore_mem>>
      %dma_start3A_200 = arith.constant 0 : i32
      %dma_start3A_201 = tpu.memref_slice %arg9[%add3A_88, %dma_start3A_200] : memref<10240x128xf32, #tpu.memory_space<vmem_shared>> -> memref<32x128xf32, #tpu.memory_space<vmem_shared>>
      %dma_start3A_202 = arith.constant 0 : i32
      %dma_start3A_203 = tpu.memref_slice %arg9[%add3A_88, %dma_start3A_202] : memref<10240x128xf32, #tpu.memory_space<vmem_shared>> -> memref<32x128xf32, #tpu.memory_space<vmem_shared>>
      tpu.enqueue_dma source(%arg13 : memref<32x128xf32, #tpu.memory_space<vmem>>) target(%dma_start3A_203 : memref<32x128xf32, #tpu.memory_space<vmem_shared>>) target_semaphore(%run_scoped3A : memref<!tpu.dma_semaphore, #tpu.memory_space<semaphore_mem>>)
      %dma_wait3A_204 = arith.constant 0 : i32
      %dma_wait3A_205 = tpu.memref_slice %arg9[%add3A_88, %dma_wait3A_204] : memref<10240x128xf32, #tpu.memory_space<vmem_shared>> -> memref<32x128xf32, #tpu.memory_space<vmem_shared>>
      %dma_wait3A_206 = arith.constant 0 : i32
      %dma_wait3A_207 = tpu.memref_slice %arg9[%add3A_88, %dma_wait3A_206] : memref<10240x128xf32, #tpu.memory_space<vmem_shared>> -> memref<32x128xf32, #tpu.memory_space<vmem_shared>>
      tpu.wait_dma2 semaphore(%run_scoped3A : memref<!tpu.dma_semaphore, #tpu.memory_space<semaphore_mem>>) src(%arg13 : memref<32x128xf32, #tpu.memory_space<vmem>>) dst(%dma_wait3A_207 : memref<32x128xf32, #tpu.memory_space<vmem_shared>>)
      tpu.yield
    }) : () -> ()
    %mul3A_89 = arith.constant 640 : i32
    %mul3A_90 = arith.muli %arg1, %mul3A_89 : i32
    %add3A_91 = arith.constant 608 : i32
    %add3A_92 = arith.addi %mul3A_90, %add3A_91 : i32
    "tpu.region"() ({
      %run_scoped3A = tpu.sem_alloc : memref<!tpu.dma_semaphore, #tpu.memory_space<semaphore_mem>>
      %dma_start3A_200 = arith.constant 0 : i32
      %dma_start3A_201 = tpu.memref_slice %arg9[%add3A_92, %dma_start3A_200] : memref<10240x128xf32, #tpu.memory_space<vmem_shared>> -> memref<32x128xf32, #tpu.memory_space<vmem_shared>>
      %dma_start3A_202 = arith.constant 0 : i32
      %dma_start3A_203 = tpu.memref_slice %arg9[%add3A_92, %dma_start3A_202] : memref<10240x128xf32, #tpu.memory_space<vmem_shared>> -> memref<32x128xf32, #tpu.memory_space<vmem_shared>>
      tpu.enqueue_dma source(%arg13 : memref<32x128xf32, #tpu.memory_space<vmem>>) target(%dma_start3A_203 : memref<32x128xf32, #tpu.memory_space<vmem_shared>>) target_semaphore(%run_scoped3A : memref<!tpu.dma_semaphore, #tpu.memory_space<semaphore_mem>>)
      %dma_wait3A_204 = arith.constant 0 : i32
      %dma_wait3A_205 = tpu.memref_slice %arg9[%add3A_92, %dma_wait3A_204] : memref<10240x128xf32, #tpu.memory_space<vmem_shared>> -> memref<32x128xf32, #tpu.memory_space<vmem_shared>>
      %dma_wait3A_206 = arith.constant 0 : i32
      %dma_wait3A_207 = tpu.memref_slice %arg9[%add3A_92, %dma_wait3A_206] : memref<10240x128xf32, #tpu.memory_space<vmem_shared>> -> memref<32x128xf32, #tpu.memory_space<vmem_shared>>
      tpu.wait_dma2 semaphore(%run_scoped3A : memref<!tpu.dma_semaphore, #tpu.memory_space<semaphore_mem>>) src(%arg13 : memref<32x128xf32, #tpu.memory_space<vmem>>) dst(%dma_wait3A_207 : memref<32x128xf32, #tpu.memory_space<vmem_shared>>)
      tpu.yield
    }) : () -> ()
    %eq3A = arith.constant 0 : i32
    %eq3A_93 = arith.cmpi eq, %arg1, %eq3A : i32
    %convert_element_type3A = arith.extui %eq3A_93 : i1 to i32
    %cond3A = arith.constant 0 : i32
    %cond3A_94 = arith.cmpi ne, %convert_element_type3A, %cond3A : i32
    scf.if %cond3A_94 {
      "tpu.region"() ({
        %run_scoped3A = tpu.sem_alloc : memref<!tpu.dma_semaphore, #tpu.memory_space<semaphore_mem>>
        %dma_start3A_200 = arith.constant 0 : i32
        %dma_start3A_201 = arith.constant 0 : i32
        %dma_start3A_202 = tpu.memref_slice %arg10[%dma_start3A_200, %dma_start3A_201] : memref<80x128xf32, #tpu.memory_space<vmem_shared>> -> memref<32x128xf32, #tpu.memory_space<vmem_shared>>
        %dma_start3A_203 = arith.constant 0 : i32
        %dma_start3A_204 = arith.constant 0 : i32
        %dma_start3A_205 = tpu.memref_slice %arg10[%dma_start3A_203, %dma_start3A_204] : memref<80x128xf32, #tpu.memory_space<vmem_shared>> -> memref<32x128xf32, #tpu.memory_space<vmem_shared>>
        tpu.enqueue_dma source(%arg13 : memref<32x128xf32, #tpu.memory_space<vmem>>) target(%dma_start3A_205 : memref<32x128xf32, #tpu.memory_space<vmem_shared>>) target_semaphore(%run_scoped3A : memref<!tpu.dma_semaphore, #tpu.memory_space<semaphore_mem>>)
        %dma_wait3A_206 = arith.constant 0 : i32
        %dma_wait3A_207 = arith.constant 0 : i32
        %dma_wait3A_208 = tpu.memref_slice %arg10[%dma_wait3A_206, %dma_wait3A_207] : memref<80x128xf32, #tpu.memory_space<vmem_shared>> -> memref<32x128xf32, #tpu.memory_space<vmem_shared>>
        %dma_wait3A_209 = arith.constant 0 : i32
        %dma_wait3A_210 = arith.constant 0 : i32
        %dma_wait3A_211 = tpu.memref_slice %arg10[%dma_wait3A_209, %dma_wait3A_210] : memref<80x128xf32, #tpu.memory_space<vmem_shared>> -> memref<32x128xf32, #tpu.memory_space<vmem_shared>>
        tpu.wait_dma2 semaphore(%run_scoped3A : memref<!tpu.dma_semaphore, #tpu.memory_space<semaphore_mem>>) src(%arg13 : memref<32x128xf32, #tpu.memory_space<vmem>>) dst(%dma_wait3A_211 : memref<32x128xf32, #tpu.memory_space<vmem_shared>>)
        tpu.yield
      }) : () -> ()
      "tpu.region"() ({
        %run_scoped3A = tpu.sem_alloc : memref<!tpu.dma_semaphore, #tpu.memory_space<semaphore_mem>>
        %dma_start3A_200 = arith.constant 32 : i32
        %dma_start3A_201 = arith.constant 0 : i32
        %dma_start3A_202 = tpu.memref_slice %arg10[%dma_start3A_200, %dma_start3A_201] : memref<80x128xf32, #tpu.memory_space<vmem_shared>> -> memref<32x128xf32, #tpu.memory_space<vmem_shared>>
        %dma_start3A_203 = arith.constant 32 : i32
        %dma_start3A_204 = arith.constant 0 : i32
        %dma_start3A_205 = tpu.memref_slice %arg10[%dma_start3A_203, %dma_start3A_204] : memref<80x128xf32, #tpu.memory_space<vmem_shared>> -> memref<32x128xf32, #tpu.memory_space<vmem_shared>>
        tpu.enqueue_dma source(%arg13 : memref<32x128xf32, #tpu.memory_space<vmem>>) target(%dma_start3A_205 : memref<32x128xf32, #tpu.memory_space<vmem_shared>>) target_semaphore(%run_scoped3A : memref<!tpu.dma_semaphore, #tpu.memory_space<semaphore_mem>>)
        %dma_wait3A_206 = arith.constant 32 : i32
        %dma_wait3A_207 = arith.constant 0 : i32
        %dma_wait3A_208 = tpu.memref_slice %arg10[%dma_wait3A_206, %dma_wait3A_207] : memref<80x128xf32, #tpu.memory_space<vmem_shared>> -> memref<32x128xf32, #tpu.memory_space<vmem_shared>>
        %dma_wait3A_209 = arith.constant 32 : i32
        %dma_wait3A_210 = arith.constant 0 : i32
        %dma_wait3A_211 = tpu.memref_slice %arg10[%dma_wait3A_209, %dma_wait3A_210] : memref<80x128xf32, #tpu.memory_space<vmem_shared>> -> memref<32x128xf32, #tpu.memory_space<vmem_shared>>
        tpu.wait_dma2 semaphore(%run_scoped3A : memref<!tpu.dma_semaphore, #tpu.memory_space<semaphore_mem>>) src(%arg13 : memref<32x128xf32, #tpu.memory_space<vmem>>) dst(%dma_wait3A_211 : memref<32x128xf32, #tpu.memory_space<vmem_shared>>)
        tpu.yield
      }) : () -> ()
      "tpu.region"() ({
        %run_scoped3A = tpu.sem_alloc : memref<!tpu.dma_semaphore, #tpu.memory_space<semaphore_mem>>
        %dma_start3A_200 = arith.constant 0 : i32
        %dma_start3A_201 = arith.constant 0 : i32
        %dma_start3A_202 = tpu.memref_slice %arg13[%dma_start3A_200, %dma_start3A_201] : memref<32x128xf32, #tpu.memory_space<vmem>> -> memref<16x128xf32, #tpu.memory_space<vmem>>
        %dma_start3A_203 = arith.constant 64 : i32
        %dma_start3A_204 = arith.constant 0 : i32
        %dma_start3A_205 = tpu.memref_slice %arg10[%dma_start3A_203, %dma_start3A_204] : memref<80x128xf32, #tpu.memory_space<vmem_shared>> -> memref<16x128xf32, #tpu.memory_space<vmem_shared>>
        %dma_start3A_206 = arith.constant 64 : i32
        %dma_start3A_207 = arith.constant 0 : i32
        %dma_start3A_208 = tpu.memref_slice %arg10[%dma_start3A_206, %dma_start3A_207] : memref<80x128xf32, #tpu.memory_space<vmem_shared>> -> memref<16x128xf32, #tpu.memory_space<vmem_shared>>
        %dma_start3A_209 = arith.constant 0 : i32
        %dma_start3A_210 = arith.constant 0 : i32
        %dma_start3A_211 = tpu.memref_slice %arg13[%dma_start3A_209, %dma_start3A_210] : memref<32x128xf32, #tpu.memory_space<vmem>> -> memref<16x128xf32, #tpu.memory_space<vmem>>
        tpu.enqueue_dma source(%dma_start3A_211 : memref<16x128xf32, #tpu.memory_space<vmem>>) target(%dma_start3A_208 : memref<16x128xf32, #tpu.memory_space<vmem_shared>>) target_semaphore(%run_scoped3A : memref<!tpu.dma_semaphore, #tpu.memory_space<semaphore_mem>>)
        %dma_wait3A_212 = arith.constant 0 : i32
        %dma_wait3A_213 = arith.constant 0 : i32
        %dma_wait3A_214 = tpu.memref_slice %arg13[%dma_wait3A_212, %dma_wait3A_213] : memref<32x128xf32, #tpu.memory_space<vmem>> -> memref<16x128xf32, #tpu.memory_space<vmem>>
        %dma_wait3A_215 = arith.constant 64 : i32
        %dma_wait3A_216 = arith.constant 0 : i32
        %dma_wait3A_217 = tpu.memref_slice %arg10[%dma_wait3A_215, %dma_wait3A_216] : memref<80x128xf32, #tpu.memory_space<vmem_shared>> -> memref<16x128xf32, #tpu.memory_space<vmem_shared>>
        %dma_wait3A_218 = arith.constant 64 : i32
        %dma_wait3A_219 = arith.constant 0 : i32
        %dma_wait3A_220 = tpu.memref_slice %arg10[%dma_wait3A_218, %dma_wait3A_219] : memref<80x128xf32, #tpu.memory_space<vmem_shared>> -> memref<16x128xf32, #tpu.memory_space<vmem_shared>>
        %dma_wait3A_221 = arith.constant 0 : i32
        %dma_wait3A_222 = arith.constant 0 : i32
        %dma_wait3A_223 = tpu.memref_slice %arg13[%dma_wait3A_221, %dma_wait3A_222] : memref<32x128xf32, #tpu.memory_space<vmem>> -> memref<16x128xf32, #tpu.memory_space<vmem>>
        tpu.wait_dma2 semaphore(%run_scoped3A : memref<!tpu.dma_semaphore, #tpu.memory_space<semaphore_mem>>) src(%dma_wait3A_223 : memref<16x128xf32, #tpu.memory_space<vmem>>) dst(%dma_wait3A_220 : memref<16x128xf32, #tpu.memory_space<vmem_shared>>)
        tpu.yield
      }) : () -> ()
    } else {
    }
    "tpu.region"() ({
      %run_scoped3A = tpu.sem_alloc : memref<!tpu.dma_semaphore, #tpu.memory_space<semaphore_mem>>
      %dma_start3A_200 = arith.constant 0 : i32
      %dma_start3A_201 = tpu.memref_slice %arg4[%dma_start3A_200] : memref<10240xf32, #tpu.memory_space<hbm>> -> memref<10000xf32, #tpu.memory_space<hbm>>
      %dma_start3A_202 = arith.constant 0 : i32
      %dma_start3A_203 = tpu.memref_slice %arg4[%dma_start3A_202] : memref<10240xf32, #tpu.memory_space<hbm>> -> memref<10000xf32, #tpu.memory_space<hbm>>
      tpu.enqueue_dma source(%dma_start3A_203 : memref<10000xf32, #tpu.memory_space<hbm>>) target(%arg11 : memref<10000xf32, #tpu.memory_space<vmem>>) target_semaphore(%run_scoped3A : memref<!tpu.dma_semaphore, #tpu.memory_space<semaphore_mem>>)
      %dma_wait3A_204 = arith.constant 0 : i32
      %dma_wait3A_205 = tpu.memref_slice %arg4[%dma_wait3A_204] : memref<10240xf32, #tpu.memory_space<hbm>> -> memref<10000xf32, #tpu.memory_space<hbm>>
      %dma_wait3A_206 = arith.constant 0 : i32
      %dma_wait3A_207 = tpu.memref_slice %arg4[%dma_wait3A_206] : memref<10240xf32, #tpu.memory_space<hbm>> -> memref<10000xf32, #tpu.memory_space<hbm>>
      tpu.wait_dma2 semaphore(%run_scoped3A : memref<!tpu.dma_semaphore, #tpu.memory_space<semaphore_mem>>) src(%dma_wait3A_207 : memref<10000xf32, #tpu.memory_space<hbm>>) dst(%arg11 : memref<10000xf32, #tpu.memory_space<vmem>>)
      tpu.yield
    }) : () -> ()
    "tpu.region"() ({
      %run_scoped3A = tpu.sem_alloc : memref<!tpu.dma_semaphore, #tpu.memory_space<semaphore_mem>>
      %dma_start3A_200 = arith.constant 0 : i32
      %dma_start3A_201 = tpu.memref_slice %arg5[%dma_start3A_200] : memref<10240xf32, #tpu.memory_space<hbm>> -> memref<10000xf32, #tpu.memory_space<hbm>>
      %dma_start3A_202 = arith.constant 0 : i32
      %dma_start3A_203 = tpu.memref_slice %arg5[%dma_start3A_202] : memref<10240xf32, #tpu.memory_space<hbm>> -> memref<10000xf32, #tpu.memory_space<hbm>>
      tpu.enqueue_dma source(%dma_start3A_203 : memref<10000xf32, #tpu.memory_space<hbm>>) target(%arg12 : memref<10000xf32, #tpu.memory_space<vmem>>) target_semaphore(%run_scoped3A : memref<!tpu.dma_semaphore, #tpu.memory_space<semaphore_mem>>)
      %dma_wait3A_204 = arith.constant 0 : i32
      %dma_wait3A_205 = tpu.memref_slice %arg5[%dma_wait3A_204] : memref<10240xf32, #tpu.memory_space<hbm>> -> memref<10000xf32, #tpu.memory_space<hbm>>
      %dma_wait3A_206 = arith.constant 0 : i32
      %dma_wait3A_207 = tpu.memref_slice %arg5[%dma_wait3A_206] : memref<10240xf32, #tpu.memory_space<hbm>> -> memref<10000xf32, #tpu.memory_space<hbm>>
      tpu.wait_dma2 semaphore(%run_scoped3A : memref<!tpu.dma_semaphore, #tpu.memory_space<semaphore_mem>>) src(%dma_wait3A_207 : memref<10000xf32, #tpu.memory_space<hbm>>) dst(%arg12 : memref<10000xf32, #tpu.memory_space<vmem>>)
      tpu.yield
    }) : () -> ()
    %barrier3A = arith.constant 0 : index
    tpu.barrier barrier_id(%barrier3A)
    %mul3A_95 = arith.constant 10000 : i32
    %mul3A_96 = arith.muli %add3A, %mul3A_95 : i32
    %add3A_97 = arith.constant 0 : i32
    %add3A_98 = arith.addi %mul3A_96, %add3A_97 : i32
    "tpu.region"() ({
      %run_scoped3A = tpu.sem_alloc : memref<!tpu.dma_semaphore, #tpu.memory_space<semaphore_mem>>
      %dma_start3A_200 = tpu.memref_slice %arg2[%add3A_98] : memref<320000xi32, #tpu.memory_space<hbm>> -> memref<32xi32, #tpu.memory_space<hbm>>
      %dma_start3A_201 = tpu.memref_slice %arg2[%add3A_98] : memref<320000xi32, #tpu.memory_space<hbm>> -> memref<32xi32, #tpu.memory_space<hbm>>
      tpu.enqueue_dma source(%dma_start3A_201 : memref<32xi32, #tpu.memory_space<hbm>>) target(%arg17 : memref<32xi32, #tpu.memory_space<vmem>>) target_semaphore(%run_scoped3A : memref<!tpu.dma_semaphore, #tpu.memory_space<semaphore_mem>>)
      %dma_wait3A_202 = tpu.memref_slice %arg2[%add3A_98] : memref<320000xi32, #tpu.memory_space<hbm>> -> memref<32xi32, #tpu.memory_space<hbm>>
      %dma_wait3A_203 = tpu.memref_slice %arg2[%add3A_98] : memref<320000xi32, #tpu.memory_space<hbm>> -> memref<32xi32, #tpu.memory_space<hbm>>
      tpu.wait_dma2 semaphore(%run_scoped3A : memref<!tpu.dma_semaphore, #tpu.memory_space<semaphore_mem>>) src(%dma_wait3A_203 : memref<32xi32, #tpu.memory_space<hbm>>) dst(%arg17 : memref<32xi32, #tpu.memory_space<vmem>>)
      tpu.yield
    }) : () -> ()
    %add3A_99 = arith.constant 0 : i32
    %add3A_100 = arith.addi %mul3A_96, %add3A_99 : i32
    "tpu.region"() ({
      %run_scoped3A = tpu.sem_alloc : memref<!tpu.dma_semaphore, #tpu.memory_space<semaphore_mem>>
      %dma_start3A_200 = tpu.memref_slice %arg3[%add3A_100] : memref<320000xi32, #tpu.memory_space<hbm>> -> memref<32xi32, #tpu.memory_space<hbm>>
      %dma_start3A_201 = tpu.memref_slice %arg3[%add3A_100] : memref<320000xi32, #tpu.memory_space<hbm>> -> memref<32xi32, #tpu.memory_space<hbm>>
      tpu.enqueue_dma source(%dma_start3A_201 : memref<32xi32, #tpu.memory_space<hbm>>) target(%arg21 : memref<32xi32, #tpu.memory_space<vmem>>) target_semaphore(%run_scoped3A : memref<!tpu.dma_semaphore, #tpu.memory_space<semaphore_mem>>)
      %dma_wait3A_202 = tpu.memref_slice %arg3[%add3A_100] : memref<320000xi32, #tpu.memory_space<hbm>> -> memref<32xi32, #tpu.memory_space<hbm>>
      %dma_wait3A_203 = tpu.memref_slice %arg3[%add3A_100] : memref<320000xi32, #tpu.memory_space<hbm>> -> memref<32xi32, #tpu.memory_space<hbm>>
      tpu.wait_dma2 semaphore(%run_scoped3A : memref<!tpu.dma_semaphore, #tpu.memory_space<semaphore_mem>>) src(%dma_wait3A_203 : memref<32xi32, #tpu.memory_space<hbm>>) dst(%arg21 : memref<32xi32, #tpu.memory_space<vmem>>)
      tpu.yield
    }) : () -> ()
    %add3A_101 = arith.constant 32 : i32
    %add3A_102 = arith.addi %mul3A_96, %add3A_101 : i32
    "tpu.region"() ({
      %run_scoped3A = tpu.sem_alloc : memref<!tpu.dma_semaphore, #tpu.memory_space<semaphore_mem>>
      %dma_start3A_200 = tpu.memref_slice %arg2[%add3A_102] : memref<320000xi32, #tpu.memory_space<hbm>> -> memref<32xi32, #tpu.memory_space<hbm>>
      %dma_start3A_201 = tpu.memref_slice %arg2[%add3A_102] : memref<320000xi32, #tpu.memory_space<hbm>> -> memref<32xi32, #tpu.memory_space<hbm>>
      tpu.enqueue_dma source(%dma_start3A_201 : memref<32xi32, #tpu.memory_space<hbm>>) target(%arg18 : memref<32xi32, #tpu.memory_space<vmem>>) target_semaphore(%run_scoped3A : memref<!tpu.dma_semaphore, #tpu.memory_space<semaphore_mem>>)
      %dma_wait3A_202 = tpu.memref_slice %arg2[%add3A_102] : memref<320000xi32, #tpu.memory_space<hbm>> -> memref<32xi32, #tpu.memory_space<hbm>>
      %dma_wait3A_203 = tpu.memref_slice %arg2[%add3A_102] : memref<320000xi32, #tpu.memory_space<hbm>> -> memref<32xi32, #tpu.memory_space<hbm>>
      tpu.wait_dma2 semaphore(%run_scoped3A : memref<!tpu.dma_semaphore, #tpu.memory_space<semaphore_mem>>) src(%dma_wait3A_203 : memref<32xi32, #tpu.memory_space<hbm>>) dst(%arg18 : memref<32xi32, #tpu.memory_space<vmem>>)
      tpu.yield
    }) : () -> ()
    %add3A_103 = arith.constant 32 : i32
    %add3A_104 = arith.addi %mul3A_96, %add3A_103 : i32
    "tpu.region"() ({
      %run_scoped3A = tpu.sem_alloc : memref<!tpu.dma_semaphore, #tpu.memory_space<semaphore_mem>>
      %dma_start3A_200 = tpu.memref_slice %arg3[%add3A_104] : memref<320000xi32, #tpu.memory_space<hbm>> -> memref<32xi32, #tpu.memory_space<hbm>>
      %dma_start3A_201 = tpu.memref_slice %arg3[%add3A_104] : memref<320000xi32, #tpu.memory_space<hbm>> -> memref<32xi32, #tpu.memory_space<hbm>>
      tpu.enqueue_dma source(%dma_start3A_201 : memref<32xi32, #tpu.memory_space<hbm>>) target(%arg22 : memref<32xi32, #tpu.memory_space<vmem>>) target_semaphore(%run_scoped3A : memref<!tpu.dma_semaphore, #tpu.memory_space<semaphore_mem>>)
      %dma_wait3A_202 = tpu.memref_slice %arg3[%add3A_104] : memref<320000xi32, #tpu.memory_space<hbm>> -> memref<32xi32, #tpu.memory_space<hbm>>
      %dma_wait3A_203 = tpu.memref_slice %arg3[%add3A_104] : memref<320000xi32, #tpu.memory_space<hbm>> -> memref<32xi32, #tpu.memory_space<hbm>>
      tpu.wait_dma2 semaphore(%run_scoped3A : memref<!tpu.dma_semaphore, #tpu.memory_space<semaphore_mem>>) src(%dma_wait3A_203 : memref<32xi32, #tpu.memory_space<hbm>>) dst(%arg22 : memref<32xi32, #tpu.memory_space<vmem>>)
      tpu.yield
    }) : () -> ()
    %add3A_105 = arith.constant 64 : i32
    %add3A_106 = arith.addi %mul3A_96, %add3A_105 : i32
    "tpu.region"() ({
      %run_scoped3A = tpu.sem_alloc : memref<!tpu.dma_semaphore, #tpu.memory_space<semaphore_mem>>
      %dma_start3A_200 = tpu.memref_slice %arg2[%add3A_106] : memref<320000xi32, #tpu.memory_space<hbm>> -> memref<32xi32, #tpu.memory_space<hbm>>
      %dma_start3A_201 = tpu.memref_slice %arg2[%add3A_106] : memref<320000xi32, #tpu.memory_space<hbm>> -> memref<32xi32, #tpu.memory_space<hbm>>
      tpu.enqueue_dma source(%dma_start3A_201 : memref<32xi32, #tpu.memory_space<hbm>>) target(%arg19 : memref<32xi32, #tpu.memory_space<vmem>>) target_semaphore(%run_scoped3A : memref<!tpu.dma_semaphore, #tpu.memory_space<semaphore_mem>>)
      %dma_wait3A_202 = tpu.memref_slice %arg2[%add3A_106] : memref<320000xi32, #tpu.memory_space<hbm>> -> memref<32xi32, #tpu.memory_space<hbm>>
      %dma_wait3A_203 = tpu.memref_slice %arg2[%add3A_106] : memref<320000xi32, #tpu.memory_space<hbm>> -> memref<32xi32, #tpu.memory_space<hbm>>
      tpu.wait_dma2 semaphore(%run_scoped3A : memref<!tpu.dma_semaphore, #tpu.memory_space<semaphore_mem>>) src(%dma_wait3A_203 : memref<32xi32, #tpu.memory_space<hbm>>) dst(%arg19 : memref<32xi32, #tpu.memory_space<vmem>>)
      tpu.yield
    }) : () -> ()
    %add3A_107 = arith.constant 64 : i32
    %add3A_108 = arith.addi %mul3A_96, %add3A_107 : i32
    "tpu.region"() ({
      %run_scoped3A = tpu.sem_alloc : memref<!tpu.dma_semaphore, #tpu.memory_space<semaphore_mem>>
      %dma_start3A_200 = tpu.memref_slice %arg3[%add3A_108] : memref<320000xi32, #tpu.memory_space<hbm>> -> memref<32xi32, #tpu.memory_space<hbm>>
      %dma_start3A_201 = tpu.memref_slice %arg3[%add3A_108] : memref<320000xi32, #tpu.memory_space<hbm>> -> memref<32xi32, #tpu.memory_space<hbm>>
      tpu.enqueue_dma source(%dma_start3A_201 : memref<32xi32, #tpu.memory_space<hbm>>) target(%arg23 : memref<32xi32, #tpu.memory_space<vmem>>) target_semaphore(%run_scoped3A : memref<!tpu.dma_semaphore, #tpu.memory_space<semaphore_mem>>)
      %dma_wait3A_202 = tpu.memref_slice %arg3[%add3A_108] : memref<320000xi32, #tpu.memory_space<hbm>> -> memref<32xi32, #tpu.memory_space<hbm>>
      %dma_wait3A_203 = tpu.memref_slice %arg3[%add3A_108] : memref<320000xi32, #tpu.memory_space<hbm>> -> memref<32xi32, #tpu.memory_space<hbm>>
      tpu.wait_dma2 semaphore(%run_scoped3A : memref<!tpu.dma_semaphore, #tpu.memory_space<semaphore_mem>>) src(%dma_wait3A_203 : memref<32xi32, #tpu.memory_space<hbm>>) dst(%arg23 : memref<32xi32, #tpu.memory_space<vmem>>)
      tpu.yield
    }) : () -> ()
    %dma_start3A = arith.constant 0 : i32
    %dma_start3A_109 = arith.constant 0 : i32
    %dma_start3A_110 = tpu.memref_slice %arg6[%dma_start3A, %dma_start3A_109] : memref<10000x128xf32, #tpu.memory_space<hbm>> -> memref<10000x128xf32, #tpu.memory_space<hbm>>
    tpu.enqueue_indirect_dma source(%dma_start3A_110 : memref<10000x128xf32, #tpu.memory_space<hbm>>) target(%arg13 : memref<32x128xf32, #tpu.memory_space<vmem>>) offsets(%arg17 : memref<32xi32, #tpu.memory_space<vmem>>) semaphore(%arg31 : memref<!tpu.dma_semaphore, #tpu.memory_space<semaphore_mem>>)
    %dma_start3A_111 = arith.constant 0 : i32
    %dma_start3A_112 = arith.constant 0 : i32
    %dma_start3A_113 = tpu.memref_slice %arg6[%dma_start3A_111, %dma_start3A_112] : memref<10000x128xf32, #tpu.memory_space<hbm>> -> memref<10000x128xf32, #tpu.memory_space<hbm>>
    tpu.enqueue_indirect_dma source(%dma_start3A_113 : memref<10000x128xf32, #tpu.memory_space<hbm>>) target(%arg14 : memref<32x128xf32, #tpu.memory_space<vmem>>) offsets(%arg18 : memref<32xi32, #tpu.memory_space<vmem>>) semaphore(%arg32 : memref<!tpu.dma_semaphore, #tpu.memory_space<semaphore_mem>>)
    %scan3A_114 = arith.constant 0 : i32
    %scan3A_115 = arith.constant 0 : i32
    %scan3A_116 = arith.constant 78 : i32
    %scan3A_117 = arith.addi %scan3A_115, %scan3A_116 : i32
    %scan3A_118 = arith.constant 1 : i32
    scf.for %scan3A_200 = %scan3A_115 to %scan3A_117 step %scan3A_118  : i32 {
      %mul3A_201 = arith.constant 4 : i32
      %mul3A_202 = arith.muli %mul3A_201, %scan3A_200 : i32
      %add3A_203 = arith.constant 0 : i32
      %add3A_204 = arith.addi %mul3A_202, %add3A_203 : i32
      %dma_wait3A_205 = arith.constant 0 : i32
      %dma_wait3A_206 = arith.constant 0 : i32
      %dma_wait3A_207 = tpu.memref_slice %arg6[%dma_wait3A_205, %dma_wait3A_206] : memref<10000x128xf32, #tpu.memory_space<hbm>> -> memref<10000x128xf32, #tpu.memory_space<hbm>>
      tpu.wait_indirect_dma semaphore(%arg31 : memref<!tpu.dma_semaphore, #tpu.memory_space<semaphore_mem>>) src(%dma_wait3A_207 : memref<10000x128xf32, #tpu.memory_space<hbm>>) dst(%arg13 : memref<32x128xf32, #tpu.memory_space<vmem>>)
      %get3A_208 = arith.constant 0 : index
      %get3A_209 = tpu.vector_load %arg21[%get3A_208] {strides = array<i32>} : memref<32xi32, #tpu.memory_space<vmem>>, vector<16xi32>,
      %get3A_210 = arith.constant 0 : index
      %get3A_211 = tpu.vector_load %arg17[%get3A_210] {strides = array<i32>} : memref<32xi32, #tpu.memory_space<vmem>>, vector<16xi32>,
      %gather3A_212 = tpu.vector_load_idx %arg11[%get3A_211] : memref<10000xf32, #tpu.memory_space<vmem>>[vector<16xi32>], vector<16xf32>,
      %gather3A_213 = tpu.vector_load_idx %arg12[%get3A_209] : memref<10000xf32, #tpu.memory_space<vmem>>[vector<16xi32>], vector<16xf32>,
      %add3A_214 = arith.addf %gather3A_212, %gather3A_213 : vector<16xf32>
      %ge3A_215 = arith.constant 0.000000e+00 : f32
      %ge3A_216 = vector.broadcast %ge3A_215 : f32 to vector<16xf32>
      %ge3A_217 = arith.cmpf oge, %add3A_214, %ge3A_216 : vector<16xf32>
      %mul3A_218 = arith.constant 2.000000e-01 : f32
      %mul3A_219 = vector.broadcast %mul3A_218 : f32 to vector<16xf32>
      %mul3A_220 = arith.mulf %mul3A_219, %add3A_214 : vector<16xf32>
      %select_n3A_221 = arith.select %ge3A_217, %add3A_214, %mul3A_220 : vector<16xi1>, vector<16xf32>
      %exp3A_222 = math.exp %select_n3A_221 : vector<16xf32>
      %swap3A_223 = arith.constant 0 : index
      %swap3A_224 = tpu.vector_load %arg29[%swap3A_223] {strides = array<i32>} : memref<32xf32, #tpu.memory_space<vmem>>, vector<16xf32>,
      tpu.vector_store %arg29[%swap3A_223], %exp3A_222 {strides = array<i32>} : memref<32xf32, #tpu.memory_space<vmem>>, vector<16xf32>,
      %shift_right_logical3A_225 = arith.constant 7 : i32
      %shift_right_logical3A_226 = vector.broadcast %shift_right_logical3A_225 : i32 to vector<16xi32>
      %shift_right_logical3A_227 = arith.shrui %get3A_209, %shift_right_logical3A_226 : vector<16xi32>
      %and3A_228 = arith.constant 127 : i32
      %and3A_229 = vector.broadcast %and3A_228 : i32 to vector<16xi32>
      %and3A_230 = arith.andi %get3A_209, %and3A_229 : vector<16xi32>
      tpu.vector_store_idx %arg30[%shift_right_logical3A_227, %and3A_230], %exp3A_222 {add = true} : memref<80x128xf32, #tpu.memory_space<vmem>>[vector<16xi32>, vector<16xi32>], vector<16xf32>,
      %swap3A_231 = arith.constant 0 : index
      %swap3A_232 = tpu.vector_load %arg25[%swap3A_231] {strides = array<i32>} : memref<32xi32, #tpu.memory_space<vmem>>, vector<16xi32>,
      tpu.vector_store %arg25[%swap3A_231], %get3A_209 {strides = array<i32>} : memref<32xi32, #tpu.memory_space<vmem>>, vector<16xi32>,
      %get3A_233 = arith.constant 16 : index
      %get3A_234 = tpu.vector_load %arg21[%get3A_233] {strides = array<i32>} : memref<32xi32, #tpu.memory_space<vmem>>, vector<16xi32>,
      %get3A_235 = arith.constant 16 : index
      %get3A_236 = tpu.vector_load %arg17[%get3A_235] {strides = array<i32>} : memref<32xi32, #tpu.memory_space<vmem>>, vector<16xi32>,
      %gather3A_237 = tpu.vector_load_idx %arg11[%get3A_236] : memref<10000xf32, #tpu.memory_space<vmem>>[vector<16xi32>], vector<16xf32>,
      %gather3A_238 = tpu.vector_load_idx %arg12[%get3A_234] : memref<10000xf32, #tpu.memory_space<vmem>>[vector<16xi32>], vector<16xf32>,
      %add3A_239 = arith.addf %gather3A_237, %gather3A_238 : vector<16xf32>
      %ge3A_240 = arith.constant 0.000000e+00 : f32
      %ge3A_241 = vector.broadcast %ge3A_240 : f32 to vector<16xf32>
      %ge3A_242 = arith.cmpf oge, %add3A_239, %ge3A_241 : vector<16xf32>
      %mul3A_243 = arith.constant 2.000000e-01 : f32
      %mul3A_244 = vector.broadcast %mul3A_243 : f32 to vector<16xf32>
      %mul3A_245 = arith.mulf %mul3A_244, %add3A_239 : vector<16xf32>
      %select_n3A_246 = arith.select %ge3A_242, %add3A_239, %mul3A_245 : vector<16xi1>, vector<16xf32>
      %exp3A_247 = math.exp %select_n3A_246 : vector<16xf32>
      %swap3A_248 = arith.constant 16 : index
      %swap3A_249 = tpu.vector_load %arg29[%swap3A_248] {strides = array<i32>} : memref<32xf32, #tpu.memory_space<vmem>>, vector<16xf32>,
      tpu.vector_store %arg29[%swap3A_248], %exp3A_247 {strides = array<i32>} : memref<32xf32, #tpu.memory_space<vmem>>, vector<16xf32>,
      %shift_right_logical3A_250 = arith.constant 7 : i32
      %shift_right_logical3A_251 = vector.broadcast %shift_right_logical3A_250 : i32 to vector<16xi32>
      %shift_right_logical3A_252 = arith.shrui %get3A_234, %shift_right_logical3A_251 : vector<16xi32>
      %and3A_253 = arith.constant 127 : i32
      %and3A_254 = vector.broadcast %and3A_253 : i32 to vector<16xi32>
      %and3A_255 = arith.andi %get3A_234, %and3A_254 : vector<16xi32>
      tpu.vector_store_idx %arg30[%shift_right_logical3A_252, %and3A_255], %exp3A_247 {add = true} : memref<80x128xf32, #tpu.memory_space<vmem>>[vector<16xi32>, vector<16xi32>], vector<16xf32>,
      %swap3A_256 = arith.constant 16 : index
      %swap3A_257 = tpu.vector_load %arg25[%swap3A_256] {strides = array<i32>} : memref<32xi32, #tpu.memory_space<vmem>>, vector<16xi32>,
      tpu.vector_store %arg25[%swap3A_256], %get3A_234 {strides = array<i32>} : memref<32xi32, #tpu.memory_space<vmem>>, vector<16xi32>,
      %scan3A_258 = arith.constant 0 : i32
      %scan3A_259 = arith.constant 0 : i32
      %scan3A_260 = arith.constant 32 : i32
      %scan3A_261 = arith.addi %scan3A_259, %scan3A_260 : i32
      %scan3A_262 = arith.constant 1 : i32
      scf.for %scan3A_520 = %scan3A_259 to %scan3A_261 step %scan3A_262  : i32 {
        %broadcast_in_dim3A_521 = vector.broadcast %scan3A_520 : i32 to vector<16xi32>
        %gather3A_522 = tpu.vector_load_idx %arg29[%broadcast_in_dim3A_521] : memref<32xf32, #tpu.memory_space<vmem>>[vector<16xi32>], vector<16xf32>,
        %get3A_523 = arith.index_cast %scan3A_520 : i32 to index
        %get3A_524 = arith.constant 0 : index
        %get3A_525 = tpu.vector_load %arg13[%get3A_523, %get3A_524] {strides = array<i32>} : memref<32x128xf32, #tpu.memory_space<vmem>>, vector<16xf32>,
        %mul3A_526 = arith.mulf %get3A_525, %gather3A_522 : vector<16xf32>
        %swap3A_527 = arith.index_cast %scan3A_520 : i32 to index
        %swap3A_528 = arith.constant 0 : index
        %swap3A_529 = tpu.vector_load %arg13[%swap3A_527, %swap3A_528] {strides = array<i32>} : memref<32x128xf32, #tpu.memory_space<vmem>>, vector<16xf32>,
        tpu.vector_store %arg13[%swap3A_527, %swap3A_528], %mul3A_526 {strides = array<i32>} : memref<32x128xf32, #tpu.memory_space<vmem>>, vector<16xf32>,
        %get3A_530 = arith.index_cast %scan3A_520 : i32 to index
        %get3A_531 = arith.constant 16 : index
        %get3A_532 = tpu.vector_load %arg13[%get3A_530, %get3A_531] {strides = array<i32>} : memref<32x128xf32, #tpu.memory_space<vmem>>, vector<16xf32>,
        %mul3A_533 = arith.mulf %get3A_532, %gather3A_522 : vector<16xf32>
        %swap3A_534 = arith.index_cast %scan3A_520 : i32 to index
        %swap3A_535 = arith.constant 16 : index
        %swap3A_536 = tpu.vector_load %arg13[%swap3A_534, %swap3A_535] {strides = array<i32>} : memref<32x128xf32, #tpu.memory_space<vmem>>, vector<16xf32>,
        tpu.vector_store %arg13[%swap3A_534, %swap3A_535], %mul3A_533 {strides = array<i32>} : memref<32x128xf32, #tpu.memory_space<vmem>>, vector<16xf32>,
        %get3A_537 = arith.index_cast %scan3A_520 : i32 to index
        %get3A_538 = arith.constant 32 : index
        %get3A_539 = tpu.vector_load %arg13[%get3A_537, %get3A_538] {strides = array<i32>} : memref<32x128xf32, #tpu.memory_space<vmem>>, vector<16xf32>,
        %mul3A_540 = arith.mulf %get3A_539, %gather3A_522 : vector<16xf32>
        %swap3A_541 = arith.index_cast %scan3A_520 : i32 to index
        %swap3A_542 = arith.constant 32 : index
        %swap3A_543 = tpu.vector_load %arg13[%swap3A_541, %swap3A_542] {strides = array<i32>} : memref<32x128xf32, #tpu.memory_space<vmem>>, vector<16xf32>,
        tpu.vector_store %arg13[%swap3A_541, %swap3A_542], %mul3A_540 {strides = array<i32>} : memref<32x128xf32, #tpu.memory_space<vmem>>, vector<16xf32>,
        %get3A_544 = arith.index_cast %scan3A_520 : i32 to index
        %get3A_545 = arith.constant 48 : index
        %get3A_546 = tpu.vector_load %arg13[%get3A_544, %get3A_545] {strides = array<i32>} : memref<32x128xf32, #tpu.memory_space<vmem>>, vector<16xf32>,
        %mul3A_547 = arith.mulf %get3A_546, %gather3A_522 : vector<16xf32>
        %swap3A_548 = arith.index_cast %scan3A_520 : i32 to index
        %swap3A_549 = arith.constant 48 : index
        %swap3A_550 = tpu.vector_load %arg13[%swap3A_548, %swap3A_549] {strides = array<i32>} : memref<32x128xf32, #tpu.memory_space<vmem>>, vector<16xf32>,
        tpu.vector_store %arg13[%swap3A_548, %swap3A_549], %mul3A_547 {strides = array<i32>} : memref<32x128xf32, #tpu.memory_space<vmem>>, vector<16xf32>,
        %get3A_551 = arith.index_cast %scan3A_520 : i32 to index
        %get3A_552 = arith.constant 64 : index
        %get3A_553 = tpu.vector_load %arg13[%get3A_551, %get3A_552] {strides = array<i32>} : memref<32x128xf32, #tpu.memory_space<vmem>>, vector<16xf32>,
        %mul3A_554 = arith.mulf %get3A_553, %gather3A_522 : vector<16xf32>
        %swap3A_555 = arith.index_cast %scan3A_520 : i32 to index
        %swap3A_556 = arith.constant 64 : index
        %swap3A_557 = tpu.vector_load %arg13[%swap3A_555, %swap3A_556] {strides = array<i32>} : memref<32x128xf32, #tpu.memory_space<vmem>>, vector<16xf32>,
        tpu.vector_store %arg13[%swap3A_555, %swap3A_556], %mul3A_554 {strides = array<i32>} : memref<32x128xf32, #tpu.memory_space<vmem>>, vector<16xf32>,
        %get3A_558 = arith.index_cast %scan3A_520 : i32 to index
        %get3A_559 = arith.constant 80 : index
        %get3A_560 = tpu.vector_load %arg13[%get3A_558, %get3A_559] {strides = array<i32>} : memref<32x128xf32, #tpu.memory_space<vmem>>, vector<16xf32>,
        %mul3A_561 = arith.mulf %get3A_560, %gather3A_522 : vector<16xf32>
        %swap3A_562 = arith.index_cast %scan3A_520 : i32 to index
        %swap3A_563 = arith.constant 80 : index
        %swap3A_564 = tpu.vector_load %arg13[%swap3A_562, %swap3A_563] {strides = array<i32>} : memref<32x128xf32, #tpu.memory_space<vmem>>, vector<16xf32>,
        tpu.vector_store %arg13[%swap3A_562, %swap3A_563], %mul3A_561 {strides = array<i32>} : memref<32x128xf32, #tpu.memory_space<vmem>>, vector<16xf32>,
        %get3A_565 = arith.index_cast %scan3A_520 : i32 to index
        %get3A_566 = arith.constant 96 : index
        %get3A_567 = tpu.vector_load %arg13[%get3A_565, %get3A_566] {strides = array<i32>} : memref<32x128xf32, #tpu.memory_space<vmem>>, vector<16xf32>,
        %mul3A_568 = arith.mulf %get3A_567, %gather3A_522 : vector<16xf32>
        %swap3A_569 = arith.index_cast %scan3A_520 : i32 to index
        %swap3A_570 = arith.constant 96 : index
        %swap3A_571 = tpu.vector_load %arg13[%swap3A_569, %swap3A_570] {strides = array<i32>} : memref<32x128xf32, #tpu.memory_space<vmem>>, vector<16xf32>,
        tpu.vector_store %arg13[%swap3A_569, %swap3A_570], %mul3A_568 {strides = array<i32>} : memref<32x128xf32, #tpu.memory_space<vmem>>, vector<16xf32>,
        %get3A_572 = arith.index_cast %scan3A_520 : i32 to index
        %get3A_573 = arith.constant 112 : index
        %get3A_574 = tpu.vector_load %arg13[%get3A_572, %get3A_573] {strides = array<i32>} : memref<32x128xf32, #tpu.memory_space<vmem>>, vector<16xf32>,
        %mul3A_575 = arith.mulf %get3A_574, %gather3A_522 : vector<16xf32>
        %swap3A_576 = arith.index_cast %scan3A_520 : i32 to index
        %swap3A_577 = arith.constant 112 : index
        %swap3A_578 = tpu.vector_load %arg13[%swap3A_576, %swap3A_577] {strides = array<i32>} : memref<32x128xf32, #tpu.memory_space<vmem>>, vector<16xf32>,
        tpu.vector_store %arg13[%swap3A_576, %swap3A_577], %mul3A_575 {strides = array<i32>} : memref<32x128xf32, #tpu.memory_space<vmem>>, vector<16xf32>,
      }
      %scan3A_263 = arith.constant 32 : i32
      %dma_start3A_264 = arith.constant 0 : i32
      %dma_start3A_265 = arith.constant 0 : i32
      %dma_start3A_266 = tpu.memref_slice %arg9[%dma_start3A_264, %dma_start3A_265] : memref<10240x128xf32, #tpu.memory_space<vmem_shared>> -> memref<10240x128xf32, #tpu.memory_space<vmem_shared>>
      tpu.enqueue_indirect_dma source(%arg13 : memref<32x128xf32, #tpu.memory_space<vmem>>) target(%dma_start3A_266 : memref<10240x128xf32, #tpu.memory_space<vmem_shared>>) offsets(%arg25 : memref<32xi32, #tpu.memory_space<vmem>>) semaphore(%arg35 : memref<!tpu.dma_semaphore, #tpu.memory_space<semaphore_mem>>) {add = true}
      %add3A_267 = arith.constant 3 : i32
      %add3A_268 = arith.addi %add3A_204, %add3A_267 : i32
      %lt3A = arith.constant 312 : i32
      %lt3A_269 = arith.cmpi slt, %add3A_268, %lt3A : i32
      %convert_element_type3A_270 = arith.extui %lt3A_269 : i1 to i32
      %cond3A_271 = arith.constant 0 : i32
      %cond3A_272 = arith.cmpi ne, %convert_element_type3A_270, %cond3A_271 : i32
      scf.if %cond3A_272 {
        %add3A_520 = arith.constant 3 : i32
        %add3A_521 = arith.addi %add3A_204, %add3A_520 : i32
        %mul3A_522 = arith.constant 32 : i32
        %mul3A_523 = arith.muli %add3A_521, %mul3A_522 : i32
        %add3A_524 = arith.addi %mul3A_96, %mul3A_523 : i32
        %dma_start3A_525 = tpu.memref_slice %arg2[%add3A_524] : memref<320000xi32, #tpu.memory_space<hbm>> -> memref<32xi32, #tpu.memory_space<hbm>>
        %dma_start3A_526 = tpu.memref_slice %arg2[%add3A_524] : memref<320000xi32, #tpu.memory_space<hbm>> -> memref<32xi32, #tpu.memory_space<hbm>>
        tpu.enqueue_dma source(%dma_start3A_526 : memref<32xi32, #tpu.memory_space<hbm>>) target(%arg20 : memref<32xi32, #tpu.memory_space<vmem>>) target_semaphore(%arg42 : memref<!tpu.dma_semaphore, #tpu.memory_space<semaphore_mem>>)
        %dma_start3A_527 = tpu.memref_slice %arg3[%add3A_524] : memref<320000xi32, #tpu.memory_space<hbm>> -> memref<32xi32, #tpu.memory_space<hbm>>
        %dma_start3A_528 = tpu.memref_slice %arg3[%add3A_524] : memref<320000xi32, #tpu.memory_space<hbm>> -> memref<32xi32, #tpu.memory_space<hbm>>
        tpu.enqueue_dma source(%dma_start3A_528 : memref<32xi32, #tpu.memory_space<hbm>>) target(%arg24 : memref<32xi32, #tpu.memory_space<vmem>>) target_semaphore(%arg42 : memref<!tpu.dma_semaphore, #tpu.memory_space<semaphore_mem>>)
      } else {
      }
      %add3A_273 = arith.constant 2 : i32
      %add3A_274 = arith.addi %add3A_204, %add3A_273 : i32
      %lt3A_275 = arith.constant 312 : i32
      %lt3A_276 = arith.cmpi slt, %add3A_274, %lt3A_275 : i32
      %convert_element_type3A_277 = arith.extui %lt3A_276 : i1 to i32
      %cond3A_278 = arith.constant 0 : i32
      %cond3A_279 = arith.cmpi ne, %convert_element_type3A_277, %cond3A_278 : i32
      scf.if %cond3A_279 {
        %ge3A_520 = arith.constant 1 : i32
        %ge3A_521 = arith.cmpi sge, %add3A_204, %ge3A_520 : i32
        %convert_element_type3A_522 = arith.extui %ge3A_521 : i1 to i32
        %cond3A_523 = arith.constant 0 : i32
        %cond3A_524 = arith.cmpi ne, %convert_element_type3A_522, %cond3A_523 : i32
        scf.if %cond3A_524 {
          %dma_wait3A_533 = arith.constant 0 : i32
          %dma_wait3A_534 = tpu.memref_slice %arg2[%dma_wait3A_533] : memref<320000xi32, #tpu.memory_space<hbm>> -> memref<32xi32, #tpu.memory_space<hbm>>
          %dma_wait3A_535 = arith.constant 0 : i32
          %dma_wait3A_536 = tpu.memref_slice %arg2[%dma_wait3A_535] : memref<320000xi32, #tpu.memory_space<hbm>> -> memref<32xi32, #tpu.memory_space<hbm>>
          tpu.wait_dma2 semaphore(%arg41 : memref<!tpu.dma_semaphore, #tpu.memory_space<semaphore_mem>>) src(%dma_wait3A_536 : memref<32xi32, #tpu.memory_space<hbm>>) dst(%arg19 : memref<32xi32, #tpu.memory_space<vmem>>)
          %dma_wait3A_537 = arith.constant 0 : i32
          %dma_wait3A_538 = tpu.memref_slice %arg3[%dma_wait3A_537] : memref<320000xi32, #tpu.memory_space<hbm>> -> memref<32xi32, #tpu.memory_space<hbm>>
          %dma_wait3A_539 = arith.constant 0 : i32
          %dma_wait3A_540 = tpu.memref_slice %arg3[%dma_wait3A_539] : memref<320000xi32, #tpu.memory_space<hbm>> -> memref<32xi32, #tpu.memory_space<hbm>>
          tpu.wait_dma2 semaphore(%arg41 : memref<!tpu.dma_semaphore, #tpu.memory_space<semaphore_mem>>) src(%dma_wait3A_540 : memref<32xi32, #tpu.memory_space<hbm>>) dst(%arg23 : memref<32xi32, #tpu.memory_space<vmem>>)
        } else {
        }
        %ge3A_525 = arith.constant 2 : i32
        %ge3A_526 = arith.cmpi sge, %add3A_204, %ge3A_525 : i32
        %convert_element_type3A_527 = arith.extui %ge3A_526 : i1 to i32
        %cond3A_528 = arith.constant 0 : i32
        %cond3A_529 = arith.cmpi ne, %convert_element_type3A_527, %cond3A_528 : i32
        scf.if %cond3A_529 {
          %dma_wait3A_533 = arith.constant 0 : i32
          %dma_wait3A_534 = arith.constant 0 : i32
          %dma_wait3A_535 = tpu.memref_slice %arg9[%dma_wait3A_533, %dma_wait3A_534] : memref<10240x128xf32, #tpu.memory_space<vmem_shared>> -> memref<10240x128xf32, #tpu.memory_space<vmem_shared>>
          tpu.wait_indirect_dma semaphore(%arg37 : memref<!tpu.dma_semaphore, #tpu.memory_space<semaphore_mem>>) src(%arg15 : memref<32x128xf32, #tpu.memory_space<vmem>>) dst(%dma_wait3A_535 : memref<10240x128xf32, #tpu.memory_space<vmem_shared>>)
        } else {
        }
        %dma_start3A_530 = arith.constant 0 : i32
        %dma_start3A_531 = arith.constant 0 : i32
        %dma_start3A_532 = tpu.memref_slice %arg6[%dma_start3A_530, %dma_start3A_531] : memref<10000x128xf32, #tpu.memory_space<hbm>> -> memref<10000x128xf32, #tpu.memory_space<hbm>>
        tpu.enqueue_indirect_dma source(%dma_start3A_532 : memref<10000x128xf32, #tpu.memory_space<hbm>>) target(%arg15 : memref<32x128xf32, #tpu.memory_space<vmem>>) offsets(%arg19 : memref<32xi32, #tpu.memory_space<vmem>>) semaphore(%arg33 : memref<!tpu.dma_semaphore, #tpu.memory_space<semaphore_mem>>)
      } else {
      }
      %mul3A_280 = arith.constant 4 : i32
      %mul3A_281 = arith.muli %mul3A_280, %scan3A_200 : i32
      %add3A_282 = arith.constant 1 : i32
      %add3A_283 = arith.addi %mul3A_281, %add3A_282 : i32
      %dma_wait3A_284 = arith.constant 0 : i32
      %dma_wait3A_285 = arith.constant 0 : i32
      %dma_wait3A_286 = tpu.memref_slice %arg6[%dma_wait3A_284, %dma_wait3A_285] : memref<10000x128xf32, #tpu.memory_space<hbm>> -> memref<10000x128xf32, #tpu.memory_space<hbm>>
      tpu.wait_indirect_dma semaphore(%arg32 : memref<!tpu.dma_semaphore, #tpu.memory_space<semaphore_mem>>) src(%dma_wait3A_286 : memref<10000x128xf32, #tpu.memory_space<hbm>>) dst(%arg14 : memref<32x128xf32, #tpu.memory_space<vmem>>)
      %get3A_287 = arith.constant 0 : index
      %get3A_288 = tpu.vector_load %arg22[%get3A_287] {strides = array<i32>} : memref<32xi32, #tpu.memory_space<vmem>>, vector<16xi32>,
      %get3A_289 = arith.constant 0 : index
      %get3A_290 = tpu.vector_load %arg18[%get3A_289] {strides = array<i32>} : memref<32xi32, #tpu.memory_space<vmem>>, vector<16xi32>,
      %gather3A_291 = tpu.vector_load_idx %arg11[%get3A_290] : memref<10000xf32, #tpu.memory_space<vmem>>[vector<16xi32>], vector<16xf32>,
      %gather3A_292 = tpu.vector_load_idx %arg12[%get3A_288] : memref<10000xf32, #tpu.memory_space<vmem>>[vector<16xi32>], vector<16xf32>,
      %add3A_293 = arith.addf %gather3A_291, %gather3A_292 : vector<16xf32>
      %ge3A_294 = arith.constant 0.000000e+00 : f32
      %ge3A_295 = vector.broadcast %ge3A_294 : f32 to vector<16xf32>
      %ge3A_296 = arith.cmpf oge, %add3A_293, %ge3A_295 : vector<16xf32>
      %mul3A_297 = arith.constant 2.000000e-01 : f32
      %mul3A_298 = vector.broadcast %mul3A_297 : f32 to vector<16xf32>
      %mul3A_299 = arith.mulf %mul3A_298, %add3A_293 : vector<16xf32>
      %select_n3A_300 = arith.select %ge3A_296, %add3A_293, %mul3A_299 : vector<16xi1>, vector<16xf32>
      %exp3A_301 = math.exp %select_n3A_300 : vector<16xf32>
      %swap3A_302 = arith.constant 0 : index
      %swap3A_303 = tpu.vector_load %arg29[%swap3A_302] {strides = array<i32>} : memref<32xf32, #tpu.memory_space<vmem>>, vector<16xf32>,
      tpu.vector_store %arg29[%swap3A_302], %exp3A_301 {strides = array<i32>} : memref<32xf32, #tpu.memory_space<vmem>>, vector<16xf32>,
      %shift_right_logical3A_304 = arith.constant 7 : i32
      %shift_right_logical3A_305 = vector.broadcast %shift_right_logical3A_304 : i32 to vector<16xi32>
      %shift_right_logical3A_306 = arith.shrui %get3A_288, %shift_right_logical3A_305 : vector<16xi32>
      %and3A_307 = arith.constant 127 : i32
      %and3A_308 = vector.broadcast %and3A_307 : i32 to vector<16xi32>
      %and3A_309 = arith.andi %get3A_288, %and3A_308 : vector<16xi32>
      tpu.vector_store_idx %arg30[%shift_right_logical3A_306, %and3A_309], %exp3A_301 {add = true} : memref<80x128xf32, #tpu.memory_space<vmem>>[vector<16xi32>, vector<16xi32>], vector<16xf32>,
      %swap3A_310 = arith.constant 0 : index
      %swap3A_311 = tpu.vector_load %arg26[%swap3A_310] {strides = array<i32>} : memref<32xi32, #tpu.memory_space<vmem>>, vector<16xi32>,
      tpu.vector_store %arg26[%swap3A_310], %get3A_288 {strides = array<i32>} : memref<32xi32, #tpu.memory_space<vmem>>, vector<16xi32>,
      %get3A_312 = arith.constant 16 : index
      %get3A_313 = tpu.vector_load %arg22[%get3A_312] {strides = array<i32>} : memref<32xi32, #tpu.memory_space<vmem>>, vector<16xi32>,
      %get3A_314 = arith.constant 16 : index
      %get3A_315 = tpu.vector_load %arg18[%get3A_314] {strides = array<i32>} : memref<32xi32, #tpu.memory_space<vmem>>, vector<16xi32>,
      %gather3A_316 = tpu.vector_load_idx %arg11[%get3A_315] : memref<10000xf32, #tpu.memory_space<vmem>>[vector<16xi32>], vector<16xf32>,
      %gather3A_317 = tpu.vector_load_idx %arg12[%get3A_313] : memref<10000xf32, #tpu.memory_space<vmem>>[vector<16xi32>], vector<16xf32>,
      %add3A_318 = arith.addf %gather3A_316, %gather3A_317 : vector<16xf32>
      %ge3A_319 = arith.constant 0.000000e+00 : f32
      %ge3A_320 = vector.broadcast %ge3A_319 : f32 to vector<16xf32>
      %ge3A_321 = arith.cmpf oge, %add3A_318, %ge3A_320 : vector<16xf32>
      %mul3A_322 = arith.constant 2.000000e-01 : f32
      %mul3A_323 = vector.broadcast %mul3A_322 : f32 to vector<16xf32>
      %mul3A_324 = arith.mulf %mul3A_323, %add3A_318 : vector<16xf32>
      %select_n3A_325 = arith.select %ge3A_321, %add3A_318, %mul3A_324 : vector<16xi1>, vector<16xf32>
      %exp3A_326 = math.exp %select_n3A_325 : vector<16xf32>
      %swap3A_327 = arith.constant 16 : index
      %swap3A_328 = tpu.vector_load %arg29[%swap3A_327] {strides = array<i32>} : memref<32xf32, #tpu.memory_space<vmem>>, vector<16xf32>,
      tpu.vector_store %arg29[%swap3A_327], %exp3A_326 {strides = array<i32>} : memref<32xf32, #tpu.memory_space<vmem>>, vector<16xf32>,
      %shift_right_logical3A_329 = arith.constant 7 : i32
      %shift_right_logical3A_330 = vector.broadcast %shift_right_logical3A_329 : i32 to vector<16xi32>
      %shift_right_logical3A_331 = arith.shrui %get3A_313, %shift_right_logical3A_330 : vector<16xi32>
      %and3A_332 = arith.constant 127 : i32
      %and3A_333 = vector.broadcast %and3A_332 : i32 to vector<16xi32>
      %and3A_334 = arith.andi %get3A_313, %and3A_333 : vector<16xi32>
      tpu.vector_store_idx %arg30[%shift_right_logical3A_331, %and3A_334], %exp3A_326 {add = true} : memref<80x128xf32, #tpu.memory_space<vmem>>[vector<16xi32>, vector<16xi32>], vector<16xf32>,
      %swap3A_335 = arith.constant 16 : index
      %swap3A_336 = tpu.vector_load %arg26[%swap3A_335] {strides = array<i32>} : memref<32xi32, #tpu.memory_space<vmem>>, vector<16xi32>,
      tpu.vector_store %arg26[%swap3A_335], %get3A_313 {strides = array<i32>} : memref<32xi32, #tpu.memory_space<vmem>>, vector<16xi32>,
      %scan3A_337 = arith.constant 0 : i32
      %scan3A_338 = arith.constant 0 : i32
      %scan3A_339 = arith.constant 32 : i32
      %scan3A_340 = arith.addi %scan3A_338, %scan3A_339 : i32
      %scan3A_341 = arith.constant 1 : i32
      scf.for %scan3A_520 = %scan3A_338 to %scan3A_340 step %scan3A_341  : i32 {
        %broadcast_in_dim3A_521 = vector.broadcast %scan3A_520 : i32 to vector<16xi32>
        %gather3A_522 = tpu.vector_load_idx %arg29[%broadcast_in_dim3A_521] : memref<32xf32, #tpu.memory_space<vmem>>[vector<16xi32>], vector<16xf32>,
        %get3A_523 = arith.index_cast %scan3A_520 : i32 to index
        %get3A_524 = arith.constant 0 : index
        %get3A_525 = tpu.vector_load %arg14[%get3A_523, %get3A_524] {strides = array<i32>} : memref<32x128xf32, #tpu.memory_space<vmem>>, vector<16xf32>,
        %mul3A_526 = arith.mulf %get3A_525, %gather3A_522 : vector<16xf32>
        %swap3A_527 = arith.index_cast %scan3A_520 : i32 to index
        %swap3A_528 = arith.constant 0 : index
        %swap3A_529 = tpu.vector_load %arg14[%swap3A_527, %swap3A_528] {strides = array<i32>} : memref<32x128xf32, #tpu.memory_space<vmem>>, vector<16xf32>,
        tpu.vector_store %arg14[%swap3A_527, %swap3A_528], %mul3A_526 {strides = array<i32>} : memref<32x128xf32, #tpu.memory_space<vmem>>, vector<16xf32>,
        %get3A_530 = arith.index_cast %scan3A_520 : i32 to index
        %get3A_531 = arith.constant 16 : index
        %get3A_532 = tpu.vector_load %arg14[%get3A_530, %get3A_531] {strides = array<i32>} : memref<32x128xf32, #tpu.memory_space<vmem>>, vector<16xf32>,
        %mul3A_533 = arith.mulf %get3A_532, %gather3A_522 : vector<16xf32>
        %swap3A_534 = arith.index_cast %scan3A_520 : i32 to index
        %swap3A_535 = arith.constant 16 : index
        %swap3A_536 = tpu.vector_load %arg14[%swap3A_534, %swap3A_535] {strides = array<i32>} : memref<32x128xf32, #tpu.memory_space<vmem>>, vector<16xf32>,
        tpu.vector_store %arg14[%swap3A_534, %swap3A_535], %mul3A_533 {strides = array<i32>} : memref<32x128xf32, #tpu.memory_space<vmem>>, vector<16xf32>,
        %get3A_537 = arith.index_cast %scan3A_520 : i32 to index
        %get3A_538 = arith.constant 32 : index
        %get3A_539 = tpu.vector_load %arg14[%get3A_537, %get3A_538] {strides = array<i32>} : memref<32x128xf32, #tpu.memory_space<vmem>>, vector<16xf32>,
        %mul3A_540 = arith.mulf %get3A_539, %gather3A_522 : vector<16xf32>
        %swap3A_541 = arith.index_cast %scan3A_520 : i32 to index
        %swap3A_542 = arith.constant 32 : index
        %swap3A_543 = tpu.vector_load %arg14[%swap3A_541, %swap3A_542] {strides = array<i32>} : memref<32x128xf32, #tpu.memory_space<vmem>>, vector<16xf32>,
        tpu.vector_store %arg14[%swap3A_541, %swap3A_542], %mul3A_540 {strides = array<i32>} : memref<32x128xf32, #tpu.memory_space<vmem>>, vector<16xf32>,
        %get3A_544 = arith.index_cast %scan3A_520 : i32 to index
        %get3A_545 = arith.constant 48 : index
        %get3A_546 = tpu.vector_load %arg14[%get3A_544, %get3A_545] {strides = array<i32>} : memref<32x128xf32, #tpu.memory_space<vmem>>, vector<16xf32>,
        %mul3A_547 = arith.mulf %get3A_546, %gather3A_522 : vector<16xf32>
        %swap3A_548 = arith.index_cast %scan3A_520 : i32 to index
        %swap3A_549 = arith.constant 48 : index
        %swap3A_550 = tpu.vector_load %arg14[%swap3A_548, %swap3A_549] {strides = array<i32>} : memref<32x128xf32, #tpu.memory_space<vmem>>, vector<16xf32>,
        tpu.vector_store %arg14[%swap3A_548, %swap3A_549], %mul3A_547 {strides = array<i32>} : memref<32x128xf32, #tpu.memory_space<vmem>>, vector<16xf32>,
        %get3A_551 = arith.index_cast %scan3A_520 : i32 to index
        %get3A_552 = arith.constant 64 : index
        %get3A_553 = tpu.vector_load %arg14[%get3A_551, %get3A_552] {strides = array<i32>} : memref<32x128xf32, #tpu.memory_space<vmem>>, vector<16xf32>,
        %mul3A_554 = arith.mulf %get3A_553, %gather3A_522 : vector<16xf32>
        %swap3A_555 = arith.index_cast %scan3A_520 : i32 to index
        %swap3A_556 = arith.constant 64 : index
        %swap3A_557 = tpu.vector_load %arg14[%swap3A_555, %swap3A_556] {strides = array<i32>} : memref<32x128xf32, #tpu.memory_space<vmem>>, vector<16xf32>,
        tpu.vector_store %arg14[%swap3A_555, %swap3A_556], %mul3A_554 {strides = array<i32>} : memref<32x128xf32, #tpu.memory_space<vmem>>, vector<16xf32>,
        %get3A_558 = arith.index_cast %scan3A_520 : i32 to index
        %get3A_559 = arith.constant 80 : index
        %get3A_560 = tpu.vector_load %arg14[%get3A_558, %get3A_559] {strides = array<i32>} : memref<32x128xf32, #tpu.memory_space<vmem>>, vector<16xf32>,
        %mul3A_561 = arith.mulf %get3A_560, %gather3A_522 : vector<16xf32>
        %swap3A_562 = arith.index_cast %scan3A_520 : i32 to index
        %swap3A_563 = arith.constant 80 : index
        %swap3A_564 = tpu.vector_load %arg14[%swap3A_562, %swap3A_563] {strides = array<i32>} : memref<32x128xf32, #tpu.memory_space<vmem>>, vector<16xf32>,
        tpu.vector_store %arg14[%swap3A_562, %swap3A_563], %mul3A_561 {strides = array<i32>} : memref<32x128xf32, #tpu.memory_space<vmem>>, vector<16xf32>,
        %get3A_565 = arith.index_cast %scan3A_520 : i32 to index
        %get3A_566 = arith.constant 96 : index
        %get3A_567 = tpu.vector_load %arg14[%get3A_565, %get3A_566] {strides = array<i32>} : memref<32x128xf32, #tpu.memory_space<vmem>>, vector<16xf32>,
        %mul3A_568 = arith.mulf %get3A_567, %gather3A_522 : vector<16xf32>
        %swap3A_569 = arith.index_cast %scan3A_520 : i32 to index
        %swap3A_570 = arith.constant 96 : index
        %swap3A_571 = tpu.vector_load %arg14[%swap3A_569, %swap3A_570] {strides = array<i32>} : memref<32x128xf32, #tpu.memory_space<vmem>>, vector<16xf32>,
        tpu.vector_store %arg14[%swap3A_569, %swap3A_570], %mul3A_568 {strides = array<i32>} : memref<32x128xf32, #tpu.memory_space<vmem>>, vector<16xf32>,
        %get3A_572 = arith.index_cast %scan3A_520 : i32 to index
        %get3A_573 = arith.constant 112 : index
        %get3A_574 = tpu.vector_load %arg14[%get3A_572, %get3A_573] {strides = array<i32>} : memref<32x128xf32, #tpu.memory_space<vmem>>, vector<16xf32>,
        %mul3A_575 = arith.mulf %get3A_574, %gather3A_522 : vector<16xf32>
        %swap3A_576 = arith.index_cast %scan3A_520 : i32 to index
        %swap3A_577 = arith.constant 112 : index
        %swap3A_578 = tpu.vector_load %arg14[%swap3A_576, %swap3A_577] {strides = array<i32>} : memref<32x128xf32, #tpu.memory_space<vmem>>, vector<16xf32>,
        tpu.vector_store %arg14[%swap3A_576, %swap3A_577], %mul3A_575 {strides = array<i32>} : memref<32x128xf32, #tpu.memory_space<vmem>>, vector<16xf32>,
      }
      %scan3A_342 = arith.constant 32 : i32
      %dma_start3A_343 = arith.constant 0 : i32
      %dma_start3A_344 = arith.constant 0 : i32
      %dma_start3A_345 = tpu.memref_slice %arg9[%dma_start3A_343, %dma_start3A_344] : memref<10240x128xf32, #tpu.memory_space<vmem_shared>> -> memref<10240x128xf32, #tpu.memory_space<vmem_shared>>
      tpu.enqueue_indirect_dma source(%arg14 : memref<32x128xf32, #tpu.memory_space<vmem>>) target(%dma_start3A_345 : memref<10240x128xf32, #tpu.memory_space<vmem_shared>>) offsets(%arg26 : memref<32xi32, #tpu.memory_space<vmem>>) semaphore(%arg36 : memref<!tpu.dma_semaphore, #tpu.memory_space<semaphore_mem>>) {add = true}
      %add3A_346 = arith.constant 3 : i32
      %add3A_347 = arith.addi %add3A_283, %add3A_346 : i32
      %lt3A_348 = arith.constant 312 : i32
      %lt3A_349 = arith.cmpi slt, %add3A_347, %lt3A_348 : i32
      %convert_element_type3A_350 = arith.extui %lt3A_349 : i1 to i32
      %cond3A_351 = arith.constant 0 : i32
      %cond3A_352 = arith.cmpi ne, %convert_element_type3A_350, %cond3A_351 : i32
      scf.if %cond3A_352 {
        %add3A_520 = arith.constant 3 : i32
        %add3A_521 = arith.addi %add3A_283, %add3A_520 : i32
        %mul3A_522 = arith.constant 32 : i32
        %mul3A_523 = arith.muli %add3A_521, %mul3A_522 : i32
        %add3A_524 = arith.addi %mul3A_96, %mul3A_523 : i32
        %dma_start3A_525 = tpu.memref_slice %arg2[%add3A_524] : memref<320000xi32, #tpu.memory_space<hbm>> -> memref<32xi32, #tpu.memory_space<hbm>>
        %dma_start3A_526 = tpu.memref_slice %arg2[%add3A_524] : memref<320000xi32, #tpu.memory_space<hbm>> -> memref<32xi32, #tpu.memory_space<hbm>>
        tpu.enqueue_dma source(%dma_start3A_526 : memref<32xi32, #tpu.memory_space<hbm>>) target(%arg17 : memref<32xi32, #tpu.memory_space<vmem>>) target_semaphore(%arg39 : memref<!tpu.dma_semaphore, #tpu.memory_space<semaphore_mem>>)
        %dma_start3A_527 = tpu.memref_slice %arg3[%add3A_524] : memref<320000xi32, #tpu.memory_space<hbm>> -> memref<32xi32, #tpu.memory_space<hbm>>
        %dma_start3A_528 = tpu.memref_slice %arg3[%add3A_524] : memref<320000xi32, #tpu.memory_space<hbm>> -> memref<32xi32, #tpu.memory_space<hbm>>
        tpu.enqueue_dma source(%dma_start3A_528 : memref<32xi32, #tpu.memory_space<hbm>>) target(%arg21 : memref<32xi32, #tpu.memory_space<vmem>>) target_semaphore(%arg39 : memref<!tpu.dma_semaphore, #tpu.memory_space<semaphore_mem>>)
      } else {
      }
      %add3A_353 = arith.constant 2 : i32
      %add3A_354 = arith.addi %add3A_283, %add3A_353 : i32
      %lt3A_355 = arith.constant 312 : i32
      %lt3A_356 = arith.cmpi slt, %add3A_354, %lt3A_355 : i32
      %convert_element_type3A_357 = arith.extui %lt3A_356 : i1 to i32
      %cond3A_358 = arith.constant 0 : i32
      %cond3A_359 = arith.cmpi ne, %convert_element_type3A_357, %cond3A_358 : i32
      scf.if %cond3A_359 {
        %ge3A_520 = arith.constant 1 : i32
        %ge3A_521 = arith.cmpi sge, %add3A_283, %ge3A_520 : i32
        %convert_element_type3A_522 = arith.extui %ge3A_521 : i1 to i32
        %cond3A_523 = arith.constant 0 : i32
        %cond3A_524 = arith.cmpi ne, %convert_element_type3A_522, %cond3A_523 : i32
        scf.if %cond3A_524 {
          %dma_wait3A_533 = arith.constant 0 : i32
          %dma_wait3A_534 = tpu.memref_slice %arg2[%dma_wait3A_533] : memref<320000xi32, #tpu.memory_space<hbm>> -> memref<32xi32, #tpu.memory_space<hbm>>
          %dma_wait3A_535 = arith.constant 0 : i32
          %dma_wait3A_536 = tpu.memref_slice %arg2[%dma_wait3A_535] : memref<320000xi32, #tpu.memory_space<hbm>> -> memref<32xi32, #tpu.memory_space<hbm>>
          tpu.wait_dma2 semaphore(%arg42 : memref<!tpu.dma_semaphore, #tpu.memory_space<semaphore_mem>>) src(%dma_wait3A_536 : memref<32xi32, #tpu.memory_space<hbm>>) dst(%arg20 : memref<32xi32, #tpu.memory_space<vmem>>)
          %dma_wait3A_537 = arith.constant 0 : i32
          %dma_wait3A_538 = tpu.memref_slice %arg3[%dma_wait3A_537] : memref<320000xi32, #tpu.memory_space<hbm>> -> memref<32xi32, #tpu.memory_space<hbm>>
          %dma_wait3A_539 = arith.constant 0 : i32
          %dma_wait3A_540 = tpu.memref_slice %arg3[%dma_wait3A_539] : memref<320000xi32, #tpu.memory_space<hbm>> -> memref<32xi32, #tpu.memory_space<hbm>>
          tpu.wait_dma2 semaphore(%arg42 : memref<!tpu.dma_semaphore, #tpu.memory_space<semaphore_mem>>) src(%dma_wait3A_540 : memref<32xi32, #tpu.memory_space<hbm>>) dst(%arg24 : memref<32xi32, #tpu.memory_space<vmem>>)
        } else {
        }
        %ge3A_525 = arith.constant 2 : i32
        %ge3A_526 = arith.cmpi sge, %add3A_283, %ge3A_525 : i32
        %convert_element_type3A_527 = arith.extui %ge3A_526 : i1 to i32
        %cond3A_528 = arith.constant 0 : i32
        %cond3A_529 = arith.cmpi ne, %convert_element_type3A_527, %cond3A_528 : i32
        scf.if %cond3A_529 {
          %dma_wait3A_533 = arith.constant 0 : i32
          %dma_wait3A_534 = arith.constant 0 : i32
          %dma_wait3A_535 = tpu.memref_slice %arg9[%dma_wait3A_533, %dma_wait3A_534] : memref<10240x128xf32, #tpu.memory_space<vmem_shared>> -> memref<10240x128xf32, #tpu.memory_space<vmem_shared>>
          tpu.wait_indirect_dma semaphore(%arg38 : memref<!tpu.dma_semaphore, #tpu.memory_space<semaphore_mem>>) src(%arg16 : memref<32x128xf32, #tpu.memory_space<vmem>>) dst(%dma_wait3A_535 : memref<10240x128xf32, #tpu.memory_space<vmem_shared>>)
        } else {
        }
        %dma_start3A_530 = arith.constant 0 : i32
        %dma_start3A_531 = arith.constant 0 : i32
        %dma_start3A_532 = tpu.memref_slice %arg6[%dma_start3A_530, %dma_start3A_531] : memref<10000x128xf32, #tpu.memory_space<hbm>> -> memref<10000x128xf32, #tpu.memory_space<hbm>>
        tpu.enqueue_indirect_dma source(%dma_start3A_532 : memref<10000x128xf32, #tpu.memory_space<hbm>>) target(%arg16 : memref<32x128xf32, #tpu.memory_space<vmem>>) offsets(%arg20 : memref<32xi32, #tpu.memory_space<vmem>>) semaphore(%arg34 : memref<!tpu.dma_semaphore, #tpu.memory_space<semaphore_mem>>)
      } else {
      }
      %mul3A_360 = arith.constant 4 : i32
      %mul3A_361 = arith.muli %mul3A_360, %scan3A_200 : i32
      %add3A_362 = arith.constant 2 : i32
      %add3A_363 = arith.addi %mul3A_361, %add3A_362 : i32
      %dma_wait3A_364 = arith.constant 0 : i32
      %dma_wait3A_365 = arith.constant 0 : i32
      %dma_wait3A_366 = tpu.memref_slice %arg6[%dma_wait3A_364, %dma_wait3A_365] : memref<10000x128xf32, #tpu.memory_space<hbm>> -> memref<10000x128xf32, #tpu.memory_space<hbm>>
      tpu.wait_indirect_dma semaphore(%arg33 : memref<!tpu.dma_semaphore, #tpu.memory_space<semaphore_mem>>) src(%dma_wait3A_366 : memref<10000x128xf32, #tpu.memory_space<hbm>>) dst(%arg15 : memref<32x128xf32, #tpu.memory_space<vmem>>)
      %get3A_367 = arith.constant 0 : index
      %get3A_368 = tpu.vector_load %arg23[%get3A_367] {strides = array<i32>} : memref<32xi32, #tpu.memory_space<vmem>>, vector<16xi32>,
      %get3A_369 = arith.constant 0 : index
      %get3A_370 = tpu.vector_load %arg19[%get3A_369] {strides = array<i32>} : memref<32xi32, #tpu.memory_space<vmem>>, vector<16xi32>,
      %gather3A_371 = tpu.vector_load_idx %arg11[%get3A_370] : memref<10000xf32, #tpu.memory_space<vmem>>[vector<16xi32>], vector<16xf32>,
      %gather3A_372 = tpu.vector_load_idx %arg12[%get3A_368] : memref<10000xf32, #tpu.memory_space<vmem>>[vector<16xi32>], vector<16xf32>,
      %add3A_373 = arith.addf %gather3A_371, %gather3A_372 : vector<16xf32>
      %ge3A_374 = arith.constant 0.000000e+00 : f32
      %ge3A_375 = vector.broadcast %ge3A_374 : f32 to vector<16xf32>
      %ge3A_376 = arith.cmpf oge, %add3A_373, %ge3A_375 : vector<16xf32>
      %mul3A_377 = arith.constant 2.000000e-01 : f32
      %mul3A_378 = vector.broadcast %mul3A_377 : f32 to vector<16xf32>
      %mul3A_379 = arith.mulf %mul3A_378, %add3A_373 : vector<16xf32>
      %select_n3A_380 = arith.select %ge3A_376, %add3A_373, %mul3A_379 : vector<16xi1>, vector<16xf32>
      %exp3A_381 = math.exp %select_n3A_380 : vector<16xf32>
      %swap3A_382 = arith.constant 0 : index
      %swap3A_383 = tpu.vector_load %arg29[%swap3A_382] {strides = array<i32>} : memref<32xf32, #tpu.memory_space<vmem>>, vector<16xf32>,
      tpu.vector_store %arg29[%swap3A_382], %exp3A_381 {strides = array<i32>} : memref<32xf32, #tpu.memory_space<vmem>>, vector<16xf32>,
      %shift_right_logical3A_384 = arith.constant 7 : i32
      %shift_right_logical3A_385 = vector.broadcast %shift_right_logical3A_384 : i32 to vector<16xi32>
      %shift_right_logical3A_386 = arith.shrui %get3A_368, %shift_right_logical3A_385 : vector<16xi32>
      %and3A_387 = arith.constant 127 : i32
      %and3A_388 = vector.broadcast %and3A_387 : i32 to vector<16xi32>
      %and3A_389 = arith.andi %get3A_368, %and3A_388 : vector<16xi32>
      tpu.vector_store_idx %arg30[%shift_right_logical3A_386, %and3A_389], %exp3A_381 {add = true} : memref<80x128xf32, #tpu.memory_space<vmem>>[vector<16xi32>, vector<16xi32>], vector<16xf32>,
      %swap3A_390 = arith.constant 0 : index
      %swap3A_391 = tpu.vector_load %arg27[%swap3A_390] {strides = array<i32>} : memref<32xi32, #tpu.memory_space<vmem>>, vector<16xi32>,
      tpu.vector_store %arg27[%swap3A_390], %get3A_368 {strides = array<i32>} : memref<32xi32, #tpu.memory_space<vmem>>, vector<16xi32>,
      %get3A_392 = arith.constant 16 : index
      %get3A_393 = tpu.vector_load %arg23[%get3A_392] {strides = array<i32>} : memref<32xi32, #tpu.memory_space<vmem>>, vector<16xi32>,
      %get3A_394 = arith.constant 16 : index
      %get3A_395 = tpu.vector_load %arg19[%get3A_394] {strides = array<i32>} : memref<32xi32, #tpu.memory_space<vmem>>, vector<16xi32>,
      %gather3A_396 = tpu.vector_load_idx %arg11[%get3A_395] : memref<10000xf32, #tpu.memory_space<vmem>>[vector<16xi32>], vector<16xf32>,
      %gather3A_397 = tpu.vector_load_idx %arg12[%get3A_393] : memref<10000xf32, #tpu.memory_space<vmem>>[vector<16xi32>], vector<16xf32>,
      %add3A_398 = arith.addf %gather3A_396, %gather3A_397 : vector<16xf32>
      %ge3A_399 = arith.constant 0.000000e+00 : f32
      %ge3A_400 = vector.broadcast %ge3A_399 : f32 to vector<16xf32>
      %ge3A_401 = arith.cmpf oge, %add3A_398, %ge3A_400 : vector<16xf32>
      %mul3A_402 = arith.constant 2.000000e-01 : f32
      %mul3A_403 = vector.broadcast %mul3A_402 : f32 to vector<16xf32>
      %mul3A_404 = arith.mulf %mul3A_403, %add3A_398 : vector<16xf32>
      %select_n3A_405 = arith.select %ge3A_401, %add3A_398, %mul3A_404 : vector<16xi1>, vector<16xf32>
      %exp3A_406 = math.exp %select_n3A_405 : vector<16xf32>
      %swap3A_407 = arith.constant 16 : index
      %swap3A_408 = tpu.vector_load %arg29[%swap3A_407] {strides = array<i32>} : memref<32xf32, #tpu.memory_space<vmem>>, vector<16xf32>,
      tpu.vector_store %arg29[%swap3A_407], %exp3A_406 {strides = array<i32>} : memref<32xf32, #tpu.memory_space<vmem>>, vector<16xf32>,
      %shift_right_logical3A_409 = arith.constant 7 : i32
      %shift_right_logical3A_410 = vector.broadcast %shift_right_logical3A_409 : i32 to vector<16xi32>
      %shift_right_logical3A_411 = arith.shrui %get3A_393, %shift_right_logical3A_410 : vector<16xi32>
      %and3A_412 = arith.constant 127 : i32
      %and3A_413 = vector.broadcast %and3A_412 : i32 to vector<16xi32>
      %and3A_414 = arith.andi %get3A_393, %and3A_413 : vector<16xi32>
      tpu.vector_store_idx %arg30[%shift_right_logical3A_411, %and3A_414], %exp3A_406 {add = true} : memref<80x128xf32, #tpu.memory_space<vmem>>[vector<16xi32>, vector<16xi32>], vector<16xf32>,
      %swap3A_415 = arith.constant 16 : index
      %swap3A_416 = tpu.vector_load %arg27[%swap3A_415] {strides = array<i32>} : memref<32xi32, #tpu.memory_space<vmem>>, vector<16xi32>,
      tpu.vector_store %arg27[%swap3A_415], %get3A_393 {strides = array<i32>} : memref<32xi32, #tpu.memory_space<vmem>>, vector<16xi32>,
      %scan3A_417 = arith.constant 0 : i32
      %scan3A_418 = arith.constant 0 : i32
      %scan3A_419 = arith.constant 32 : i32
      %scan3A_420 = arith.addi %scan3A_418, %scan3A_419 : i32
      %scan3A_421 = arith.constant 1 : i32
      scf.for %scan3A_520 = %scan3A_418 to %scan3A_420 step %scan3A_421  : i32 {
        %broadcast_in_dim3A_521 = vector.broadcast %scan3A_520 : i32 to vector<16xi32>
        %gather3A_522 = tpu.vector_load_idx %arg29[%broadcast_in_dim3A_521] : memref<32xf32, #tpu.memory_space<vmem>>[vector<16xi32>], vector<16xf32>,
        %get3A_523 = arith.index_cast %scan3A_520 : i32 to index
        %get3A_524 = arith.constant 0 : index
        %get3A_525 = tpu.vector_load %arg15[%get3A_523, %get3A_524] {strides = array<i32>} : memref<32x128xf32, #tpu.memory_space<vmem>>, vector<16xf32>,
        %mul3A_526 = arith.mulf %get3A_525, %gather3A_522 : vector<16xf32>
        %swap3A_527 = arith.index_cast %scan3A_520 : i32 to index
        %swap3A_528 = arith.constant 0 : index
        %swap3A_529 = tpu.vector_load %arg15[%swap3A_527, %swap3A_528] {strides = array<i32>} : memref<32x128xf32, #tpu.memory_space<vmem>>, vector<16xf32>,
        tpu.vector_store %arg15[%swap3A_527, %swap3A_528], %mul3A_526 {strides = array<i32>} : memref<32x128xf32, #tpu.memory_space<vmem>>, vector<16xf32>,
        %get3A_530 = arith.index_cast %scan3A_520 : i32 to index
        %get3A_531 = arith.constant 16 : index
        %get3A_532 = tpu.vector_load %arg15[%get3A_530, %get3A_531] {strides = array<i32>} : memref<32x128xf32, #tpu.memory_space<vmem>>, vector<16xf32>,
        %mul3A_533 = arith.mulf %get3A_532, %gather3A_522 : vector<16xf32>
        %swap3A_534 = arith.index_cast %scan3A_520 : i32 to index
        %swap3A_535 = arith.constant 16 : index
        %swap3A_536 = tpu.vector_load %arg15[%swap3A_534, %swap3A_535] {strides = array<i32>} : memref<32x128xf32, #tpu.memory_space<vmem>>, vector<16xf32>,
        tpu.vector_store %arg15[%swap3A_534, %swap3A_535], %mul3A_533 {strides = array<i32>} : memref<32x128xf32, #tpu.memory_space<vmem>>, vector<16xf32>,
        %get3A_537 = arith.index_cast %scan3A_520 : i32 to index
        %get3A_538 = arith.constant 32 : index
        %get3A_539 = tpu.vector_load %arg15[%get3A_537, %get3A_538] {strides = array<i32>} : memref<32x128xf32, #tpu.memory_space<vmem>>, vector<16xf32>,
        %mul3A_540 = arith.mulf %get3A_539, %gather3A_522 : vector<16xf32>
        %swap3A_541 = arith.index_cast %scan3A_520 : i32 to index
        %swap3A_542 = arith.constant 32 : index
        %swap3A_543 = tpu.vector_load %arg15[%swap3A_541, %swap3A_542] {strides = array<i32>} : memref<32x128xf32, #tpu.memory_space<vmem>>, vector<16xf32>,
        tpu.vector_store %arg15[%swap3A_541, %swap3A_542], %mul3A_540 {strides = array<i32>} : memref<32x128xf32, #tpu.memory_space<vmem>>, vector<16xf32>,
        %get3A_544 = arith.index_cast %scan3A_520 : i32 to index
        %get3A_545 = arith.constant 48 : index
        %get3A_546 = tpu.vector_load %arg15[%get3A_544, %get3A_545] {strides = array<i32>} : memref<32x128xf32, #tpu.memory_space<vmem>>, vector<16xf32>,
        %mul3A_547 = arith.mulf %get3A_546, %gather3A_522 : vector<16xf32>
        %swap3A_548 = arith.index_cast %scan3A_520 : i32 to index
        %swap3A_549 = arith.constant 48 : index
        %swap3A_550 = tpu.vector_load %arg15[%swap3A_548, %swap3A_549] {strides = array<i32>} : memref<32x128xf32, #tpu.memory_space<vmem>>, vector<16xf32>,
        tpu.vector_store %arg15[%swap3A_548, %swap3A_549], %mul3A_547 {strides = array<i32>} : memref<32x128xf32, #tpu.memory_space<vmem>>, vector<16xf32>,
        %get3A_551 = arith.index_cast %scan3A_520 : i32 to index
        %get3A_552 = arith.constant 64 : index
        %get3A_553 = tpu.vector_load %arg15[%get3A_551, %get3A_552] {strides = array<i32>} : memref<32x128xf32, #tpu.memory_space<vmem>>, vector<16xf32>,
        %mul3A_554 = arith.mulf %get3A_553, %gather3A_522 : vector<16xf32>
        %swap3A_555 = arith.index_cast %scan3A_520 : i32 to index
        %swap3A_556 = arith.constant 64 : index
        %swap3A_557 = tpu.vector_load %arg15[%swap3A_555, %swap3A_556] {strides = array<i32>} : memref<32x128xf32, #tpu.memory_space<vmem>>, vector<16xf32>,
        tpu.vector_store %arg15[%swap3A_555, %swap3A_556], %mul3A_554 {strides = array<i32>} : memref<32x128xf32, #tpu.memory_space<vmem>>, vector<16xf32>,
        %get3A_558 = arith.index_cast %scan3A_520 : i32 to index
        %get3A_559 = arith.constant 80 : index
        %get3A_560 = tpu.vector_load %arg15[%get3A_558, %get3A_559] {strides = array<i32>} : memref<32x128xf32, #tpu.memory_space<vmem>>, vector<16xf32>,
        %mul3A_561 = arith.mulf %get3A_560, %gather3A_522 : vector<16xf32>
        %swap3A_562 = arith.index_cast %scan3A_520 : i32 to index
        %swap3A_563 = arith.constant 80 : index
        %swap3A_564 = tpu.vector_load %arg15[%swap3A_562, %swap3A_563] {strides = array<i32>} : memref<32x128xf32, #tpu.memory_space<vmem>>, vector<16xf32>,
        tpu.vector_store %arg15[%swap3A_562, %swap3A_563], %mul3A_561 {strides = array<i32>} : memref<32x128xf32, #tpu.memory_space<vmem>>, vector<16xf32>,
        %get3A_565 = arith.index_cast %scan3A_520 : i32 to index
        %get3A_566 = arith.constant 96 : index
        %get3A_567 = tpu.vector_load %arg15[%get3A_565, %get3A_566] {strides = array<i32>} : memref<32x128xf32, #tpu.memory_space<vmem>>, vector<16xf32>,
        %mul3A_568 = arith.mulf %get3A_567, %gather3A_522 : vector<16xf32>
        %swap3A_569 = arith.index_cast %scan3A_520 : i32 to index
        %swap3A_570 = arith.constant 96 : index
        %swap3A_571 = tpu.vector_load %arg15[%swap3A_569, %swap3A_570] {strides = array<i32>} : memref<32x128xf32, #tpu.memory_space<vmem>>, vector<16xf32>,
        tpu.vector_store %arg15[%swap3A_569, %swap3A_570], %mul3A_568 {strides = array<i32>} : memref<32x128xf32, #tpu.memory_space<vmem>>, vector<16xf32>,
        %get3A_572 = arith.index_cast %scan3A_520 : i32 to index
        %get3A_573 = arith.constant 112 : index
        %get3A_574 = tpu.vector_load %arg15[%get3A_572, %get3A_573] {strides = array<i32>} : memref<32x128xf32, #tpu.memory_space<vmem>>, vector<16xf32>,
        %mul3A_575 = arith.mulf %get3A_574, %gather3A_522 : vector<16xf32>
        %swap3A_576 = arith.index_cast %scan3A_520 : i32 to index
        %swap3A_577 = arith.constant 112 : index
        %swap3A_578 = tpu.vector_load %arg15[%swap3A_576, %swap3A_577] {strides = array<i32>} : memref<32x128xf32, #tpu.memory_space<vmem>>, vector<16xf32>,
        tpu.vector_store %arg15[%swap3A_576, %swap3A_577], %mul3A_575 {strides = array<i32>} : memref<32x128xf32, #tpu.memory_space<vmem>>, vector<16xf32>,
      }
      %scan3A_422 = arith.constant 32 : i32
      %dma_start3A_423 = arith.constant 0 : i32
      %dma_start3A_424 = arith.constant 0 : i32
      %dma_start3A_425 = tpu.memref_slice %arg9[%dma_start3A_423, %dma_start3A_424] : memref<10240x128xf32, #tpu.memory_space<vmem_shared>> -> memref<10240x128xf32, #tpu.memory_space<vmem_shared>>
      tpu.enqueue_indirect_dma source(%arg15 : memref<32x128xf32, #tpu.memory_space<vmem>>) target(%dma_start3A_425 : memref<10240x128xf32, #tpu.memory_space<vmem_shared>>) offsets(%arg27 : memref<32xi32, #tpu.memory_space<vmem>>) semaphore(%arg37 : memref<!tpu.dma_semaphore, #tpu.memory_space<semaphore_mem>>) {add = true}
      %add3A_426 = arith.constant 3 : i32
      %add3A_427 = arith.addi %add3A_363, %add3A_426 : i32
      %lt3A_428 = arith.constant 312 : i32
      %lt3A_429 = arith.cmpi slt, %add3A_427, %lt3A_428 : i32
      %convert_element_type3A_430 = arith.extui %lt3A_429 : i1 to i32
      %cond3A_431 = arith.constant 0 : i32
      %cond3A_432 = arith.cmpi ne, %convert_element_type3A_430, %cond3A_431 : i32
      scf.if %cond3A_432 {
        %add3A_520 = arith.constant 3 : i32
        %add3A_521 = arith.addi %add3A_363, %add3A_520 : i32
        %mul3A_522 = arith.constant 32 : i32
        %mul3A_523 = arith.muli %add3A_521, %mul3A_522 : i32
        %add3A_524 = arith.addi %mul3A_96, %mul3A_523 : i32
        %dma_start3A_525 = tpu.memref_slice %arg2[%add3A_524] : memref<320000xi32, #tpu.memory_space<hbm>> -> memref<32xi32, #tpu.memory_space<hbm>>
        %dma_start3A_526 = tpu.memref_slice %arg2[%add3A_524] : memref<320000xi32, #tpu.memory_space<hbm>> -> memref<32xi32, #tpu.memory_space<hbm>>
        tpu.enqueue_dma source(%dma_start3A_526 : memref<32xi32, #tpu.memory_space<hbm>>) target(%arg18 : memref<32xi32, #tpu.memory_space<vmem>>) target_semaphore(%arg40 : memref<!tpu.dma_semaphore, #tpu.memory_space<semaphore_mem>>)
        %dma_start3A_527 = tpu.memref_slice %arg3[%add3A_524] : memref<320000xi32, #tpu.memory_space<hbm>> -> memref<32xi32, #tpu.memory_space<hbm>>
        %dma_start3A_528 = tpu.memref_slice %arg3[%add3A_524] : memref<320000xi32, #tpu.memory_space<hbm>> -> memref<32xi32, #tpu.memory_space<hbm>>
        tpu.enqueue_dma source(%dma_start3A_528 : memref<32xi32, #tpu.memory_space<hbm>>) target(%arg22 : memref<32xi32, #tpu.memory_space<vmem>>) target_semaphore(%arg40 : memref<!tpu.dma_semaphore, #tpu.memory_space<semaphore_mem>>)
      } else {
      }
      %add3A_433 = arith.constant 2 : i32
      %add3A_434 = arith.addi %add3A_363, %add3A_433 : i32
      %lt3A_435 = arith.constant 312 : i32
      %lt3A_436 = arith.cmpi slt, %add3A_434, %lt3A_435 : i32
      %convert_element_type3A_437 = arith.extui %lt3A_436 : i1 to i32
      %cond3A_438 = arith.constant 0 : i32
      %cond3A_439 = arith.cmpi ne, %convert_element_type3A_437, %cond3A_438 : i32
      scf.if %cond3A_439 {
        %ge3A_520 = arith.constant 1 : i32
        %ge3A_521 = arith.cmpi sge, %add3A_363, %ge3A_520 : i32
        %convert_element_type3A_522 = arith.extui %ge3A_521 : i1 to i32
        %cond3A_523 = arith.constant 0 : i32
        %cond3A_524 = arith.cmpi ne, %convert_element_type3A_522, %cond3A_523 : i32
        scf.if %cond3A_524 {
          %dma_wait3A_533 = arith.constant 0 : i32
          %dma_wait3A_534 = tpu.memref_slice %arg2[%dma_wait3A_533] : memref<320000xi32, #tpu.memory_space<hbm>> -> memref<32xi32, #tpu.memory_space<hbm>>
          %dma_wait3A_535 = arith.constant 0 : i32
          %dma_wait3A_536 = tpu.memref_slice %arg2[%dma_wait3A_535] : memref<320000xi32, #tpu.memory_space<hbm>> -> memref<32xi32, #tpu.memory_space<hbm>>
          tpu.wait_dma2 semaphore(%arg39 : memref<!tpu.dma_semaphore, #tpu.memory_space<semaphore_mem>>) src(%dma_wait3A_536 : memref<32xi32, #tpu.memory_space<hbm>>) dst(%arg17 : memref<32xi32, #tpu.memory_space<vmem>>)
          %dma_wait3A_537 = arith.constant 0 : i32
          %dma_wait3A_538 = tpu.memref_slice %arg3[%dma_wait3A_537] : memref<320000xi32, #tpu.memory_space<hbm>> -> memref<32xi32, #tpu.memory_space<hbm>>
          %dma_wait3A_539 = arith.constant 0 : i32
          %dma_wait3A_540 = tpu.memref_slice %arg3[%dma_wait3A_539] : memref<320000xi32, #tpu.memory_space<hbm>> -> memref<32xi32, #tpu.memory_space<hbm>>
          tpu.wait_dma2 semaphore(%arg39 : memref<!tpu.dma_semaphore, #tpu.memory_space<semaphore_mem>>) src(%dma_wait3A_540 : memref<32xi32, #tpu.memory_space<hbm>>) dst(%arg21 : memref<32xi32, #tpu.memory_space<vmem>>)
        } else {
        }
        %ge3A_525 = arith.constant 2 : i32
        %ge3A_526 = arith.cmpi sge, %add3A_363, %ge3A_525 : i32
        %convert_element_type3A_527 = arith.extui %ge3A_526 : i1 to i32
        %cond3A_528 = arith.constant 0 : i32
        %cond3A_529 = arith.cmpi ne, %convert_element_type3A_527, %cond3A_528 : i32
        scf.if %cond3A_529 {
          %dma_wait3A_533 = arith.constant 0 : i32
          %dma_wait3A_534 = arith.constant 0 : i32
          %dma_wait3A_535 = tpu.memref_slice %arg9[%dma_wait3A_533, %dma_wait3A_534] : memref<10240x128xf32, #tpu.memory_space<vmem_shared>> -> memref<10240x128xf32, #tpu.memory_space<vmem_shared>>
          tpu.wait_indirect_dma semaphore(%arg35 : memref<!tpu.dma_semaphore, #tpu.memory_space<semaphore_mem>>) src(%arg13 : memref<32x128xf32, #tpu.memory_space<vmem>>) dst(%dma_wait3A_535 : memref<10240x128xf32, #tpu.memory_space<vmem_shared>>)
        } else {
        }
        %dma_start3A_530 = arith.constant 0 : i32
        %dma_start3A_531 = arith.constant 0 : i32
        %dma_start3A_532 = tpu.memref_slice %arg6[%dma_start3A_530, %dma_start3A_531] : memref<10000x128xf32, #tpu.memory_space<hbm>> -> memref<10000x128xf32, #tpu.memory_space<hbm>>
        tpu.enqueue_indirect_dma source(%dma_start3A_532 : memref<10000x128xf32, #tpu.memory_space<hbm>>) target(%arg13 : memref<32x128xf32, #tpu.memory_space<vmem>>) offsets(%arg17 : memref<32xi32, #tpu.memory_space<vmem>>) semaphore(%arg31 : memref<!tpu.dma_semaphore, #tpu.memory_space<semaphore_mem>>)
      } else {
      }
      %mul3A_440 = arith.constant 4 : i32
      %mul3A_441 = arith.muli %mul3A_440, %scan3A_200 : i32
      %add3A_442 = arith.constant 3 : i32
      %add3A_443 = arith.addi %mul3A_441, %add3A_442 : i32
      %dma_wait3A_444 = arith.constant 0 : i32
      %dma_wait3A_445 = arith.constant 0 : i32
      %dma_wait3A_446 = tpu.memref_slice %arg6[%dma_wait3A_444, %dma_wait3A_445] : memref<10000x128xf32, #tpu.memory_space<hbm>> -> memref<10000x128xf32, #tpu.memory_space<hbm>>
      tpu.wait_indirect_dma semaphore(%arg34 : memref<!tpu.dma_semaphore, #tpu.memory_space<semaphore_mem>>) src(%dma_wait3A_446 : memref<10000x128xf32, #tpu.memory_space<hbm>>) dst(%arg16 : memref<32x128xf32, #tpu.memory_space<vmem>>)
      %get3A_447 = arith.constant 0 : index
      %get3A_448 = tpu.vector_load %arg24[%get3A_447] {strides = array<i32>} : memref<32xi32, #tpu.memory_space<vmem>>, vector<16xi32>,
      %get3A_449 = arith.constant 0 : index
      %get3A_450 = tpu.vector_load %arg20[%get3A_449] {strides = array<i32>} : memref<32xi32, #tpu.memory_space<vmem>>, vector<16xi32>,
      %gather3A_451 = tpu.vector_load_idx %arg11[%get3A_450] : memref<10000xf32, #tpu.memory_space<vmem>>[vector<16xi32>], vector<16xf32>,
      %gather3A_452 = tpu.vector_load_idx %arg12[%get3A_448] : memref<10000xf32, #tpu.memory_space<vmem>>[vector<16xi32>], vector<16xf32>,
      %add3A_453 = arith.addf %gather3A_451, %gather3A_452 : vector<16xf32>
      %ge3A_454 = arith.constant 0.000000e+00 : f32
      %ge3A_455 = vector.broadcast %ge3A_454 : f32 to vector<16xf32>
      %ge3A_456 = arith.cmpf oge, %add3A_453, %ge3A_455 : vector<16xf32>
      %mul3A_457 = arith.constant 2.000000e-01 : f32
      %mul3A_458 = vector.broadcast %mul3A_457 : f32 to vector<16xf32>
      %mul3A_459 = arith.mulf %mul3A_458, %add3A_453 : vector<16xf32>
      %select_n3A_460 = arith.select %ge3A_456, %add3A_453, %mul3A_459 : vector<16xi1>, vector<16xf32>
      %exp3A_461 = math.exp %select_n3A_460 : vector<16xf32>
      %swap3A_462 = arith.constant 0 : index
      %swap3A_463 = tpu.vector_load %arg29[%swap3A_462] {strides = array<i32>} : memref<32xf32, #tpu.memory_space<vmem>>, vector<16xf32>,
      tpu.vector_store %arg29[%swap3A_462], %exp3A_461 {strides = array<i32>} : memref<32xf32, #tpu.memory_space<vmem>>, vector<16xf32>,
      %shift_right_logical3A_464 = arith.constant 7 : i32
      %shift_right_logical3A_465 = vector.broadcast %shift_right_logical3A_464 : i32 to vector<16xi32>
      %shift_right_logical3A_466 = arith.shrui %get3A_448, %shift_right_logical3A_465 : vector<16xi32>
      %and3A_467 = arith.constant 127 : i32
      %and3A_468 = vector.broadcast %and3A_467 : i32 to vector<16xi32>
      %and3A_469 = arith.andi %get3A_448, %and3A_468 : vector<16xi32>
      tpu.vector_store_idx %arg30[%shift_right_logical3A_466, %and3A_469], %exp3A_461 {add = true} : memref<80x128xf32, #tpu.memory_space<vmem>>[vector<16xi32>, vector<16xi32>], vector<16xf32>,
      %swap3A_470 = arith.constant 0 : index
      %swap3A_471 = tpu.vector_load %arg28[%swap3A_470] {strides = array<i32>} : memref<32xi32, #tpu.memory_space<vmem>>, vector<16xi32>,
      tpu.vector_store %arg28[%swap3A_470], %get3A_448 {strides = array<i32>} : memref<32xi32, #tpu.memory_space<vmem>>, vector<16xi32>,
      %get3A_472 = arith.constant 16 : index
      %get3A_473 = tpu.vector_load %arg24[%get3A_472] {strides = array<i32>} : memref<32xi32, #tpu.memory_space<vmem>>, vector<16xi32>,
      %get3A_474 = arith.constant 16 : index
      %get3A_475 = tpu.vector_load %arg20[%get3A_474] {strides = array<i32>} : memref<32xi32, #tpu.memory_space<vmem>>, vector<16xi32>,
      %gather3A_476 = tpu.vector_load_idx %arg11[%get3A_475] : memref<10000xf32, #tpu.memory_space<vmem>>[vector<16xi32>], vector<16xf32>,
      %gather3A_477 = tpu.vector_load_idx %arg12[%get3A_473] : memref<10000xf32, #tpu.memory_space<vmem>>[vector<16xi32>], vector<16xf32>,
      %add3A_478 = arith.addf %gather3A_476, %gather3A_477 : vector<16xf32>
      %ge3A_479 = arith.constant 0.000000e+00 : f32
      %ge3A_480 = vector.broadcast %ge3A_479 : f32 to vector<16xf32>
      %ge3A_481 = arith.cmpf oge, %add3A_478, %ge3A_480 : vector<16xf32>
      %mul3A_482 = arith.constant 2.000000e-01 : f32
      %mul3A_483 = vector.broadcast %mul3A_482 : f32 to vector<16xf32>
      %mul3A_484 = arith.mulf %mul3A_483, %add3A_478 : vector<16xf32>
      %select_n3A_485 = arith.select %ge3A_481, %add3A_478, %mul3A_484 : vector<16xi1>, vector<16xf32>
      %exp3A_486 = math.exp %select_n3A_485 : vector<16xf32>
      %swap3A_487 = arith.constant 16 : index
      %swap3A_488 = tpu.vector_load %arg29[%swap3A_487] {strides = array<i32>} : memref<32xf32, #tpu.memory_space<vmem>>, vector<16xf32>,
      tpu.vector_store %arg29[%swap3A_487], %exp3A_486 {strides = array<i32>} : memref<32xf32, #tpu.memory_space<vmem>>, vector<16xf32>,
      %shift_right_logical3A_489 = arith.constant 7 : i32
      %shift_right_logical3A_490 = vector.broadcast %shift_right_logical3A_489 : i32 to vector<16xi32>
      %shift_right_logical3A_491 = arith.shrui %get3A_473, %shift_right_logical3A_490 : vector<16xi32>
      %and3A_492 = arith.constant 127 : i32
      %and3A_493 = vector.broadcast %and3A_492 : i32 to vector<16xi32>
      %and3A_494 = arith.andi %get3A_473, %and3A_493 : vector<16xi32>
      tpu.vector_store_idx %arg30[%shift_right_logical3A_491, %and3A_494], %exp3A_486 {add = true} : memref<80x128xf32, #tpu.memory_space<vmem>>[vector<16xi32>, vector<16xi32>], vector<16xf32>,
      %swap3A_495 = arith.constant 16 : index
      %swap3A_496 = tpu.vector_load %arg28[%swap3A_495] {strides = array<i32>} : memref<32xi32, #tpu.memory_space<vmem>>, vector<16xi32>,
      tpu.vector_store %arg28[%swap3A_495], %get3A_473 {strides = array<i32>} : memref<32xi32, #tpu.memory_space<vmem>>, vector<16xi32>,
      %scan3A_497 = arith.constant 0 : i32
      %scan3A_498 = arith.constant 0 : i32
      %scan3A_499 = arith.constant 32 : i32
      %scan3A_500 = arith.addi %scan3A_498, %scan3A_499 : i32
      %scan3A_501 = arith.constant 1 : i32
      scf.for %scan3A_520 = %scan3A_498 to %scan3A_500 step %scan3A_501  : i32 {
        %broadcast_in_dim3A_521 = vector.broadcast %scan3A_520 : i32 to vector<16xi32>
        %gather3A_522 = tpu.vector_load_idx %arg29[%broadcast_in_dim3A_521] : memref<32xf32, #tpu.memory_space<vmem>>[vector<16xi32>], vector<16xf32>,
        %get3A_523 = arith.index_cast %scan3A_520 : i32 to index
        %get3A_524 = arith.constant 0 : index
        %get3A_525 = tpu.vector_load %arg16[%get3A_523, %get3A_524] {strides = array<i32>} : memref<32x128xf32, #tpu.memory_space<vmem>>, vector<16xf32>,
        %mul3A_526 = arith.mulf %get3A_525, %gather3A_522 : vector<16xf32>
        %swap3A_527 = arith.index_cast %scan3A_520 : i32 to index
        %swap3A_528 = arith.constant 0 : index
        %swap3A_529 = tpu.vector_load %arg16[%swap3A_527, %swap3A_528] {strides = array<i32>} : memref<32x128xf32, #tpu.memory_space<vmem>>, vector<16xf32>,
        tpu.vector_store %arg16[%swap3A_527, %swap3A_528], %mul3A_526 {strides = array<i32>} : memref<32x128xf32, #tpu.memory_space<vmem>>, vector<16xf32>,
        %get3A_530 = arith.index_cast %scan3A_520 : i32 to index
        %get3A_531 = arith.constant 16 : index
        %get3A_532 = tpu.vector_load %arg16[%get3A_530, %get3A_531] {strides = array<i32>} : memref<32x128xf32, #tpu.memory_space<vmem>>, vector<16xf32>,
        %mul3A_533 = arith.mulf %get3A_532, %gather3A_522 : vector<16xf32>
        %swap3A_534 = arith.index_cast %scan3A_520 : i32 to index
        %swap3A_535 = arith.constant 16 : index
        %swap3A_536 = tpu.vector_load %arg16[%swap3A_534, %swap3A_535] {strides = array<i32>} : memref<32x128xf32, #tpu.memory_space<vmem>>, vector<16xf32>,
        tpu.vector_store %arg16[%swap3A_534, %swap3A_535], %mul3A_533 {strides = array<i32>} : memref<32x128xf32, #tpu.memory_space<vmem>>, vector<16xf32>,
        %get3A_537 = arith.index_cast %scan3A_520 : i32 to index
        %get3A_538 = arith.constant 32 : index
        %get3A_539 = tpu.vector_load %arg16[%get3A_537, %get3A_538] {strides = array<i32>} : memref<32x128xf32, #tpu.memory_space<vmem>>, vector<16xf32>,
        %mul3A_540 = arith.mulf %get3A_539, %gather3A_522 : vector<16xf32>
        %swap3A_541 = arith.index_cast %scan3A_520 : i32 to index
        %swap3A_542 = arith.constant 32 : index
        %swap3A_543 = tpu.vector_load %arg16[%swap3A_541, %swap3A_542] {strides = array<i32>} : memref<32x128xf32, #tpu.memory_space<vmem>>, vector<16xf32>,
        tpu.vector_store %arg16[%swap3A_541, %swap3A_542], %mul3A_540 {strides = array<i32>} : memref<32x128xf32, #tpu.memory_space<vmem>>, vector<16xf32>,
        %get3A_544 = arith.index_cast %scan3A_520 : i32 to index
        %get3A_545 = arith.constant 48 : index
        %get3A_546 = tpu.vector_load %arg16[%get3A_544, %get3A_545] {strides = array<i32>} : memref<32x128xf32, #tpu.memory_space<vmem>>, vector<16xf32>,
        %mul3A_547 = arith.mulf %get3A_546, %gather3A_522 : vector<16xf32>
        %swap3A_548 = arith.index_cast %scan3A_520 : i32 to index
        %swap3A_549 = arith.constant 48 : index
        %swap3A_550 = tpu.vector_load %arg16[%swap3A_548, %swap3A_549] {strides = array<i32>} : memref<32x128xf32, #tpu.memory_space<vmem>>, vector<16xf32>,
        tpu.vector_store %arg16[%swap3A_548, %swap3A_549], %mul3A_547 {strides = array<i32>} : memref<32x128xf32, #tpu.memory_space<vmem>>, vector<16xf32>,
        %get3A_551 = arith.index_cast %scan3A_520 : i32 to index
        %get3A_552 = arith.constant 64 : index
        %get3A_553 = tpu.vector_load %arg16[%get3A_551, %get3A_552] {strides = array<i32>} : memref<32x128xf32, #tpu.memory_space<vmem>>, vector<16xf32>,
        %mul3A_554 = arith.mulf %get3A_553, %gather3A_522 : vector<16xf32>
        %swap3A_555 = arith.index_cast %scan3A_520 : i32 to index
        %swap3A_556 = arith.constant 64 : index
        %swap3A_557 = tpu.vector_load %arg16[%swap3A_555, %swap3A_556] {strides = array<i32>} : memref<32x128xf32, #tpu.memory_space<vmem>>, vector<16xf32>,
        tpu.vector_store %arg16[%swap3A_555, %swap3A_556], %mul3A_554 {strides = array<i32>} : memref<32x128xf32, #tpu.memory_space<vmem>>, vector<16xf32>,
        %get3A_558 = arith.index_cast %scan3A_520 : i32 to index
        %get3A_559 = arith.constant 80 : index
        %get3A_560 = tpu.vector_load %arg16[%get3A_558, %get3A_559] {strides = array<i32>} : memref<32x128xf32, #tpu.memory_space<vmem>>, vector<16xf32>,
        %mul3A_561 = arith.mulf %get3A_560, %gather3A_522 : vector<16xf32>
        %swap3A_562 = arith.index_cast %scan3A_520 : i32 to index
        %swap3A_563 = arith.constant 80 : index
        %swap3A_564 = tpu.vector_load %arg16[%swap3A_562, %swap3A_563] {strides = array<i32>} : memref<32x128xf32, #tpu.memory_space<vmem>>, vector<16xf32>,
        tpu.vector_store %arg16[%swap3A_562, %swap3A_563], %mul3A_561 {strides = array<i32>} : memref<32x128xf32, #tpu.memory_space<vmem>>, vector<16xf32>,
        %get3A_565 = arith.index_cast %scan3A_520 : i32 to index
        %get3A_566 = arith.constant 96 : index
        %get3A_567 = tpu.vector_load %arg16[%get3A_565, %get3A_566] {strides = array<i32>} : memref<32x128xf32, #tpu.memory_space<vmem>>, vector<16xf32>,
        %mul3A_568 = arith.mulf %get3A_567, %gather3A_522 : vector<16xf32>
        %swap3A_569 = arith.index_cast %scan3A_520 : i32 to index
        %swap3A_570 = arith.constant 96 : index
        %swap3A_571 = tpu.vector_load %arg16[%swap3A_569, %swap3A_570] {strides = array<i32>} : memref<32x128xf32, #tpu.memory_space<vmem>>, vector<16xf32>,
        tpu.vector_store %arg16[%swap3A_569, %swap3A_570], %mul3A_568 {strides = array<i32>} : memref<32x128xf32, #tpu.memory_space<vmem>>, vector<16xf32>,
        %get3A_572 = arith.index_cast %scan3A_520 : i32 to index
        %get3A_573 = arith.constant 112 : index
        %get3A_574 = tpu.vector_load %arg16[%get3A_572, %get3A_573] {strides = array<i32>} : memref<32x128xf32, #tpu.memory_space<vmem>>, vector<16xf32>,
        %mul3A_575 = arith.mulf %get3A_574, %gather3A_522 : vector<16xf32>
        %swap3A_576 = arith.index_cast %scan3A_520 : i32 to index
        %swap3A_577 = arith.constant 112 : index
        %swap3A_578 = tpu.vector_load %arg16[%swap3A_576, %swap3A_577] {strides = array<i32>} : memref<32x128xf32, #tpu.memory_space<vmem>>, vector<16xf32>,
        tpu.vector_store %arg16[%swap3A_576, %swap3A_577], %mul3A_575 {strides = array<i32>} : memref<32x128xf32, #tpu.memory_space<vmem>>, vector<16xf32>,
      }
      %scan3A_502 = arith.constant 32 : i32
      %dma_start3A_503 = arith.constant 0 : i32
      %dma_start3A_504 = arith.constant 0 : i32
      %dma_start3A_505 = tpu.memref_slice %arg9[%dma_start3A_503, %dma_start3A_504] : memref<10240x128xf32, #tpu.memory_space<vmem_shared>> -> memref<10240x128xf32, #tpu.memory_space<vmem_shared>>
      tpu.enqueue_indirect_dma source(%arg16 : memref<32x128xf32, #tpu.memory_space<vmem>>) target(%dma_start3A_505 : memref<10240x128xf32, #tpu.memory_space<vmem_shared>>) offsets(%arg28 : memref<32xi32, #tpu.memory_space<vmem>>) semaphore(%arg38 : memref<!tpu.dma_semaphore, #tpu.memory_space<semaphore_mem>>) {add = true}
      %add3A_506 = arith.constant 3 : i32
      %add3A_507 = arith.addi %add3A_443, %add3A_506 : i32
      %lt3A_508 = arith.constant 312 : i32
      %lt3A_509 = arith.cmpi slt, %add3A_507, %lt3A_508 : i32
      %convert_element_type3A_510 = arith.extui %lt3A_509 : i1 to i32
      %cond3A_511 = arith.constant 0 : i32
      %cond3A_512 = arith.cmpi ne, %convert_element_type3A_510, %cond3A_511 : i32
      scf.if %cond3A_512 {
        %add3A_520 = arith.constant 3 : i32
        %add3A_521 = arith.addi %add3A_443, %add3A_520 : i32
        %mul3A_522 = arith.constant 32 : i32
        %mul3A_523 = arith.muli %add3A_521, %mul3A_522 : i32
        %add3A_524 = arith.addi %mul3A_96, %mul3A_523 : i32
        %dma_start3A_525 = tpu.memref_slice %arg2[%add3A_524] : memref<320000xi32, #tpu.memory_space<hbm>> -> memref<32xi32, #tpu.memory_space<hbm>>
        %dma_start3A_526 = tpu.memref_slice %arg2[%add3A_524] : memref<320000xi32, #tpu.memory_space<hbm>> -> memref<32xi32, #tpu.memory_space<hbm>>
        tpu.enqueue_dma source(%dma_start3A_526 : memref<32xi32, #tpu.memory_space<hbm>>) target(%arg19 : memref<32xi32, #tpu.memory_space<vmem>>) target_semaphore(%arg41 : memref<!tpu.dma_semaphore, #tpu.memory_space<semaphore_mem>>)
        %dma_start3A_527 = tpu.memref_slice %arg3[%add3A_524] : memref<320000xi32, #tpu.memory_space<hbm>> -> memref<32xi32, #tpu.memory_space<hbm>>
        %dma_start3A_528 = tpu.memref_slice %arg3[%add3A_524] : memref<320000xi32, #tpu.memory_space<hbm>> -> memref<32xi32, #tpu.memory_space<hbm>>
        tpu.enqueue_dma source(%dma_start3A_528 : memref<32xi32, #tpu.memory_space<hbm>>) target(%arg23 : memref<32xi32, #tpu.memory_space<vmem>>) target_semaphore(%arg41 : memref<!tpu.dma_semaphore, #tpu.memory_space<semaphore_mem>>)
      } else {
      }
      %add3A_513 = arith.constant 2 : i32
      %add3A_514 = arith.addi %add3A_443, %add3A_513 : i32
      %lt3A_515 = arith.constant 312 : i32
      %lt3A_516 = arith.cmpi slt, %add3A_514, %lt3A_515 : i32
      %convert_element_type3A_517 = arith.extui %lt3A_516 : i1 to i32
      %cond3A_518 = arith.constant 0 : i32
      %cond3A_519 = arith.cmpi ne, %convert_element_type3A_517, %cond3A_518 : i32
      scf.if %cond3A_519 {
        %ge3A_520 = arith.constant 1 : i32
        %ge3A_521 = arith.cmpi sge, %add3A_443, %ge3A_520 : i32
        %convert_element_type3A_522 = arith.extui %ge3A_521 : i1 to i32
        %cond3A_523 = arith.constant 0 : i32
        %cond3A_524 = arith.cmpi ne, %convert_element_type3A_522, %cond3A_523 : i32
        scf.if %cond3A_524 {
          %dma_wait3A_533 = arith.constant 0 : i32
          %dma_wait3A_534 = tpu.memref_slice %arg2[%dma_wait3A_533] : memref<320000xi32, #tpu.memory_space<hbm>> -> memref<32xi32, #tpu.memory_space<hbm>>
          %dma_wait3A_535 = arith.constant 0 : i32
          %dma_wait3A_536 = tpu.memref_slice %arg2[%dma_wait3A_535] : memref<320000xi32, #tpu.memory_space<hbm>> -> memref<32xi32, #tpu.memory_space<hbm>>
          tpu.wait_dma2 semaphore(%arg40 : memref<!tpu.dma_semaphore, #tpu.memory_space<semaphore_mem>>) src(%dma_wait3A_536 : memref<32xi32, #tpu.memory_space<hbm>>) dst(%arg18 : memref<32xi32, #tpu.memory_space<vmem>>)
          %dma_wait3A_537 = arith.constant 0 : i32
          %dma_wait3A_538 = tpu.memref_slice %arg3[%dma_wait3A_537] : memref<320000xi32, #tpu.memory_space<hbm>> -> memref<32xi32, #tpu.memory_space<hbm>>
          %dma_wait3A_539 = arith.constant 0 : i32
          %dma_wait3A_540 = tpu.memref_slice %arg3[%dma_wait3A_539] : memref<320000xi32, #tpu.memory_space<hbm>> -> memref<32xi32, #tpu.memory_space<hbm>>
          tpu.wait_dma2 semaphore(%arg40 : memref<!tpu.dma_semaphore, #tpu.memory_space<semaphore_mem>>) src(%dma_wait3A_540 : memref<32xi32, #tpu.memory_space<hbm>>) dst(%arg22 : memref<32xi32, #tpu.memory_space<vmem>>)
        } else {
        }
        %ge3A_525 = arith.constant 2 : i32
        %ge3A_526 = arith.cmpi sge, %add3A_443, %ge3A_525 : i32
        %convert_element_type3A_527 = arith.extui %ge3A_526 : i1 to i32
        %cond3A_528 = arith.constant 0 : i32
        %cond3A_529 = arith.cmpi ne, %convert_element_type3A_527, %cond3A_528 : i32
        scf.if %cond3A_529 {
          %dma_wait3A_533 = arith.constant 0 : i32
          %dma_wait3A_534 = arith.constant 0 : i32
          %dma_wait3A_535 = tpu.memref_slice %arg9[%dma_wait3A_533, %dma_wait3A_534] : memref<10240x128xf32, #tpu.memory_space<vmem_shared>> -> memref<10240x128xf32, #tpu.memory_space<vmem_shared>>
          tpu.wait_indirect_dma semaphore(%arg36 : memref<!tpu.dma_semaphore, #tpu.memory_space<semaphore_mem>>) src(%arg14 : memref<32x128xf32, #tpu.memory_space<vmem>>) dst(%dma_wait3A_535 : memref<10240x128xf32, #tpu.memory_space<vmem_shared>>)
        } else {
        }
        %dma_start3A_530 = arith.constant 0 : i32
        %dma_start3A_531 = arith.constant 0 : i32
        %dma_start3A_532 = tpu.memref_slice %arg6[%dma_start3A_530, %dma_start3A_531] : memref<10000x128xf32, #tpu.memory_space<hbm>> -> memref<10000x128xf32, #tpu.memory_space<hbm>>
        tpu.enqueue_indirect_dma source(%dma_start3A_532 : memref<10000x128xf32, #tpu.memory_space<hbm>>) target(%arg14 : memref<32x128xf32, #tpu.memory_space<vmem>>) offsets(%arg18 : memref<32xi32, #tpu.memory_space<vmem>>) semaphore(%arg32 : memref<!tpu.dma_semaphore, #tpu.memory_space<semaphore_mem>>)
      } else {
      }
    }
    %scan3A_119 = arith.constant 78 : i32
    %dma_wait3A = arith.constant 0 : i32
    %dma_wait3A_120 = arith.constant 0 : i32
    %dma_wait3A_121 = tpu.memref_slice %arg9[%dma_wait3A, %dma_wait3A_120] : memref<10240x128xf32, #tpu.memory_space<vmem_shared>> -> memref<10240x128xf32, #tpu.memory_space<vmem_shared>>
    tpu.wait_indirect_dma semaphore(%arg35 : memref<!tpu.dma_semaphore, #tpu.memory_space<semaphore_mem>>) src(%arg13 : memref<32x128xf32, #tpu.memory_space<vmem>>) dst(%dma_wait3A_121 : memref<10240x128xf32, #tpu.memory_space<vmem_shared>>)
    %dma_wait3A_122 = arith.constant 0 : i32
    %dma_wait3A_123 = arith.constant 0 : i32
    %dma_wait3A_124 = tpu.memref_slice %arg9[%dma_wait3A_122, %dma_wait3A_123] : memref<10240x128xf32, #tpu.memory_space<vmem_shared>> -> memref<10240x128xf32, #tpu.memory_space<vmem_shared>>
    tpu.wait_indirect_dma semaphore(%arg36 : memref<!tpu.dma_semaphore, #tpu.memory_space<semaphore_mem>>) src(%arg14 : memref<32x128xf32, #tpu.memory_space<vmem>>) dst(%dma_wait3A_124 : memref<10240x128xf32, #tpu.memory_space<vmem_shared>>)
    %dma_wait3A_125 = arith.constant 0 : i32
    %dma_wait3A_126 = arith.constant 0 : i32
    %dma_wait3A_127 = tpu.memref_slice %arg9[%dma_wait3A_125, %dma_wait3A_126] : memref<10240x128xf32, #tpu.memory_space<vmem_shared>> -> memref<10240x128xf32, #tpu.memory_space<vmem_shared>>
    tpu.wait_indirect_dma semaphore(%arg37 : memref<!tpu.dma_semaphore, #tpu.memory_space<semaphore_mem>>) src(%arg15 : memref<32x128xf32, #tpu.memory_space<vmem>>) dst(%dma_wait3A_127 : memref<10240x128xf32, #tpu.memory_space<vmem_shared>>)
    %dma_wait3A_128 = arith.constant 0 : i32
    %dma_wait3A_129 = arith.constant 0 : i32
    %dma_wait3A_130 = tpu.memref_slice %arg9[%dma_wait3A_128, %dma_wait3A_129] : memref<10240x128xf32, #tpu.memory_space<vmem_shared>> -> memref<10240x128xf32, #tpu.memory_space<vmem_shared>>
    tpu.wait_indirect_dma semaphore(%arg38 : memref<!tpu.dma_semaphore, #tpu.memory_space<semaphore_mem>>) src(%arg16 : memref<32x128xf32, #tpu.memory_space<vmem>>) dst(%dma_wait3A_130 : memref<10240x128xf32, #tpu.memory_space<vmem_shared>>)
    %add3A_131 = arith.constant 9984 : i32
    %add3A_132 = arith.addi %mul3A_96, %add3A_131 : i32
    "tpu.region"() ({
      %run_scoped3A = tpu.sem_alloc : memref<!tpu.dma_semaphore, #tpu.memory_space<semaphore_mem>>
      %dma_start3A_200 = arith.constant 0 : i32
      %dma_start3A_201 = tpu.memref_slice %arg17[%dma_start3A_200] : memref<32xi32, #tpu.memory_space<vmem>> -> memref<16xi32, #tpu.memory_space<vmem>>
      %dma_start3A_202 = tpu.memref_slice %arg2[%add3A_132] : memref<320000xi32, #tpu.memory_space<hbm>> -> memref<16xi32, #tpu.memory_space<hbm>>
      %dma_start3A_203 = arith.constant 0 : i32
      %dma_start3A_204 = tpu.memref_slice %arg17[%dma_start3A_203] : memref<32xi32, #tpu.memory_space<vmem>> -> memref<16xi32, #tpu.memory_space<vmem>>
      %dma_start3A_205 = tpu.memref_slice %arg2[%add3A_132] : memref<320000xi32, #tpu.memory_space<hbm>> -> memref<16xi32, #tpu.memory_space<hbm>>
      tpu.enqueue_dma source(%dma_start3A_205 : memref<16xi32, #tpu.memory_space<hbm>>) target(%dma_start3A_204 : memref<16xi32, #tpu.memory_space<vmem>>) target_semaphore(%run_scoped3A : memref<!tpu.dma_semaphore, #tpu.memory_space<semaphore_mem>>)
      %dma_wait3A_206 = arith.constant 0 : i32
      %dma_wait3A_207 = tpu.memref_slice %arg17[%dma_wait3A_206] : memref<32xi32, #tpu.memory_space<vmem>> -> memref<16xi32, #tpu.memory_space<vmem>>
      %dma_wait3A_208 = tpu.memref_slice %arg2[%add3A_132] : memref<320000xi32, #tpu.memory_space<hbm>> -> memref<16xi32, #tpu.memory_space<hbm>>
      %dma_wait3A_209 = arith.constant 0 : i32
      %dma_wait3A_210 = tpu.memref_slice %arg17[%dma_wait3A_209] : memref<32xi32, #tpu.memory_space<vmem>> -> memref<16xi32, #tpu.memory_space<vmem>>
      %dma_wait3A_211 = tpu.memref_slice %arg2[%add3A_132] : memref<320000xi32, #tpu.memory_space<hbm>> -> memref<16xi32, #tpu.memory_space<hbm>>
      tpu.wait_dma2 semaphore(%run_scoped3A : memref<!tpu.dma_semaphore, #tpu.memory_space<semaphore_mem>>) src(%dma_wait3A_211 : memref<16xi32, #tpu.memory_space<hbm>>) dst(%dma_wait3A_210 : memref<16xi32, #tpu.memory_space<vmem>>)
      tpu.yield
    }) : () -> ()
    "tpu.region"() ({
      %run_scoped3A = tpu.sem_alloc : memref<!tpu.dma_semaphore, #tpu.memory_space<semaphore_mem>>
      %dma_start3A_200 = arith.constant 0 : i32
      %dma_start3A_201 = tpu.memref_slice %arg21[%dma_start3A_200] : memref<32xi32, #tpu.memory_space<vmem>> -> memref<16xi32, #tpu.memory_space<vmem>>
      %dma_start3A_202 = tpu.memref_slice %arg3[%add3A_132] : memref<320000xi32, #tpu.memory_space<hbm>> -> memref<16xi32, #tpu.memory_space<hbm>>
      %dma_start3A_203 = arith.constant 0 : i32
      %dma_start3A_204 = tpu.memref_slice %arg21[%dma_start3A_203] : memref<32xi32, #tpu.memory_space<vmem>> -> memref<16xi32, #tpu.memory_space<vmem>>
      %dma_start3A_205 = tpu.memref_slice %arg3[%add3A_132] : memref<320000xi32, #tpu.memory_space<hbm>> -> memref<16xi32, #tpu.memory_space<hbm>>
      tpu.enqueue_dma source(%dma_start3A_205 : memref<16xi32, #tpu.memory_space<hbm>>) target(%dma_start3A_204 : memref<16xi32, #tpu.memory_space<vmem>>) target_semaphore(%run_scoped3A : memref<!tpu.dma_semaphore, #tpu.memory_space<semaphore_mem>>)
      %dma_wait3A_206 = arith.constant 0 : i32
      %dma_wait3A_207 = tpu.memref_slice %arg21[%dma_wait3A_206] : memref<32xi32, #tpu.memory_space<vmem>> -> memref<16xi32, #tpu.memory_space<vmem>>
      %dma_wait3A_208 = tpu.memref_slice %arg3[%add3A_132] : memref<320000xi32, #tpu.memory_space<hbm>> -> memref<16xi32, #tpu.memory_space<hbm>>
      %dma_wait3A_209 = arith.constant 0 : i32
      %dma_wait3A_210 = tpu.memref_slice %arg21[%dma_wait3A_209] : memref<32xi32, #tpu.memory_space<vmem>> -> memref<16xi32, #tpu.memory_space<vmem>>
      %dma_wait3A_211 = tpu.memref_slice %arg3[%add3A_132] : memref<320000xi32, #tpu.memory_space<hbm>> -> memref<16xi32, #tpu.memory_space<hbm>>
      tpu.wait_dma2 semaphore(%run_scoped3A : memref<!tpu.dma_semaphore, #tpu.memory_space<semaphore_mem>>) src(%dma_wait3A_211 : memref<16xi32, #tpu.memory_space<hbm>>) dst(%dma_wait3A_210 : memref<16xi32, #tpu.memory_space<vmem>>)
      tpu.yield
    }) : () -> ()
    %broadcast_in_dim3A_133 = arith.constant 0 : i32
    %broadcast_in_dim3A_134 = vector.broadcast %broadcast_in_dim3A_133 : i32 to vector<16xi32>
    %swap3A = arith.constant 16 : index
    %swap3A_135 = tpu.vector_load %arg17[%swap3A] {strides = array<i32>} : memref<32xi32, #tpu.memory_space<vmem>>, vector<16xi32>,
    tpu.vector_store %arg17[%swap3A], %broadcast_in_dim3A_134 {strides = array<i32>} : memref<32xi32, #tpu.memory_space<vmem>>, vector<16xi32>,
    %swap3A_136 = arith.constant 16 : index
    %swap3A_137 = tpu.vector_load %arg21[%swap3A_136] {strides = array<i32>} : memref<32xi32, #tpu.memory_space<vmem>>, vector<16xi32>,
    tpu.vector_store %arg21[%swap3A_136], %broadcast_in_dim3A_134 {strides = array<i32>} : memref<32xi32, #tpu.memory_space<vmem>>, vector<16xi32>,
    %get3A = arith.constant 0 : index
    %get3A_138 = tpu.vector_load %arg21[%get3A] {strides = array<i32>} : memref<32xi32, #tpu.memory_space<vmem>>, vector<16xi32>,
    %get3A_139 = arith.constant 0 : index
    %get3A_140 = tpu.vector_load %arg17[%get3A_139] {strides = array<i32>} : memref<32xi32, #tpu.memory_space<vmem>>, vector<16xi32>,
    %gather3A = tpu.vector_load_idx %arg11[%get3A_140] : memref<10000xf32, #tpu.memory_space<vmem>>[vector<16xi32>], vector<16xf32>,
    %gather3A_141 = tpu.vector_load_idx %arg12[%get3A_138] : memref<10000xf32, #tpu.memory_space<vmem>>[vector<16xi32>], vector<16xf32>,
    %add3A_142 = arith.addf %gather3A, %gather3A_141 : vector<16xf32>
    %ge3A = arith.constant 0.000000e+00 : f32
    %ge3A_143 = vector.broadcast %ge3A : f32 to vector<16xf32>
    %ge3A_144 = arith.cmpf oge, %add3A_142, %ge3A_143 : vector<16xf32>
    %mul3A_145 = arith.constant 2.000000e-01 : f32
    %mul3A_146 = vector.broadcast %mul3A_145 : f32 to vector<16xf32>
    %mul3A_147 = arith.mulf %mul3A_146, %add3A_142 : vector<16xf32>
    %select_n3A = arith.select %ge3A_144, %add3A_142, %mul3A_147 : vector<16xi1>, vector<16xf32>
    %exp3A = math.exp %select_n3A : vector<16xf32>
    %swap3A_148 = arith.constant 0 : index
    %swap3A_149 = tpu.vector_load %arg29[%swap3A_148] {strides = array<i32>} : memref<32xf32, #tpu.memory_space<vmem>>, vector<16xf32>,
    tpu.vector_store %arg29[%swap3A_148], %exp3A {strides = array<i32>} : memref<32xf32, #tpu.memory_space<vmem>>, vector<16xf32>,
    %swap3A_150 = arith.constant 16 : index
    %swap3A_151 = tpu.vector_load %arg29[%swap3A_150] {strides = array<i32>} : memref<32xf32, #tpu.memory_space<vmem>>, vector<16xf32>,
    tpu.vector_store %arg29[%swap3A_150], %broadcast_in_dim3A_1 {strides = array<i32>} : memref<32xf32, #tpu.memory_space<vmem>>, vector<16xf32>,
    %shift_right_logical3A = arith.constant 7 : i32
    %shift_right_logical3A_152 = vector.broadcast %shift_right_logical3A : i32 to vector<16xi32>
    %shift_right_logical3A_153 = arith.shrui %get3A_138, %shift_right_logical3A_152 : vector<16xi32>
    %and3A = arith.constant 127 : i32
    %and3A_154 = vector.broadcast %and3A : i32 to vector<16xi32>
    %and3A_155 = arith.andi %get3A_138, %and3A_154 : vector<16xi32>
    tpu.vector_store_idx %arg30[%shift_right_logical3A_153, %and3A_155], %exp3A {add = true} : memref<80x128xf32, #tpu.memory_space<vmem>>[vector<16xi32>, vector<16xi32>], vector<16xf32>,
    %dma_start3A_156 = arith.constant 0 : i32
    %dma_start3A_157 = arith.constant 0 : i32
    %dma_start3A_158 = tpu.memref_slice %arg6[%dma_start3A_156, %dma_start3A_157] : memref<10000x128xf32, #tpu.memory_space<hbm>> -> memref<10000x128xf32, #tpu.memory_space<hbm>>
    tpu.enqueue_indirect_dma source(%dma_start3A_158 : memref<10000x128xf32, #tpu.memory_space<hbm>>) target(%arg13 : memref<32x128xf32, #tpu.memory_space<vmem>>) offsets(%arg17 : memref<32xi32, #tpu.memory_space<vmem>>) semaphore(%arg31 : memref<!tpu.dma_semaphore, #tpu.memory_space<semaphore_mem>>)
    %dma_wait3A_159 = arith.constant 0 : i32
    %dma_wait3A_160 = arith.constant 0 : i32
    %dma_wait3A_161 = tpu.memref_slice %arg6[%dma_wait3A_159, %dma_wait3A_160] : memref<10000x128xf32, #tpu.memory_space<hbm>> -> memref<10000x128xf32, #tpu.memory_space<hbm>>
    tpu.wait_indirect_dma semaphore(%arg31 : memref<!tpu.dma_semaphore, #tpu.memory_space<semaphore_mem>>) src(%dma_wait3A_161 : memref<10000x128xf32, #tpu.memory_space<hbm>>) dst(%arg13 : memref<32x128xf32, #tpu.memory_space<vmem>>)
    %scan3A_162 = arith.constant 0 : i32
    %scan3A_163 = arith.constant 0 : i32
    %scan3A_164 = arith.constant 32 : i32
    %scan3A_165 = arith.addi %scan3A_163, %scan3A_164 : i32
    %scan3A_166 = arith.constant 1 : i32
    scf.for %scan3A_200 = %scan3A_163 to %scan3A_165 step %scan3A_166  : i32 {
      %broadcast_in_dim3A_201 = vector.broadcast %scan3A_200 : i32 to vector<16xi32>
      %gather3A_202 = tpu.vector_load_idx %arg29[%broadcast_in_dim3A_201] : memref<32xf32, #tpu.memory_space<vmem>>[vector<16xi32>], vector<16xf32>,
      %get3A_203 = arith.index_cast %scan3A_200 : i32 to index
      %get3A_204 = arith.constant 0 : index
      %get3A_205 = tpu.vector_load %arg13[%get3A_203, %get3A_204] {strides = array<i32>} : memref<32x128xf32, #tpu.memory_space<vmem>>, vector<16xf32>,
      %mul3A_206 = arith.mulf %get3A_205, %gather3A_202 : vector<16xf32>
      %swap3A_207 = arith.index_cast %scan3A_200 : i32 to index
      %swap3A_208 = arith.constant 0 : index
      %swap3A_209 = tpu.vector_load %arg13[%swap3A_207, %swap3A_208] {strides = array<i32>} : memref<32x128xf32, #tpu.memory_space<vmem>>, vector<16xf32>,
      tpu.vector_store %arg13[%swap3A_207, %swap3A_208], %mul3A_206 {strides = array<i32>} : memref<32x128xf32, #tpu.memory_space<vmem>>, vector<16xf32>,
      %get3A_210 = arith.index_cast %scan3A_200 : i32 to index
      %get3A_211 = arith.constant 16 : index
      %get3A_212 = tpu.vector_load %arg13[%get3A_210, %get3A_211] {strides = array<i32>} : memref<32x128xf32, #tpu.memory_space<vmem>>, vector<16xf32>,
      %mul3A_213 = arith.mulf %get3A_212, %gather3A_202 : vector<16xf32>
      %swap3A_214 = arith.index_cast %scan3A_200 : i32 to index
      %swap3A_215 = arith.constant 16 : index
      %swap3A_216 = tpu.vector_load %arg13[%swap3A_214, %swap3A_215] {strides = array<i32>} : memref<32x128xf32, #tpu.memory_space<vmem>>, vector<16xf32>,
      tpu.vector_store %arg13[%swap3A_214, %swap3A_215], %mul3A_213 {strides = array<i32>} : memref<32x128xf32, #tpu.memory_space<vmem>>, vector<16xf32>,
      %get3A_217 = arith.index_cast %scan3A_200 : i32 to index
      %get3A_218 = arith.constant 32 : index
      %get3A_219 = tpu.vector_load %arg13[%get3A_217, %get3A_218] {strides = array<i32>} : memref<32x128xf32, #tpu.memory_space<vmem>>, vector<16xf32>,
      %mul3A_220 = arith.mulf %get3A_219, %gather3A_202 : vector<16xf32>
      %swap3A_221 = arith.index_cast %scan3A_200 : i32 to index
      %swap3A_222 = arith.constant 32 : index
      %swap3A_223 = tpu.vector_load %arg13[%swap3A_221, %swap3A_222] {strides = array<i32>} : memref<32x128xf32, #tpu.memory_space<vmem>>, vector<16xf32>,
      tpu.vector_store %arg13[%swap3A_221, %swap3A_222], %mul3A_220 {strides = array<i32>} : memref<32x128xf32, #tpu.memory_space<vmem>>, vector<16xf32>,
      %get3A_224 = arith.index_cast %scan3A_200 : i32 to index
      %get3A_225 = arith.constant 48 : index
      %get3A_226 = tpu.vector_load %arg13[%get3A_224, %get3A_225] {strides = array<i32>} : memref<32x128xf32, #tpu.memory_space<vmem>>, vector<16xf32>,
      %mul3A_227 = arith.mulf %get3A_226, %gather3A_202 : vector<16xf32>
      %swap3A_228 = arith.index_cast %scan3A_200 : i32 to index
      %swap3A_229 = arith.constant 48 : index
      %swap3A_230 = tpu.vector_load %arg13[%swap3A_228, %swap3A_229] {strides = array<i32>} : memref<32x128xf32, #tpu.memory_space<vmem>>, vector<16xf32>,
      tpu.vector_store %arg13[%swap3A_228, %swap3A_229], %mul3A_227 {strides = array<i32>} : memref<32x128xf32, #tpu.memory_space<vmem>>, vector<16xf32>,
      %get3A_231 = arith.index_cast %scan3A_200 : i32 to index
      %get3A_232 = arith.constant 64 : index
      %get3A_233 = tpu.vector_load %arg13[%get3A_231, %get3A_232] {strides = array<i32>} : memref<32x128xf32, #tpu.memory_space<vmem>>, vector<16xf32>,
      %mul3A_234 = arith.mulf %get3A_233, %gather3A_202 : vector<16xf32>
      %swap3A_235 = arith.index_cast %scan3A_200 : i32 to index
      %swap3A_236 = arith.constant 64 : index
      %swap3A_237 = tpu.vector_load %arg13[%swap3A_235, %swap3A_236] {strides = array<i32>} : memref<32x128xf32, #tpu.memory_space<vmem>>, vector<16xf32>,
      tpu.vector_store %arg13[%swap3A_235, %swap3A_236], %mul3A_234 {strides = array<i32>} : memref<32x128xf32, #tpu.memory_space<vmem>>, vector<16xf32>,
      %get3A_238 = arith.index_cast %scan3A_200 : i32 to index
      %get3A_239 = arith.constant 80 : index
      %get3A_240 = tpu.vector_load %arg13[%get3A_238, %get3A_239] {strides = array<i32>} : memref<32x128xf32, #tpu.memory_space<vmem>>, vector<16xf32>,
      %mul3A_241 = arith.mulf %get3A_240, %gather3A_202 : vector<16xf32>
      %swap3A_242 = arith.index_cast %scan3A_200 : i32 to index
      %swap3A_243 = arith.constant 80 : index
      %swap3A_244 = tpu.vector_load %arg13[%swap3A_242, %swap3A_243] {strides = array<i32>} : memref<32x128xf32, #tpu.memory_space<vmem>>, vector<16xf32>,
      tpu.vector_store %arg13[%swap3A_242, %swap3A_243], %mul3A_241 {strides = array<i32>} : memref<32x128xf32, #tpu.memory_space<vmem>>, vector<16xf32>,
      %get3A_245 = arith.index_cast %scan3A_200 : i32 to index
      %get3A_246 = arith.constant 96 : index
      %get3A_247 = tpu.vector_load %arg13[%get3A_245, %get3A_246] {strides = array<i32>} : memref<32x128xf32, #tpu.memory_space<vmem>>, vector<16xf32>,
      %mul3A_248 = arith.mulf %get3A_247, %gather3A_202 : vector<16xf32>
      %swap3A_249 = arith.index_cast %scan3A_200 : i32 to index
      %swap3A_250 = arith.constant 96 : index
      %swap3A_251 = tpu.vector_load %arg13[%swap3A_249, %swap3A_250] {strides = array<i32>} : memref<32x128xf32, #tpu.memory_space<vmem>>, vector<16xf32>,
      tpu.vector_store %arg13[%swap3A_249, %swap3A_250], %mul3A_248 {strides = array<i32>} : memref<32x128xf32, #tpu.memory_space<vmem>>, vector<16xf32>,
      %get3A_252 = arith.index_cast %scan3A_200 : i32 to index
      %get3A_253 = arith.constant 112 : index
      %get3A_254 = tpu.vector_load %arg13[%get3A_252, %get3A_253] {strides = array<i32>} : memref<32x128xf32, #tpu.memory_space<vmem>>, vector<16xf32>,
      %mul3A_255 = arith.mulf %get3A_254, %gather3A_202 : vector<16xf32>
      %swap3A_256 = arith.index_cast %scan3A_200 : i32 to index
      %swap3A_257 = arith.constant 112 : index
      %swap3A_258 = tpu.vector_load %arg13[%swap3A_256, %swap3A_257] {strides = array<i32>} : memref<32x128xf32, #tpu.memory_space<vmem>>, vector<16xf32>,
      tpu.vector_store %arg13[%swap3A_256, %swap3A_257], %mul3A_255 {strides = array<i32>} : memref<32x128xf32, #tpu.memory_space<vmem>>, vector<16xf32>,
    }
    %scan3A_167 = arith.constant 32 : i32
    "tpu.region"() ({
      %run_scoped3A = tpu.sem_alloc : memref<!tpu.dma_semaphore, #tpu.memory_space<semaphore_mem>>
      %dma_start3A_200 = arith.constant 0 : i32
      %dma_start3A_201 = arith.constant 0 : i32
      %dma_start3A_202 = tpu.memref_slice %arg9[%dma_start3A_200, %dma_start3A_201] : memref<10240x128xf32, #tpu.memory_space<vmem_shared>> -> memref<10240x128xf32, #tpu.memory_space<vmem_shared>>
      tpu.enqueue_indirect_dma source(%arg13 : memref<32x128xf32, #tpu.memory_space<vmem>>) target(%dma_start3A_202 : memref<10240x128xf32, #tpu.memory_space<vmem_shared>>) offsets(%arg21 : memref<32xi32, #tpu.memory_space<vmem>>) semaphore(%run_scoped3A : memref<!tpu.dma_semaphore, #tpu.memory_space<semaphore_mem>>) {add = true}
      %dma_wait3A_203 = arith.constant 0 : i32
      %dma_wait3A_204 = arith.constant 0 : i32
      %dma_wait3A_205 = tpu.memref_slice %arg9[%dma_wait3A_203, %dma_wait3A_204] : memref<10240x128xf32, #tpu.memory_space<vmem_shared>> -> memref<10240x128xf32, #tpu.memory_space<vmem_shared>>
      tpu.wait_indirect_dma semaphore(%run_scoped3A : memref<!tpu.dma_semaphore, #tpu.memory_space<semaphore_mem>>) src(%arg13 : memref<32x128xf32, #tpu.memory_space<vmem>>) dst(%dma_wait3A_205 : memref<10240x128xf32, #tpu.memory_space<vmem_shared>>)
      tpu.yield
    }) : () -> ()
    %iota3A = tpu.iota {dimensions = array<i32: 0>} : vector<16xi32>
    %swap3A_168 = arith.constant 0 : index
    %swap3A_169 = tpu.vector_load %arg25[%swap3A_168] {strides = array<i32>} : memref<32xi32, #tpu.memory_space<vmem>>, vector<16xi32>,
    tpu.vector_store %arg25[%swap3A_168], %iota3A {strides = array<i32>} : memref<32xi32, #tpu.memory_space<vmem>>, vector<16xi32>,
    %add3A_170 = arith.constant 16 : i32
    %add3A_171 = vector.broadcast %add3A_170 : i32 to vector<16xi32>
    %add3A_172 = arith.addi %iota3A, %add3A_171 : vector<16xi32>
    %swap3A_173 = arith.constant 16 : index
    %swap3A_174 = tpu.vector_load %arg25[%swap3A_173] {strides = array<i32>} : memref<32xi32, #tpu.memory_space<vmem>>, vector<16xi32>,
    tpu.vector_store %arg25[%swap3A_173], %add3A_172 {strides = array<i32>} : memref<32xi32, #tpu.memory_space<vmem>>, vector<16xi32>,
    %add3A_175 = arith.constant 32 : i32
    %add3A_176 = vector.broadcast %add3A_175 : i32 to vector<16xi32>
    %add3A_177 = arith.addi %iota3A, %add3A_176 : vector<16xi32>
    %swap3A_178 = arith.constant 0 : index
    %swap3A_179 = tpu.vector_load %arg26[%swap3A_178] {strides = array<i32>} : memref<32xi32, #tpu.memory_space<vmem>>, vector<16xi32>,
    tpu.vector_store %arg26[%swap3A_178], %add3A_177 {strides = array<i32>} : memref<32xi32, #tpu.memory_space<vmem>>, vector<16xi32>,
    %add3A_180 = arith.constant 48 : i32
    %add3A_181 = vector.broadcast %add3A_180 : i32 to vector<16xi32>
    %add3A_182 = arith.addi %iota3A, %add3A_181 : vector<16xi32>
    %swap3A_183 = arith.constant 16 : index
    %swap3A_184 = tpu.vector_load %arg26[%swap3A_183] {strides = array<i32>} : memref<32xi32, #tpu.memory_space<vmem>>, vector<16xi32>,
    tpu.vector_store %arg26[%swap3A_183], %add3A_182 {strides = array<i32>} : memref<32xi32, #tpu.memory_space<vmem>>, vector<16xi32>,
    %add3A_185 = arith.constant 64 : i32
    %add3A_186 = vector.broadcast %add3A_185 : i32 to vector<16xi32>
    %add3A_187 = arith.addi %iota3A, %add3A_186 : vector<16xi32>
    %swap3A_188 = arith.constant 0 : index
    %swap3A_189 = tpu.vector_load %arg27[%swap3A_188] {strides = array<i32>} : memref<32xi32, #tpu.memory_space<vmem>>, vector<16xi32>,
    tpu.vector_store %arg27[%swap3A_188], %add3A_187 {strides = array<i32>} : memref<32xi32, #tpu.memory_space<vmem>>, vector<16xi32>,
    "tpu.region"() ({
      %run_scoped3A = tpu.sem_alloc : memref<!tpu.dma_semaphore, #tpu.memory_space<semaphore_mem>>
      %dma_start3A_200 = arith.constant 0 : i32
      %dma_start3A_201 = arith.constant 0 : i32
      %dma_start3A_202 = tpu.memref_slice %arg30[%dma_start3A_200, %dma_start3A_201] : memref<80x128xf32, #tpu.memory_space<vmem>> -> memref<32x128xf32, #tpu.memory_space<vmem>>
      %dma_start3A_203 = arith.constant 0 : i32
      %dma_start3A_204 = arith.constant 0 : i32
      %dma_start3A_205 = tpu.memref_slice %arg10[%dma_start3A_203, %dma_start3A_204] : memref<80x128xf32, #tpu.memory_space<vmem_shared>> -> memref<80x128xf32, #tpu.memory_space<vmem_shared>>
      tpu.enqueue_indirect_dma source(%dma_start3A_202 : memref<32x128xf32, #tpu.memory_space<vmem>>) target(%dma_start3A_205 : memref<80x128xf32, #tpu.memory_space<vmem_shared>>) offsets(%arg25 : memref<32xi32, #tpu.memory_space<vmem>>) semaphore(%run_scoped3A : memref<!tpu.dma_semaphore, #tpu.memory_space<semaphore_mem>>) {add = true}
      %dma_wait3A_206 = arith.constant 0 : i32
      %dma_wait3A_207 = arith.constant 0 : i32
      %dma_wait3A_208 = tpu.memref_slice %arg30[%dma_wait3A_206, %dma_wait3A_207] : memref<80x128xf32, #tpu.memory_space<vmem>> -> memref<32x128xf32, #tpu.memory_space<vmem>>
      %dma_wait3A_209 = arith.constant 0 : i32
      %dma_wait3A_210 = arith.constant 0 : i32
      %dma_wait3A_211 = tpu.memref_slice %arg10[%dma_wait3A_209, %dma_wait3A_210] : memref<80x128xf32, #tpu.memory_space<vmem_shared>> -> memref<80x128xf32, #tpu.memory_space<vmem_shared>>
      tpu.wait_indirect_dma semaphore(%run_scoped3A : memref<!tpu.dma_semaphore, #tpu.memory_space<semaphore_mem>>) src(%dma_wait3A_208 : memref<32x128xf32, #tpu.memory_space<vmem>>) dst(%dma_wait3A_211 : memref<80x128xf32, #tpu.memory_space<vmem_shared>>)
      tpu.yield
    }) : () -> ()
    "tpu.region"() ({
      %run_scoped3A = tpu.sem_alloc : memref<!tpu.dma_semaphore, #tpu.memory_space<semaphore_mem>>
      %dma_start3A_200 = arith.constant 32 : i32
      %dma_start3A_201 = arith.constant 0 : i32
      %dma_start3A_202 = tpu.memref_slice %arg30[%dma_start3A_200, %dma_start3A_201] : memref<80x128xf32, #tpu.memory_space<vmem>> -> memref<32x128xf32, #tpu.memory_space<vmem>>
      %dma_start3A_203 = arith.constant 0 : i32
      %dma_start3A_204 = arith.constant 0 : i32
      %dma_start3A_205 = tpu.memref_slice %arg10[%dma_start3A_203, %dma_start3A_204] : memref<80x128xf32, #tpu.memory_space<vmem_shared>> -> memref<80x128xf32, #tpu.memory_space<vmem_shared>>
      tpu.enqueue_indirect_dma source(%dma_start3A_202 : memref<32x128xf32, #tpu.memory_space<vmem>>) target(%dma_start3A_205 : memref<80x128xf32, #tpu.memory_space<vmem_shared>>) offsets(%arg26 : memref<32xi32, #tpu.memory_space<vmem>>) semaphore(%run_scoped3A : memref<!tpu.dma_semaphore, #tpu.memory_space<semaphore_mem>>) {add = true}
      %dma_wait3A_206 = arith.constant 32 : i32
      %dma_wait3A_207 = arith.constant 0 : i32
      %dma_wait3A_208 = tpu.memref_slice %arg30[%dma_wait3A_206, %dma_wait3A_207] : memref<80x128xf32, #tpu.memory_space<vmem>> -> memref<32x128xf32, #tpu.memory_space<vmem>>
      %dma_wait3A_209 = arith.constant 0 : i32
      %dma_wait3A_210 = arith.constant 0 : i32
      %dma_wait3A_211 = tpu.memref_slice %arg10[%dma_wait3A_209, %dma_wait3A_210] : memref<80x128xf32, #tpu.memory_space<vmem_shared>> -> memref<80x128xf32, #tpu.memory_space<vmem_shared>>
      tpu.wait_indirect_dma semaphore(%run_scoped3A : memref<!tpu.dma_semaphore, #tpu.memory_space<semaphore_mem>>) src(%dma_wait3A_208 : memref<32x128xf32, #tpu.memory_space<vmem>>) dst(%dma_wait3A_211 : memref<80x128xf32, #tpu.memory_space<vmem_shared>>)
      tpu.yield
    }) : () -> ()
    "tpu.region"() ({
      %run_scoped3A = tpu.sem_alloc : memref<!tpu.dma_semaphore, #tpu.memory_space<semaphore_mem>>
      %dma_start3A_200 = arith.constant 64 : i32
      %dma_start3A_201 = arith.constant 0 : i32
      %dma_start3A_202 = tpu.memref_slice %arg30[%dma_start3A_200, %dma_start3A_201] : memref<80x128xf32, #tpu.memory_space<vmem>> -> memref<16x128xf32, #tpu.memory_space<vmem>>
      %dma_start3A_203 = arith.constant 0 : i32
      %dma_start3A_204 = tpu.memref_slice %arg27[%dma_start3A_203] : memref<32xi32, #tpu.memory_space<vmem>> -> memref<16xi32, #tpu.memory_space<vmem>>
      %dma_start3A_205 = arith.constant 0 : i32
      %dma_start3A_206 = arith.constant 0 : i32
      %dma_start3A_207 = tpu.memref_slice %arg10[%dma_start3A_205, %dma_start3A_206] : memref<80x128xf32, #tpu.memory_space<vmem_shared>> -> memref<80x128xf32, #tpu.memory_space<vmem_shared>>
      tpu.enqueue_indirect_dma source(%dma_start3A_202 : memref<16x128xf32, #tpu.memory_space<vmem>>) target(%dma_start3A_207 : memref<80x128xf32, #tpu.memory_space<vmem_shared>>) offsets(%dma_start3A_204 : memref<16xi32, #tpu.memory_space<vmem>>) semaphore(%run_scoped3A : memref<!tpu.dma_semaphore, #tpu.memory_space<semaphore_mem>>) {add = true}
      %dma_wait3A_208 = arith.constant 64 : i32
      %dma_wait3A_209 = arith.constant 0 : i32
      %dma_wait3A_210 = tpu.memref_slice %arg30[%dma_wait3A_208, %dma_wait3A_209] : memref<80x128xf32, #tpu.memory_space<vmem>> -> memref<16x128xf32, #tpu.memory_space<vmem>>
      %dma_wait3A_211 = arith.constant 0 : i32
      %dma_wait3A_212 = tpu.memref_slice %arg27[%dma_wait3A_211] : memref<32xi32, #tpu.memory_space<vmem>> -> memref<16xi32, #tpu.memory_space<vmem>>
      %dma_wait3A_213 = arith.constant 0 : i32
      %dma_wait3A_214 = arith.constant 0 : i32
      %dma_wait3A_215 = tpu.memref_slice %arg10[%dma_wait3A_213, %dma_wait3A_214] : memref<80x128xf32, #tpu.memory_space<vmem_shared>> -> memref<80x128xf32, #tpu.memory_space<vmem_shared>>
      tpu.wait_indirect_dma semaphore(%run_scoped3A : memref<!tpu.dma_semaphore, #tpu.memory_space<semaphore_mem>>) src(%dma_wait3A_210 : memref<16x128xf32, #tpu.memory_space<vmem>>) dst(%dma_wait3A_215 : memref<80x128xf32, #tpu.memory_space<vmem_shared>>)
      tpu.yield
    }) : () -> ()
    %barrier3A_190 = arith.constant 0 : index
    tpu.barrier barrier_id(%barrier3A_190)
    %mul3A_191 = arith.constant 640 : i32
    %mul3A_192 = arith.muli %arg1, %mul3A_191 : i32
    %mul3A_193 = arith.constant 640 : i32
    %mul3A_194 = arith.muli %arg1, %mul3A_193 : i32
    "tpu.region"() ({
      %run_scoped3A = tpu.sem_alloc : memref<!tpu.dma_semaphore, #tpu.memory_space<semaphore_mem>>
      %dma_start3A_200 = arith.constant 0 : i32
      %dma_start3A_201 = tpu.memref_slice %arg7[%arg0, %mul3A_194, %dma_start3A_200] : memref<2x10240x128xf32, #tpu.memory_space<hbm>> -> memref<1x640x128xf32, #tpu.memory_space<hbm>>
      %dma_start3A_202 = tpu.memref_squeeze %dma_start3A_201 : memref<1x640x128xf32, #tpu.memory_space<hbm>> -> memref<640x128xf32, #tpu.memory_space<hbm>>
      %dma_start3A_203 = arith.constant 0 : i32
      %dma_start3A_204 = tpu.memref_slice %arg9[%mul3A_192, %dma_start3A_203] : memref<10240x128xf32, #tpu.memory_space<vmem_shared>> -> memref<640x128xf32, #tpu.memory_space<vmem_shared>>
      tpu.enqueue_dma source(%dma_start3A_204 : memref<640x128xf32, #tpu.memory_space<vmem_shared>>) target(%dma_start3A_202 : memref<640x128xf32, #tpu.memory_space<hbm>>) target_semaphore(%run_scoped3A : memref<!tpu.dma_semaphore, #tpu.memory_space<semaphore_mem>>)
      %dma_wait3A_205 = arith.constant 0 : i32
      %dma_wait3A_206 = tpu.memref_slice %arg7[%arg0, %mul3A_194, %dma_wait3A_205] : memref<2x10240x128xf32, #tpu.memory_space<hbm>> -> memref<1x640x128xf32, #tpu.memory_space<hbm>>
      %dma_wait3A_207 = tpu.memref_squeeze %dma_wait3A_206 : memref<1x640x128xf32, #tpu.memory_space<hbm>> -> memref<640x128xf32, #tpu.memory_space<hbm>>
      %dma_wait3A_208 = arith.constant 0 : i32
      %dma_wait3A_209 = tpu.memref_slice %arg9[%mul3A_192, %dma_wait3A_208] : memref<10240x128xf32, #tpu.memory_space<vmem_shared>> -> memref<640x128xf32, #tpu.memory_space<vmem_shared>>
      tpu.wait_dma2 semaphore(%run_scoped3A : memref<!tpu.dma_semaphore, #tpu.memory_space<semaphore_mem>>) src(%dma_wait3A_209 : memref<640x128xf32, #tpu.memory_space<vmem_shared>>) dst(%dma_wait3A_207 : memref<640x128xf32, #tpu.memory_space<hbm>>)
      tpu.yield
    }) : () -> ()
    %eq3A_195 = arith.constant 0 : i32
    %eq3A_196 = arith.cmpi eq, %arg1, %eq3A_195 : i32
    %convert_element_type3A_197 = arith.extui %eq3A_196 : i1 to i32
    %cond3A_198 = arith.constant 0 : i32
    %cond3A_199 = arith.cmpi ne, %convert_element_type3A_197, %cond3A_198 : i32
    scf.if %cond3A_199 {
      "tpu.region"() ({
        %run_scoped3A = tpu.sem_alloc : memref<!tpu.dma_semaphore, #tpu.memory_space<semaphore_mem>>
        %dma_start3A_200 = arith.constant 0 : i32
        %dma_start3A_201 = arith.constant 0 : i32
        %dma_start3A_202 = tpu.memref_slice %arg8[%arg0, %dma_start3A_200, %dma_start3A_201] : memref<2x80x128xf32, #tpu.memory_space<hbm>> -> memref<1x80x128xf32, #tpu.memory_space<hbm>>
        %dma_start3A_203 = tpu.memref_squeeze %dma_start3A_202 : memref<1x80x128xf32, #tpu.memory_space<hbm>> -> memref<80x128xf32, #tpu.memory_space<hbm>>
        tpu.enqueue_dma source(%arg10 : memref<80x128xf32, #tpu.memory_space<vmem_shared>>) target(%dma_start3A_203 : memref<80x128xf32, #tpu.memory_space<hbm>>) target_semaphore(%run_scoped3A : memref<!tpu.dma_semaphore, #tpu.memory_space<semaphore_mem>>)
        %dma_wait3A_204 = arith.constant 0 : i32
        %dma_wait3A_205 = arith.constant 0 : i32
        %dma_wait3A_206 = tpu.memref_slice %arg8[%arg0, %dma_wait3A_204, %dma_wait3A_205] : memref<2x80x128xf32, #tpu.memory_space<hbm>> -> memref<1x80x128xf32, #tpu.memory_space<hbm>>
        %dma_wait3A_207 = tpu.memref_squeeze %dma_wait3A_206 : memref<1x80x128xf32, #tpu.memory_space<hbm>> -> memref<80x128xf32, #tpu.memory_space<hbm>>
        tpu.wait_dma2 semaphore(%run_scoped3A : memref<!tpu.dma_semaphore, #tpu.memory_space<semaphore_mem>>) src(%arg10 : memref<80x128xf32, #tpu.memory_space<vmem_shared>>) dst(%dma_wait3A_207 : memref<80x128xf32, #tpu.memory_space<hbm>>)
        tpu.yield
      }) : () -> ()
    } else {
    }
    return
  }
}

module attributes {stable_mosaic.version = 14 : i64} {
  func.func @_dense_body(%arg0: memref<10000x128xf32, #tpu.memory_space<vmem>>, %arg1: memref<128x128xf32, #tpu.memory_space<vmem>>, %arg2: memref<128x128xf32, #tpu.memory_space<vmem>>, %arg3: memref<8x128xf32, #tpu.memory_space<vmem>>, %arg4: memref<10000x128xf32, #tpu.memory_space<vmem>>, %arg5: memref<8x10000xf32, #tpu.memory_space<vmem>>) attributes {dimension_semantics = [], scalar_prefetch = 0 : i64, scratch_operands = 0 : i64, tpu.core_type = #tpu.core_type<tc>} {
    %get3A = arith.constant 0 : index
    %get3A_0 = arith.constant 0 : index
    %get3A_1 = vector.load %arg0[%get3A, %get3A_0] : memref<10000x128xf32, #tpu.memory_space<vmem>>, vector<10000x128xf32>
    %get3A_2 = arith.constant 0 : index
    %get3A_3 = arith.constant 0 : index
    %get3A_4 = vector.load %arg1[%get3A_2, %get3A_3] : memref<128x128xf32, #tpu.memory_space<vmem>>, vector<128x128xf32>
    %dot_general3A = arith.constant dense<0.000000e+00> : vector<10000x128xf32>
    %dot_general3A_5 = tpu.matmul %get3A_1, %get3A_4, %dot_general3A {dimension_numbers = #tpu.dot_dimension_numbers<[1], [0], [0], [1], [0, 0, 1, 1], [], []>, transpose_lhs_hint = false} : vector<10000x128xf32>, vector<128x128xf32>, vector<10000x128xf32> -> vector<10000x128xf32>
    %swap3A = arith.constant 0 : index
    %swap3A_6 = arith.constant 0 : index
    %swap3A_7 = vector.load %arg4[%swap3A, %swap3A_6] : memref<10000x128xf32, #tpu.memory_space<vmem>>, vector<10000x128xf32>
    tpu.vector_store %arg4[%swap3A, %swap3A_6], %dot_general3A_5 {strides = array<i32>} : memref<10000x128xf32, #tpu.memory_space<vmem>>, vector<10000x128xf32>,
    %get3A_8 = arith.constant 0 : index
    %get3A_9 = arith.constant 0 : index
    %get3A_10 = vector.load %arg3[%get3A_8, %get3A_9] : memref<8x128xf32, #tpu.memory_space<vmem>>, vector<8x128xf32>
    %get3A_11 = arith.constant 0 : index
    %get3A_12 = arith.constant 0 : index
    %get3A_13 = vector.load %arg2[%get3A_11, %get3A_12] : memref<128x128xf32, #tpu.memory_space<vmem>>, vector<128x128xf32>
    %dot_general3A_14 = arith.constant dense<0.000000e+00> : vector<8x128xf32>
    %dot_general3A_15 = tpu.matmul %get3A_10, %get3A_13, %dot_general3A_14 {dimension_numbers = #tpu.dot_dimension_numbers<[1], [1], [0], [0], [0, 0, 1, 0], [], []>, transpose_lhs_hint = false} : vector<8x128xf32>, vector<128x128xf32>, vector<8x128xf32> -> vector<8x128xf32>
    %dot_general3A_16 = arith.constant dense<0.000000e+00> : vector<8x10000xf32>
    %dot_general3A_17 = tpu.matmul %dot_general3A_15, %get3A_1, %dot_general3A_16 {dimension_numbers = #tpu.dot_dimension_numbers<[1], [1], [0], [0], [0, 0, 1, 0], [], []>, transpose_lhs_hint = false} : vector<8x128xf32>, vector<10000x128xf32>, vector<8x10000xf32> -> vector<8x10000xf32>
    %swap3A_18 = arith.constant 0 : index
    %swap3A_19 = arith.constant 0 : index
    %swap3A_20 = vector.load %arg5[%swap3A_18, %swap3A_19] : memref<8x10000xf32, #tpu.memory_space<vmem>>, vector<8x10000xf32>
    tpu.vector_store %arg5[%swap3A_18, %swap3A_19], %dot_general3A_17 {strides = array<i32>} : memref<8x10000xf32, #tpu.memory_space<vmem>>, vector<8x10000xf32>,
    return
  }
}

module attributes {stable_mosaic.version = 14 : i64} {
  func.func @_finish_body(%arg0: i32, %arg1: memref<2x1000x128xf32, #tpu.memory_space<vmem>>, %arg2: memref<1000x1xf32, #tpu.memory_space<vmem>>, %arg3: memref<128xf32, #tpu.memory_space<vmem>>, %arg4: memref<1000x128xf32, #tpu.memory_space<vmem>>) attributes {dimension_semantics = [#tpu.dimension_semantics<arbitrary>], iteration_bounds = array<i64: 10>, scalar_prefetch = 0 : i64, scratch_operands = 0 : i64, tpu.core_type = #tpu.core_type<tc>, window_params = [{transform_indices = @transform_0, window_bounds = array<i64: 2, 1000, 128>}, {transform_indices = @transform_1, window_bounds = array<i64: 1000, 1>}, {pipeline_mode = #tpu.pipeline_mode<synchronous>, transform_indices = @transform_2, window_bounds = array<i64: 128>}, {transform_indices = @transform_3, window_bounds = array<i64: 1000, 128>}]} {
    %get3A = arith.constant 0 : index
    %get3A_0 = arith.constant 0 : index
    %get3A_1 = arith.constant 0 : index
    %get3A_2 = vector.load %arg1[%get3A, %get3A_0, %get3A_1] : memref<2x1000x128xf32, #tpu.memory_space<vmem>>, vector<1x1000x128xf32>
    %get3A_3 = vector.shape_cast %get3A_2 : vector<1x1000x128xf32> to vector<1000x128xf32>
    %get3A_4 = arith.constant 1 : index
    %get3A_5 = arith.constant 0 : index
    %get3A_6 = arith.constant 0 : index
    %get3A_7 = vector.load %arg1[%get3A_4, %get3A_5, %get3A_6] : memref<2x1000x128xf32, #tpu.memory_space<vmem>>, vector<1x1000x128xf32>
    %get3A_8 = vector.shape_cast %get3A_7 : vector<1x1000x128xf32> to vector<1000x128xf32>
    %add3A = arith.addf %get3A_3, %get3A_8 : vector<1000x128xf32>
    %get3A_9 = arith.constant 0 : index
    %get3A_10 = arith.constant 0 : index
    %get3A_11 = vector.load %arg2[%get3A_9, %get3A_10] : memref<1000x1xf32, #tpu.memory_space<vmem>>, vector<1000x1xf32>
    %gt3A = arith.constant 0.000000e+00 : f32
    %gt3A_12 = vector.broadcast %gt3A : f32 to vector<1000x1xf32>
    %gt3A_13 = arith.cmpf ogt, %get3A_11, %gt3A_12 : vector<1000x1xf32>
    %gt3A_14 = arith.constant 0.000000e+00 : f32
    %gt3A_15 = vector.broadcast %gt3A_14 : f32 to vector<1000x1xf32>
    %gt3A_16 = arith.cmpf ogt, %get3A_11, %gt3A_15 : vector<1000x1xf32>
    %jit3A = arith.constant 1.000000e+00 : f32
    %broadcast_in_dim3A = vector.broadcast %jit3A : f32 to vector<1000x1xf32>
    %select_n3A = arith.select %gt3A_16, %get3A_11, %broadcast_in_dim3A : vector<1000x1xi1>, vector<1000x1xf32>
    %div3A = vector.broadcast %select_n3A : vector<1000x1xf32> to vector<1000x128xf32>
    %div3A_17 = arith.divf %add3A, %div3A : vector<1000x128xf32>
    %jit3A_18 = arith.constant 0.000000e+00 : f32
    %broadcast_in_dim3A_19 = vector.shape_cast %gt3A_13 : vector<1000x1xi1> to vector<1000x1xi1>
    %broadcast_in_dim3A_20 = vector.broadcast %broadcast_in_dim3A_19 : vector<1000x1xi1> to vector<1000x128xi1>
    %broadcast_in_dim3A_21 = vector.broadcast %jit3A_18 : f32 to vector<1000x128xf32>
    %select_n3A_22 = arith.select %broadcast_in_dim3A_20, %div3A_17, %broadcast_in_dim3A_21 : vector<1000x128xi1>, vector<1000x128xf32>
    %get3A_23 = arith.constant 0 : index
    %get3A_24 = vector.load %arg3[%get3A_23] : memref<128xf32, #tpu.memory_space<vmem>>, vector<128xf32>
    %broadcast_in_dim3A_25 = vector.shape_cast %get3A_24 : vector<128xf32> to vector<1x128xf32>
    %add3A_26 = vector.broadcast %broadcast_in_dim3A_25 : vector<1x128xf32> to vector<1000x128xf32>
    %add3A_27 = arith.addf %select_n3A_22, %add3A_26 : vector<1000x128xf32>
    %ge3A = arith.constant 0.000000e+00 : f32
    %ge3A_28 = vector.broadcast %ge3A : f32 to vector<1000x128xf32>
    %ge3A_29 = arith.cmpf oge, %add3A_27, %ge3A_28 : vector<1000x128xf32>
    %mul3A = arith.constant 2.000000e-01 : f32
    %mul3A_30 = vector.broadcast %mul3A : f32 to vector<1000x128xf32>
    %mul3A_31 = arith.mulf %mul3A_30, %add3A_27 : vector<1000x128xf32>
    %select_n3A_32 = arith.select %ge3A_29, %add3A_27, %mul3A_31 : vector<1000x128xi1>, vector<1000x128xf32>
    %swap3A = arith.constant 0 : index
    %swap3A_33 = arith.constant 0 : index
    %swap3A_34 = vector.load %arg4[%swap3A, %swap3A_33] : memref<1000x128xf32, #tpu.memory_space<vmem>>, vector<1000x128xf32>
    tpu.vector_store %arg4[%swap3A, %swap3A_33], %select_n3A_32 {strides = array<i32>} : memref<1000x128xf32, #tpu.memory_space<vmem>>, vector<1000x128xf32>,
    return
  }
  func.func @transform_0(%arg0: i32) -> (i32, i32, i32) {
    %c0_i32 = arith.constant 0 : i32
    %c0_i32_0 = arith.constant 0 : i32
    %c0_i32_1 = arith.constant 0 : i32
    return %c0_i32, %arg0, %c0_i32_0 : i32, i32, i32
  }
  func.func @transform_1(%arg0: i32) -> (i32, i32) {
    %c0_i32 = arith.constant 0 : i32
    %c0_i32_0 = arith.constant 0 : i32
    return %arg0, %c0_i32 : i32, i32
  }
  func.func @transform_2(%arg0: i32) -> i32 {
    %c0_i32 = arith.constant 0 : i32
    %c0_i32_0 = arith.constant 0 : i32
    return %c0_i32 : i32
  }
  func.func @transform_3(%arg0: i32) -> (i32, i32) {
    %c0_i32 = arith.constant 0 : i32
    %c0_i32_0 = arith.constant 0 : i32
    return %arg0, %c0_i32 : i32, i32
  }
}

</mosaic_0001>

<sc_bundles>
// kernel: kernel.5.cloned.1.call-start
scs
__scs_entry_jumppad:
0x0: {  	(pc) =	sbr.rel $0x88, $3  }
0x1: {  	(tag) =	ssettag $0x0;
	lr =	simm.s32 $0x1  }
0x2: {  	[smem:$0x3F9B] =	sst lr;
	_ =	strace $0xD0000000  }
0x3: {  	_ = 	snop  }
0x4: {  	_ = 	snop  }
0x5: {  	_ = 	snop  }
0x6: {  	_ = 	snop  }
0x7: {  	_ = 	snop  }
__scs_overlays_trampoline_lowered:
0x8: {  	[smem:$0x3FAA] =	sst s0  }
0x9: {  	[smem:$0x3FAB] =	sst s1  }
0xa: {  	[smem:$0x3FAC] =	sst s2  }
0xb: {  	[smem:$0x3FAD] =	sst s3  }
0xc: {  	[smem:$0x3FAE] =	sst s4  }
0xd: {  	[smem:$0x3FAF] =	sst s5  }
0xe: {  	[smem:$0x3FB0] =	sst s6  }
0xf: {  	[smem:$0x3FB1] =	sst s7  }
0x10: {  	[smem:$0x3FB2] =	sst s8  }
0x11: {  	[smem:$0x3FB3] =	sst s9;
	s0 =	simm.s32 @!p0 $0x0  }
0x12: {  	s1 =	sld [smem:$0x3F99];
	s0 =	simm.s32 @p0 $0x1  }
0x13: {  	[smem:$0x3FB4] =	sst s0;
	s0 =	simm.s32 @!p1 $0x0  }
0x14: {  	s2 =	sld [smem:$0x3F98];
	s0 =	simm.s32 @p1 $0x1  }
0x15: {  	[smem:$0x3FB5] =	sst s0;
	s0 =	simm.s32 @!p2 $0x0  }
0x16: {  	s3 =	sld [smem:$0x3FDB];
	s0 =	simm.s32 @p2 $0x1  }
0x17: {  	s4 =	simm.s32 $0x1BF5;
	[smem:$0x3FB7] =	sst s0  }
0x18: {  	s0 =	sld [smem:$0x3F9A];
	_ =	swait.ge [sflag:s4], $0x0  }
0x19: {  	s7 =	sld [smem:$0x3F9B]  }
0x1a: {  	s8 =	sadd.s32 $0xFFFFE003, lr  }
0x1b: {  	s9 =	sadd.s32 $0xFFFFFEF7, lr;
	s5 =	simm.s32 $0xFFFFFFFF;
	p2 =	slt.u32 s8, $0xFFFFF086  }
0x1c: {  	p1 =	slt.u32 s9, $0xF7A;
	s5 =	simm.s32 @!p2 $0x0  }
0x1d: {  	s5 =	simm.s32 @p1 $0x1;
	p0 =	seq.s32 s7, s2  }
0x1e: {  	s7 =	smul.u32 @!p0 $0xF7A, s2;
	p2 =	seq.s32 @!p0 s5, $0x0  }
0x1f: {  	s9 =	smul.u32 $0xF7A, s1;
	s8 =	simm.s32 @!p0 $0x1BF5;
	p2 =	por !p2, p0  }
0x20: {  	[sflag:s8] =	ssyncset.s32 @!p0 $0xFFFFF086;
	s6 =	sadd.s32 @!p0 s3, s7;
	s7 =	simm.s32 @!p0 $0x108  }
0x21: {  	s3 =	sadd.s32 s3, s9;
	s6 =	sadd.s32 @!p0 $0x88, s6;
	s7 =	simm.s32 @p2 $0x1082  }
0x22: {  	[simem:s7], [sflag:s8] =	dma.local @!p0 [hbm:s6], $0xF7A  }
0x23: {  	s9 =	sor.u32 $0xD0000000, s2;
	s6 =	simm.s32 $0x108;
	_ =	swait.ge @!p0 [sflag:s8], $0x0  }
0x24: {  	s3 =	sadd.s32 $0x88, s3;
	s6 =	simm.s32 @!p1 $0x1082;
	[sflag:s4] =	ssyncset.s32 $0xFFFFF086  }
0x25: {  	[simem:s6], [sflag:s4] =	dma.local [hbm:s3], $0xF7A  }
0x26: {  	[smem:$0x3F9B] =	sst s1;
	(tag) =	ssettag s2;
	_ =	strace s9  }
0x27: {  	s1 =	sld [smem:$0x3FAB]  }
0x28: {  	s2 =	sld [smem:$0x3FAC]  }
0x29: {  	s4 =	sld [smem:$0x3FAE]  }
0x2a: {  	p0 =	seq.s32 s5, $0x0;
	s5 =	sld [smem:$0x3FAF]  }
0x2b: {  	s6 =	sld [smem:$0x3FB0]  }
0x2c: {  	s7 =	sld [smem:$0x3FB1]  }
0x2d: {  	s3 =	simm.s32 $0x108;
	s8 =	sld [smem:$0x3FB2]  }
0x2e: {  	s3 =	simm.s32 @!p0 $0x1082;
	s9 =	sld [smem:$0x3FB3]  }
0x2f: {  	lr =	sadd.s32 s0, s3;
	s0 =	sld [smem:$0x3FAA]  }
0x30: {  	s3 =	sld [smem:$0x3FAD]  }
0x31: {  	[smem:$0x3FB6] =	sst s10  }
0x32: {  	s10 =	sld [smem:$0x3FB4];
	_ =	sdelay $0x3  }
0x33: {  	p0 =	seq.s32 s10, $0x1;
	s10 =	sld [smem:$0x3FB6];
	_ =	sdelay $0x3  }
0x34: {  	[smem:$0x3FB6] =	sst s10  }
0x35: {  	s10 =	sld [smem:$0x3FB5];
	_ =	sdelay $0x3  }
0x36: {  	p1 =	seq.s32 s10, $0x1;
	s10 =	sld [smem:$0x3FB6];
	_ =	sdelay $0x3  }
0x37: {  	[smem:$0x3FB6] =	sst s10  }
0x38: {  	s10 =	sld [smem:$0x3FB7]  }
0x39: {  	_ = 	snop;
	(pc) =	sbr.ind lr, $3  }
0x3a: {  	_ = 	snop  }
0x3b: {  	_ = 	snop  }
0x3c: {  	p2 =	seq.s32 s10, $0x1;
	s10 =	sld [smem:$0x3FB6]  }
0x3d: {  	_ =	shalt  }
0x3e: {  	_ =	shalt  }
0x3f: {  	_ =	shalt  }
0x40: {  	_ =	shalt  }
0x41: {  	_ =	shalt  }
0x42: {  	_ =	shalt  }
0x43: {  	_ =	shalt  }
0x44: {  	_ =	shalt  }
0x45: {  	_ =	shalt  }
0x46: {  	_ =	shalt  }
0x47: {  	_ =	shalt  }
0x48: {  	_ =	shalt  }
0x49: {  	_ =	shalt  }
0x4a: {  	_ =	shalt  }
0x4b: {  	_ =	shalt  }
0x4c: {  	_ =	shalt  }
0x4d: {  	_ =	shalt  }
0x4e: {  	_ =	shalt  }
0x4f: {  	_ =	shalt  }
0x50: {  	_ =	shalt  }
0x51: {  	_ =	shalt  }
0x52: {  	_ =	shalt  }
0x53: {  	_ =	shalt  }
0x54: {  	_ =	shalt  }
0x55: {  	_ =	shalt  }
0x56: {  	_ =	shalt  }
0x57: {  	_ =	shalt  }
0x58: {  	_ =	shalt  }
0x59: {  	_ =	shalt  }
0x5a: {  	_ =	shalt  }
0x5b: {  	_ =	shalt  }
0x5c: {  	_ =	shalt  }
0x5d: {  	_ =	shalt  }
0x5e: {  	_ =	shalt  }
0x5f: {  	_ =	shalt  }
0x60: {  	_ =	shalt  }
0x61: {  	_ =	shalt  }
0x62: {  	_ =	shalt  }
0x63: {  	_ =	shalt  }
0x64: {  	_ =	shalt  }
0x65: {  	_ =	shalt  }
0x66: {  	_ =	shalt  }
0x67: {  	_ =	shalt  }
0x68: {  	_ =	shalt  }
0x69: {  	_ =	shalt  }
0x6a: {  	_ =	shalt  }
0x6b: {  	_ =	shalt  }
0x6c: {  	_ =	shalt  }
0x6d: {  	_ =	shalt  }
0x6e: {  	_ =	shalt  }
0x6f: {  	_ =	shalt  }
0x70: {  	_ =	shalt  }
0x71: {  	_ =	shalt  }
0x72: {  	_ =	shalt  }
0x73: {  	_ =	shalt  }
0x74: {  	_ =	shalt  }
0x75: {  	_ =	shalt  }
0x76: {  	_ =	shalt  }
0x77: {  	_ =	shalt  }
0x78: {  	_ =	shalt  }
0x79: {  	_ =	shalt  }
0x7a: {  	_ =	shalt  }
0x7b: {  	_ =	shalt  }
0x7c: {  	_ =	shalt  }
0x7d: {  	_ =	shalt  }
0x7e: {  	_ =	shalt  }
0x7f: {  	_ =	shalt  }
0x80: {  	_ =	shalt  }
0x81: {  	_ =	shalt  }
0x82: {  	_ =	shalt  }
0x83: {  	_ =	shalt  }
0x84: {  	_ =	shalt  }
0x85: {  	_ =	shalt  }
0x86: {  	_ =	shalt  }
0x87: {  	_ =	shalt  }
.Lfunc_end0:
.L_simem_size_0:
called_computation_lowered:
.L_overlay_start_0:
0x88: {  	s2 =	sld [smem:$0x3FD9]  }
0x89: {  	s3 =	sld [smem:$0x3FFE];
	_ =	sdelay $0x1  }
0x8a: {  	s1 =	srdreg.scid  }
0x8b: {  	s0 =	sand.u32 $0x1, s1  }
0x8c: {  	s17 =	sshll.u32 s0, $0xA;
	s2 =	sadd.s32 s3, s2  }
0x8d: {  	s2 =	sadd.s32 s2, s17  }
0x8e: {  	[smem:$0x3FC2] =	sst s2  }
0x8f: {  	_ = 	snop  }
0x90: {  	s2 =	sld [smem:$0x3FD0];
	(tm) =	ssettm $0x1  }
0x91: {  	s18 =	sld [smem:$0x3FFB];
	_ =	sdelay $0x3  }
0x92: {  	_ =	strace s18  }
0x93: {  	s3 =	sld [smem:$0x3FFC];
	_ =	sdelay $0x3  }
0x94: {  	_ =	strace s3  }
0x95: {  	s3 =	sld [smem:$0x3FFD];
	_ =	sdelay $0x3  }
0x96: {  	_ =	strace s3  }
0x97: {  	_ =	strace $0x8FFFFFFF  }
0x98: {  	s19 =	sld [smem:$0x3FDB];
	_ =	sdelay $0x1  }
0x99: {  	s4 =	simm.s32 $_scs_section_size  }
0x9a: {  	s5 =	simm.s32 $_size__tile_overlayer_lowered;
	s6 =	simm.s32 $_tile_overlayer_lowered  }
0x9b: {  	s22 =	simm.s32 $0x1BFF;
	s21 =	sshll.u32 s6, $0x1;
	s3 =	sadd.s32 s4, s19  }
0x9c: {  	s7 =	simm.s32 $0x0;
	s20 =	sshll.u32 s5, $0x1;
	s5 =	sadd.s32 s21, s3  }
0x9d: {  	[timem:s7], [sflag:s22] =	dma.local [hbm:s5], s20  }
0x9e: {  	_ =	swait.ge [sflag:s22], s20  }
0x9f: {  	s4 =	ssub.s32 $0x0, s20;
	[sflag:s22] =	ssyncset.done $0x0  }
0xa0: {  	[sflag:s22] =	ssyncadd.s32 s4;
	_ =	sdelay $0x1  }
0xa1: {  	s23 =	simm.s32 $0x1B8B  }
0xa2: {  	_ =	swait.ge [sflag:s23], $0x1  }
0xa3: {  	[sflag:s23] =	ssyncset.done $0x0  }
0xa4: {  	s25 =	simm.s32 $0x1B8E;
	s24 =	sld [smem:$0x3FFE];
	[sflag:s23] =	ssyncadd.s32 $0xFFFFFFFF  }
0xa5: {  	s26 =	simm.s32 $execute0_lowered;
	[smem:$0x3FD2] =	sst s25  }
0xa6: {  	s5 =	sshll.u32 s26, $0x1;
	_ =	strace $0x80000046;
	[dreg:$0x1] =	wrdreg $0xFFFFFFFF  }
0xa7: {  	s28 =	simm.s32 $_size_execute0_lowered;
	s3 =	sadd.s32 s3, s5;
	[dreg:$0x0] =	wrdreg $0x0  }
0xa8: {  	s5 =	sshll.u32 s28, $0x1;
	[dreg:$0x2] =	wrdreg s3  }
0xa9: {  	[dreg:$0x3] =	wrdreg s5  }
0xaa: {  	[dreg:$0x4] =	wrdreg $0xC0  }
0xab: {  	_ =	task [dreg:s7], $0x5FFFF  }
0xac: {  	[dreg:$0x1] =	wrdreg $0xFFFFFFFF  }
0xad: {  	[dreg:$0x0] =	wrdreg $0x60  }
0xae: {  	[dreg:$0x2] =	wrdreg s24  }
0xaf: {  	[dreg:$0x3] =	wrdreg s2  }
0xb0: {  	[dreg:$0x4] =	wrdreg $0x0  }
0xb1: {  	[dreg:$0x5] =	wrdreg $0x140000  }
0xb2: {  	[dreg:$0x6] =	wrdreg $0x9  }
0xb3: {  	_ =	task.clear_ibuf [dreg:s7], $0x7FFFF;
	_ =	strace $0x90000046  }
0xb4: {  	s29 =	simm.s32 $0x9;
	_ =	strace $0x80000048  }
0xb5: {  	_ =	swait.ge [sflag:s29], $0x1  }
0xb6: {  	[sflag:s29] =	ssyncadd.s32 $0xFFFFFFFF  }
0xb7: {  	_ =	strace $0x90000048  }
0xb8: {  	_ =	sfence  }
0xb9: {  	s30 =	sld [smem:$0x0];
	_ =	sdelay $0x2  }
0xba: {  	s31 =	sshll.u32 s1, $0xD;
	s1 =	sshrl.u32 s1, $0x2  }
0xbb: {  	s3 =	sand.u32 $0x4000, s31;
	s1 =	sadd.s32 s1, s30  }
0xbc: {  	s0 =	sor.u32 s3, s0;
	s1 =	sshll.u32 s1, $0x11  }
0xbd: {  	s0 =	sor.u32 s1, s0  }
0xbe: {  	s0 =	sadd.s32 $0x8F2B, s0  }
0xbf: {  	[sflag:s0] =	ssyncadd.remote.s32 $0x1  }
0xc0: {  	_ =	sfence.sel $0xFFFF  }
0xc1: {  	[dreg:$0x0] =	wrdreg $0xFFFFFFFF;
	(pc) =	sbr.abs _section_cstart, $3  }
0xc2: {  	[dreg:$0x1] =	wrdreg $0xFFFFFFFF  }
0xc3: {  	_ =	task.clear_ibuf [dreg:s7], $0x2FFFF;
	_ =	strace $0x9FFFFFFF  }
0xc4: {  	(tm) =	ssettm $0x7FFFFFFF  }
0xc5: {  	_ =	shalt  }
tec
execute0_lowered:
.L_overlay_start_1:
0x0: {  	(tag) =	ssettag $0x1  }
0x1: {  	s0 =	rddreg [dreg:$0x0]  }
0x2: {  	s1 =	rddreg [dreg:$0x1]  }
0x3: {  	s2 =	rddreg [dreg:$0x2]  }
0x4: {  	s18 =	rddreg [dreg:$0x3];
	s4 =	simm.s32 $0x0;
	s3 =	srdreg.scid  }
0x5: {  	s12 =	stileid.u32;
	[smem:$0x7FF] =	sst s4;
	s3 =	sand.u32 $0x1, s3  }
0x6: {  	s6 =	sadd.s32 $0xB000, s0;
	s7 =	sadd.s32 $0x1200, s0;
	s8 =	smul.u32 $0x14000, s12  }
0x7: {  	s9 =	sadd.s32 $0x15400, s0;
	s22 =	smul.u32 $0x50000, s12;
	s11 =	sadd.s32 $0x14E00, s0  }
0x8: {  	_ =	strace $0x80000047;
	s5 =	smul.u32 $0x140000, s3;
	[dreg:$0x5] =	wrdreg s9  }
0x9: {  	s20 =	smul.u32 $0x500, s3;
	s10 =	sshll.u32 s3, $0x4;
	s3 =	ssub.s32 $0x2, s3  }
0xa: {  	[dreg:$0x6] =	wrdreg s11;
	s21 =	sor.u32 s12, s10;
	s23 =	sshrl.u32 s3, $0x1  }
0xb: {  	s5 =	sadd.s32 s8, s5;
	s8 =	smul.u32 $0x2710, s21;
	s3 =	ssub.s32 s3, s23  }
0xc: {  	s10 =	sshrl.u32 s22, $0x2;
	s5 =	sshrl.u32 s5, $0x3;
	s23 =	smax.u32 s3, $0x1  }
0xd: {  	s5 =	sadd.s32 s5, s0;
	s17 =	sadd.s32 $0x60, s8;
	[dreg:$0x15] =	wrdreg s23  }
0xe: {  	s0 =	sadd.s32 s20, s0;
	s19 =	sadd.s32 $0x80, s8;
	[dreg:$0xe] =	wrdreg s17  }
0xf: {  	s24 =	sshrl.u32 s8, $0x3;
	s20 =	sadd.s32 s10, s2;
	[dreg:$0xf] =	wrdreg s19  }
0x10: {  	s25 =	sadd.s32 s6, s24;
	[dreg:$0x7] =	wrdreg s20  }
0x11: {  	s26 =	sadd.s32 s7, s24;
	[dreg:$0x8] =	wrdreg s25  }
0x12: {  	s19 =	sadd.s32 $0xA0, s8;
	s8 =	sadd.s32 $0xC0, s8;
	[dreg:$0x9] =	wrdreg s26  }
0x13: {  	s10 =	sadd.s32 $0x4, s24;
	s5 =	sadd.s32 $0x16400, s5;
	[dreg:$0x10] =	wrdreg s8  }
0x14: {  	s14 =	sadd.s32 $0x8, s24;
	s0 =	sadd.s32 $0x15A00, s0;
	[dreg:$0x13] =	wrdreg s5  }
0x15: {  	s21 =	sadd.s32 $0x4E0, s24;
	s24 =	sadd.s32 $0x1000, s20;
	[dreg:$0x14] =	wrdreg s0  }
0x16: {  	s3 =	sadd.s32 $0x4000, s20;
	[dreg:$0x16] =	wrdreg s24  }
0x17: {  	s11 =	sadd.s32 $0x9000, s20;
	[dreg:$0x19] =	wrdreg s3  }
0x18: {  	p0 =	sne.s32 s12, $0x0;
	s12 =	sadd.s32 $0xA000, s20;
	[dreg:$0x1e] =	wrdreg s11  }
0x19: {  	s17 =	sadd.s32 $0xF000, s20;
	[dreg:$0x1f] =	wrdreg s12  }
0x1a: {  	s23 =	sadd.s32 $0x12000, s20;
	[smem:$0x7F7] =	sst s17  }
0x1b: {  	s13 =	sadd.s32 s6, s10;
	[smem:$0x7FA] =	sst s23  }
0x1c: {  	s9 =	sadd.s32 s7, s10;
	[dreg:$0xa] =	wrdreg s13  }
0x1d: {  	s15 =	sadd.s32 s6, s14;
	[dreg:$0xb] =	wrdreg s9  }
0x1e: {  	s16 =	sadd.s32 s7, s14;
	[dreg:$0xc] =	wrdreg s15  }
0x1f: {  	s22 =	sadd.s32 s6, s21;
	[dreg:$0xd] =	wrdreg s16  }
0x20: {  	s8 =	sadd.s32 s7, s21;
	[dreg:$0x11] =	wrdreg s22  }
0x21: {  	s25 =	sadd.s32 $0x2000, s20;
	[dreg:$0x12] =	wrdreg s8  }
0x22: {  	s26 =	sadd.s32 $0x3000, s20;
	[dreg:$0x17] =	wrdreg s25  }
0x23: {  	s5 =	sadd.s32 $0x5000, s20;
	[dreg:$0x18] =	wrdreg s26  }
0x24: {  	s29 =	simm.s32 $0xD;
	s10 =	sadd.s32 $0x8000, s20;
	[dreg:$0x1a] =	wrdreg s5  }
0x25: {  	s30 =	simm.s32 $0x14280;
	s14 =	sadd.s32 $0xC000, s20;
	[dreg:$0x1d] =	wrdreg s10  }
0x26: {  	s31 =	simm.s32 $0x16A00;
	s21 =	sadd.s32 $0x10000, s20;
	[smem:$0x7F4] =	sst s14  }
0x27: {  	s28 =	simm.s32 $0x1D180;
	s24 =	sadd.s32 $0x13000, s20;
	[smem:$0x7F8] =	sst s21  }
0x28: {  	s12 =	simm.s32 $0x20;
	s8 =	sadd.s32 $0x6000, s20;
	[smem:$0x7FB] =	sst s24  }
0x29: {  	s0 =	simm.s32 $0x1C180;
	s9 =	sadd.s32 $0x7000, s20;
	[dreg:$0x1b] =	wrdreg s8  }
0x2a: {  	s3 =	simm.s32 $0x3;
	s13 =	sadd.s32 $0xB000, s20;
	[dreg:$0x1c] =	wrdreg s9  }
0x2b: {  	s11 =	simm.s32 $0x4;
	s15 =	sadd.s32 $0xD000, s20;
	[smem:$0x7F3] =	sst s13  }
0x2c: {  	s23 =	simm.s32 $0x6;
	s16 =	sadd.s32 $0xE000, s20;
	[smem:$0x7F5] =	sst s15  }
0x2d: {  	s22 =	sadd.s32 $0x11000, s20;
	s25 =	sadd.s32 $0x1000, s18;
	[smem:$0x7F6] =	sst s16  }
0x2e: {  	s26 =	sadd.s32 $0x2000, s18;
	s14 =	simm.s32 $0x1;
	[smem:$0x7F9] =	sst s22  }
0x2f: {  	s24 =	simm.s32 $0x1B180;
	s5 =	simm.s32 $0xC;
	[smem:$0x7FC] =	sst s25  }
0x30: {  	v0 =	vlaneseq.u32;
	s21 =	simm.s32 $0x0;
	[smem:$0x7FD] =	sst s26;
	s9 =	simm.s32 $0x1D280  }
0x31: {  	v1 =	vimm.f32 $0.0e+00;
	v2 =	vimm.s32 $0x0;
	v3 =	vor.u32 $0x10, v0;
	s13 =	simm.s32 $0x1A180;
	s15 =	simm.s32 $0x1D800;
	s16 =	simm.s32 $0x1D780  }
0x32: {  	v4 =	vor.u32 $0x20, v0;
	v5 =	vor.u32 $0x30, v0;
	v6 =	vor.u32 $0x40, v0;
	s22 =	simm.s32 $0x1D300;
	s25 =	simm.s32 $0x2;
	s8 =	simm.s32 $0xA  }
.LBB2_1:
0x33: {  	s10 =	simm.s32 $0x0;
	s17 =	simm.s32 $0x200  }
.LBB2_2:
0x34: {  	p1 =	sne.s32 s17, $0x3E00;
	[tilespmem:s10+$0x191F0] =	vst v1  }
0x35: {  	[tilespmem:s10+$0x19180] =	vst v1  }
0x36: {  	[tilespmem:s10+$0x19190] =	vst v1  }
.Ltmp0:
0x37: {  	[tilespmem:s10+$0x191A0] =	vst v1;
	(pc) =	sbr.rel @p1 .LBB2_2-.Ltmp0, $4  }
0x38: {  	[tilespmem:s10+$0x191B0] =	vst v1  }
0x39: {  	[tilespmem:s10+$0x191C0] =	vst v1  }
0x3a: {  	[tilespmem:s10+$0x191D0] =	vst v1  }
0x3b: {  	[tilespmem:s10+$0x191E0] =	vst v1;
	s10 =	sshra.s32 s17, $0x2;
	s17 =	sadd.s32 $0x200, s17  }
0x3c: {  	[tilespmem:s10+$0x191F0] =	vst v1  }
0x3d: {  	[tilespmem:s10+$0x19180] =	vst v1  }
0x3e: {  	[tilespmem:s10+$0x19190] =	vst v1  }
0x3f: {  	[tilespmem:s10+$0x191A0] =	vst v1  }
0x40: {  	[tilespmem:s10+$0x191B0] =	vst v1  }
0x41: {  	[tilespmem:s10+$0x191C0] =	vst v1  }
0x42: {  	[tilespmem:s10+$0x191D0] =	vst v1  }
0x43: {  	[smem:$0x7F2] =	sst s21;
	[tilespmem:s10+$0x191E0] =	vst v1;
	s10 =	simm.s32 $0x0;
	s17 =	simm.s32 $0x200  }
.LBB2_4:
0x44: {  	p1 =	sne.s32 s17, $0x9E00;
	[tilespmem:s10+$0x1D870] =	vst v1  }
0x45: {  	[tilespmem:s10+$0x1D800] =	vst v1  }
0x46: {  	[tilespmem:s10+$0x1D810] =	vst v1  }
.Ltmp1:
0x47: {  	[tilespmem:s10+$0x1D820] =	vst v1;
	(pc) =	sbr.rel @p1 .LBB2_4-.Ltmp1, $4  }
0x48: {  	[tilespmem:s10+$0x1D830] =	vst v1  }
0x49: {  	[tilespmem:s10+$0x1D840] =	vst v1  }
0x4a: {  	[tilespmem:s10+$0x1D850] =	vst v1  }
0x4b: {  	[tilespmem:s10+$0x1D860] =	vst v1;
	s10 =	sshra.s32 s17, $0x2;
	s17 =	sadd.s32 $0x200, s17  }
0x4c: {  	[tilespmem:s10+$0x1D870] =	vst v1  }
0x4d: {  	[tilespmem:s10+$0x1D800] =	vst v1  }
0x4e: {  	[tilespmem:s10+$0x1D810] =	vst v1  }
0x4f: {  	[tilespmem:s10+$0x1D820] =	vst v1  }
0x50: {  	[tilespmem:s10+$0x1D830] =	vst v1  }
0x51: {  	[tilespmem:s10+$0x1D840] =	vst v1  }
0x52: {  	[tilespmem:s10+$0x1D850] =	vst v1  }
0x53: {  	[tilespmem:s10+$0x1D860] =	vst v1;
	s26 =	simm.s32 $0x19180  }
0x54: {  	[spmem:s20] =	stream.linear.scatter [tilespmem:s26], [sflag:$0xD], $0x1000, $0x38;
	v63 =	vld [tilespmem:$0x0]  }
0x55: {  	_ =	swait.ge [sflag:s29], $0x1000  }
0x56: {  	[sflag:s29] =	ssyncset.done $0x0  }
0x57: {  	s21 =	rddreg [dreg:$0x16];
	[sflag:s29] =	ssyncadd.s32 $0xFFFFF000  }
0x58: {  	[spmem:s21] =	stream.linear.scatter [tilespmem:s26], [sflag:$0xD], $0x1000, $0x38;
	v63 =	vld [tilespmem:$0x0]  }
0x59: {  	_ =	swait.ge [sflag:s29], $0x1000  }
0x5a: {  	[sflag:s29] =	ssyncset.done $0x0  }
0x5b: {  	s17 =	rddreg [dreg:$0x17];
	[sflag:s29] =	ssyncadd.s32 $0xFFFFF000  }
0x5c: {  	[spmem:s17] =	stream.linear.scatter [tilespmem:s26], [sflag:$0xD], $0x1000, $0x38;
	v63 =	vld [tilespmem:$0x0]  }
0x5d: {  	_ =	swait.ge [sflag:s29], $0x1000  }
0x5e: {  	[sflag:s29] =	ssyncset.done $0x0  }
0x5f: {  	s20 =	rddreg [dreg:$0x18];
	[sflag:s29] =	ssyncadd.s32 $0xFFFFF000  }
0x60: {  	[spmem:s20] =	stream.linear.scatter [tilespmem:s26], [sflag:$0xD], $0x1000, $0x38;
	v63 =	vld [tilespmem:$0x0]  }
0x61: {  	_ =	swait.ge [sflag:s29], $0x1000  }
0x62: {  	[sflag:s29] =	ssyncset.done $0x0  }
0x63: {  	s21 =	rddreg [dreg:$0x19];
	[sflag:s29] =	ssyncadd.s32 $0xFFFFF000  }
0x64: {  	[spmem:s21] =	stream.linear.scatter [tilespmem:s26], [sflag:$0xD], $0x1000, $0x38;
	v63 =	vld [tilespmem:$0x0]  }
0x65: {  	_ =	swait.ge [sflag:s29], $0x1000  }
0x66: {  	[sflag:s29] =	ssyncset.done $0x0  }
0x67: {  	s17 =	rddreg [dreg:$0x1a];
	[sflag:s29] =	ssyncadd.s32 $0xFFFFF000  }
0x68: {  	[spmem:s17] =	stream.linear.scatter [tilespmem:s26], [sflag:$0xD], $0x1000, $0x38;
	v63 =	vld [tilespmem:$0x0]  }
0x69: {  	_ =	swait.ge [sflag:s29], $0x1000  }
0x6a: {  	[sflag:s29] =	ssyncset.done $0x0  }
0x6b: {  	s20 =	rddreg [dreg:$0x1b];
	[sflag:s29] =	ssyncadd.s32 $0xFFFFF000  }
0x6c: {  	[spmem:s20] =	stream.linear.scatter [tilespmem:s26], [sflag:$0xD], $0x1000, $0x38;
	v63 =	vld [tilespmem:$0x0]  }
0x6d: {  	_ =	swait.ge [sflag:s29], $0x1000  }
0x6e: {  	[sflag:s29] =	ssyncset.done $0x0  }
0x6f: {  	s21 =	rddreg [dreg:$0x1c];
	[sflag:s29] =	ssyncadd.s32 $0xFFFFF000  }
0x70: {  	[spmem:s21] =	stream.linear.scatter [tilespmem:s26], [sflag:$0xD], $0x1000, $0x38;
	v63 =	vld [tilespmem:$0x0]  }
0x71: {  	_ =	swait.ge [sflag:s29], $0x1000  }
0x72: {  	[sflag:s29] =	ssyncset.done $0x0  }
0x73: {  	s17 =	rddreg [dreg:$0x1d];
	[sflag:s29] =	ssyncadd.s32 $0xFFFFF000  }
0x74: {  	[spmem:s17] =	stream.linear.scatter [tilespmem:s26], [sflag:$0xD], $0x1000, $0x38;
	v63 =	vld [tilespmem:$0x0]  }
0x75: {  	_ =	swait.ge [sflag:s29], $0x1000  }
0x76: {  	[sflag:s29] =	ssyncset.done $0x0  }
0x77: {  	s20 =	rddreg [dreg:$0x1e];
	[sflag:s29] =	ssyncadd.s32 $0xFFFFF000  }
0x78: {  	[spmem:s20] =	stream.linear.scatter [tilespmem:s26], [sflag:$0xD], $0x1000, $0x38;
	v63 =	vld [tilespmem:$0x0]  }
0x79: {  	_ =	swait.ge [sflag:s29], $0x1000  }
0x7a: {  	[sflag:s29] =	ssyncset.done $0x0  }
0x7b: {  	s21 =	rddreg [dreg:$0x1f];
	[sflag:s29] =	ssyncadd.s32 $0xFFFFF000  }
0x7c: {  	[spmem:s21] =	stream.linear.scatter [tilespmem:s26], [sflag:$0xD], $0x1000, $0x38;
	v63 =	vld [tilespmem:$0x0]  }
0x7d: {  	_ =	swait.ge [sflag:s29], $0x1000  }
0x7e: {  	s17 =	sld [smem:$0x7F3]  }
0x7f: {  	[sflag:s29] =	ssyncset.done $0x0  }
0x80: {  	[sflag:s29] =	ssyncadd.s32 $0xFFFFF000  }
0x81: {  	[spmem:s17] =	stream.linear.scatter [tilespmem:s26], [sflag:$0xD], $0x1000, $0x38;
	v63 =	vld [tilespmem:$0x0]  }
0x82: {  	_ =	swait.ge [sflag:s29], $0x1000  }
0x83: {  	s20 =	sld [smem:$0x7F4]  }
0x84: {  	[sflag:s29] =	ssyncset.done $0x0  }
0x85: {  	[sflag:s29] =	ssyncadd.s32 $0xFFFFF000  }
0x86: {  	[spmem:s20] =	stream.linear.scatter [tilespmem:s26], [sflag:$0xD], $0x1000, $0x38;
	v63 =	vld [tilespmem:$0x0]  }
0x87: {  	_ =	swait.ge [sflag:s29], $0x1000  }
0x88: {  	s21 =	sld [smem:$0x7F5]  }
0x89: {  	[sflag:s29] =	ssyncset.done $0x0  }
0x8a: {  	[sflag:s29] =	ssyncadd.s32 $0xFFFFF000  }
0x8b: {  	[spmem:s21] =	stream.linear.scatter [tilespmem:s26], [sflag:$0xD], $0x1000, $0x38;
	v63 =	vld [tilespmem:$0x0]  }
0x8c: {  	_ =	swait.ge [sflag:s29], $0x1000  }
0x8d: {  	s17 =	sld [smem:$0x7F6]  }
0x8e: {  	[sflag:s29] =	ssyncset.done $0x0  }
0x8f: {  	[sflag:s29] =	ssyncadd.s32 $0xFFFFF000  }
0x90: {  	[spmem:s17] =	stream.linear.scatter [tilespmem:s26], [sflag:$0xD], $0x1000, $0x38;
	v63 =	vld [tilespmem:$0x0]  }
0x91: {  	_ =	swait.ge [sflag:s29], $0x1000  }
0x92: {  	s20 =	sld [smem:$0x7F7]  }
0x93: {  	[sflag:s29] =	ssyncset.done $0x0  }
0x94: {  	[sflag:s29] =	ssyncadd.s32 $0xFFFFF000  }
0x95: {  	[spmem:s20] =	stream.linear.scatter [tilespmem:s26], [sflag:$0xD], $0x1000, $0x38;
	v63 =	vld [tilespmem:$0x0]  }
0x96: {  	_ =	swait.ge [sflag:s29], $0x1000  }
0x97: {  	s21 =	sld [smem:$0x7F8]  }
0x98: {  	[sflag:s29] =	ssyncset.done $0x0  }
0x99: {  	[sflag:s29] =	ssyncadd.s32 $0xFFFFF000  }
0x9a: {  	[spmem:s21] =	stream.linear.scatter [tilespmem:s26], [sflag:$0xD], $0x1000, $0x38;
	v63 =	vld [tilespmem:$0x0]  }
0x9b: {  	_ =	swait.ge [sflag:s29], $0x1000  }
0x9c: {  	s17 =	sld [smem:$0x7F9]  }
0x9d: {  	[sflag:s29] =	ssyncset.done $0x0  }
0x9e: {  	[sflag:s29] =	ssyncadd.s32 $0xFFFFF000  }
0x9f: {  	[spmem:s17] =	stream.linear.scatter [tilespmem:s26], [sflag:$0xD], $0x1000, $0x38;
	v63 =	vld [tilespmem:$0x0]  }
0xa0: {  	_ =	swait.ge [sflag:s29], $0x1000  }
0xa1: {  	s20 =	sld [smem:$0x7FA]  }
0xa2: {  	[sflag:s29] =	ssyncset.done $0x0  }
0xa3: {  	[sflag:s29] =	ssyncadd.s32 $0xFFFFF000  }
0xa4: {  	[spmem:s20] =	stream.linear.scatter [tilespmem:s26], [sflag:$0xD], $0x1000, $0x38;
	v63 =	vld [tilespmem:$0x0]  }
0xa5: {  	_ =	swait.ge [sflag:s29], $0x1000  }
0xa6: {  	s21 =	sld [smem:$0x7FB]  }
0xa7: {  	[sflag:s29] =	ssyncset.done $0x0  }
0xa8: {  	[sflag:s29] =	ssyncadd.s32 $0xFFFFF000  }
0xa9: {  	[spmem:s21] =	stream.linear.scatter [tilespmem:s26], [sflag:$0xD], $0x1000, $0x38;
	v63 =	vld [tilespmem:$0x0]  }
0xaa: {  	_ =	swait.ge [sflag:s29], $0x1000  }
0xab: {  	[sflag:s29] =	ssyncset.done $0x0  }
0xac: {  	s10 =	simm.s32 @!p0 $0x19180;
	s17 =	simm.s32 @!p0 $0xD;
	[sflag:s29] =	ssyncadd.s32 $0xFFFFF000  }
0xad: {  	[spmem:s18] =	stream.linear.scatter @!p0 [tilespmem:s10], [sflag:$0xD], $0x1000, $0x38;
	v63 =	vld [tilespmem:$0x0]  }
0xae: {  	_ =	swait.ge @!p0 [sflag:s17], $0x1000  }
0xaf: {  	s18 =	sld [smem:$0x7FC]  }
0xb0: {  	[sflag:s17] =	ssyncset.done @!p0 $0x0  }
0xb1: {  	[sflag:s17] =	ssyncadd.s32 @!p0 $0xFFFFF000  }
0xb2: {  	[spmem:s18] =	stream.linear.scatter @!p0 [tilespmem:s10], [sflag:$0xD], $0x1000, $0x38;
	v63 =	vld [tilespmem:$0x0]  }
0xb3: {  	_ =	swait.ge @!p0 [sflag:s17], $0x1000  }
0xb4: {  	s18 =	sld [smem:$0x7FD]  }
0xb5: {  	[sflag:s17] =	ssyncset.done @!p0 $0x0  }
0xb6: {  	[sflag:s17] =	ssyncadd.s32 @!p0 $0xFFFFF000  }
0xb7: {  	[spmem:s18] =	stream.linear.scatter @!p0 [tilespmem:s10], [sflag:$0xD], $0x800, $0x38;
	v63 =	vld [tilespmem:$0x0]  }
0xb8: {  	_ =	swait.ge @!p0 [sflag:s17], $0x800  }
0xb9: {  	[sflag:s17] =	ssyncset.done @!p0 $0x0  }
0xba: {  	s21 =	simm.s32 $0x0;
	[sflag:s17] =	ssyncadd.s32 @!p0 $0xFFFFF800;
	s17 =	rddreg [dreg:$0x5]  }
0xbb: {  	[tilespmem:s30], [sflag:$0xD] =	stream.linear.gather [hbm4b:s17+s21], $0x2710, $0x38;
	v63 =	vld [tilespmem:$0x0]  }
0xbc: {  	_ =	swait.ge [sflag:s29], $0x2710  }
0xbd: {  	[sflag:s29] =	ssyncset.done $0x0  }
0xbe: {  	s18 =	rddreg [dreg:$0x6];
	[sflag:s29] =	ssyncadd.s32 $0xFFFFD8F0  }
0xbf: {  	[tilespmem:s31], [sflag:$0xD] =	stream.linear.gather [hbm4b:s18+s21], $0x2710, $0x38;
	v63 =	vld [tilespmem:$0x0]  }
0xc0: {  	_ =	swait.ge [sflag:s29], $0x2710  }
0xc1: {  	[sflag:s29] =	ssyncset.done $0x0  }
0xc2: {  	[sflag:s29] =	ssyncadd.s32 $0xFFFFD8F0  }
0xc3: {  	[bflag:$0x0] =	sbarrier.arrive $0xFFFF  }
0xc4: {  	s20 =	rddreg [dreg:$0x8]  }
0xc5: {  	[tilespmem:s28], [sflag:$0xD] =	stream.linear.gather [hbm4b:s20+s21], $0x20, $0x38;
	v63 =	vld [tilespmem:$0x0]  }
0xc6: {  	_ =	swait.ge [sflag:s29], $0x20  }
0xc7: {  	[sflag:s29] =	ssyncset.done $0x0  }
0xc8: {  	s18 =	simm.s32 $0x1D380;
	s17 =	rddreg [dreg:$0x9];
	[sflag:s29] =	ssyncadd.s32 $0xFFFFFFE0  }
0xc9: {  	[tilespmem:s18], [sflag:$0xD] =	stream.linear.gather [hbm4b:s17+s21], $0x20, $0x38;
	v63 =	vld [tilespmem:$0x0]  }
0xca: {  	_ =	swait.ge [sflag:s29], $0x20  }
0xcb: {  	[sflag:s29] =	ssyncset.done $0x0  }
0xcc: {  	s17 =	simm.s32 $0x1D200;
	s20 =	rddreg [dreg:$0xa];
	[sflag:s29] =	ssyncadd.s32 $0xFFFFFFE0  }
0xcd: {  	[tilespmem:s17], [sflag:$0xD] =	stream.linear.gather [hbm4b:s20+s21], $0x20, $0x38;
	v63 =	vld [tilespmem:$0x0]  }
0xce: {  	_ =	swait.ge [sflag:s29], $0x20  }
0xcf: {  	[sflag:s29] =	ssyncset.done $0x0  }
0xd0: {  	s20 =	simm.s32 $0x1D400;
	s18 =	rddreg [dreg:$0xb];
	[sflag:s29] =	ssyncadd.s32 $0xFFFFFFE0  }
0xd1: {  	[tilespmem:s20], [sflag:$0xD] =	stream.linear.gather [hbm4b:s18+s21], $0x20, $0x38;
	v63 =	vld [tilespmem:$0x0]  }
0xd2: {  	_ =	swait.ge [sflag:s29], $0x20  }
0xd3: {  	[sflag:s29] =	ssyncset.done $0x0  }
0xd4: {  	s20 =	rddreg [dreg:$0xc];
	[sflag:s29] =	ssyncadd.s32 $0xFFFFFFE0  }
0xd5: {  	[tilespmem:s9], [sflag:$0xD] =	stream.linear.gather [hbm4b:s20+s21], $0x20, $0x38;
	v63 =	vld [tilespmem:$0x0]  }
0xd6: {  	_ =	swait.ge [sflag:s29], $0x20  }
0xd7: {  	[sflag:s29] =	ssyncset.done $0x0  }
0xd8: {  	s20 =	simm.s32 $0x1D480;
	s18 =	rddreg [dreg:$0xd];
	[sflag:s29] =	ssyncadd.s32 $0xFFFFFFE0  }
0xd9: {  	[tilespmem:s20], [sflag:$0xD] =	stream.linear.gather [hbm4b:s18+s21], $0x20, $0x38;
	v63 =	vld [tilespmem:$0x0]  }
0xda: {  	_ =	swait.ge [sflag:s29], $0x20  }
0xdb: {  	[sflag:s29] =	ssyncset.done $0x0  }
0xdc: {  	[sflag:s29] =	ssyncadd.s32 $0xFFFFFFE0  }
0xdd: {  	[tilespmem:s26], [sflag:$0x1] =	stream.indirect.gather [hbm4b:s1+s12], $0x80, s28, s12, $0xb8;
	v63 =	vld [tilespmem:$0x0]  }
0xde: {  	s26 =	simm.s32 $0x0  }
0xdf: {  	[tilespmem:s13], [sflag:$0x2] =	stream.indirect.gather [hbm4b:s1+s12], $0x80, s17, s12, $0xb8;
	v63 =	vld [tilespmem:$0x0]  }
.LBB2_6:
0xe0: {  	_ =	swait.ge [sflag:s14], $0x1000  }
0xe1: {  	[sflag:s14] =	ssyncset.done $0x0  }
0xe2: {  	[sflag:s14] =	ssyncadd.s32 $0xFFFFF000  }
0xe3: {  	v7 =	vld [tilespmem:$0x1D180]  }
0xe4: {  	v8 =	vld [tilespmem:$0x1D380];
	_ =	sdelay $0x6  }
0xe5: {  	v7 =	vld.idx.msk [tilespmem:v7+s30+$0x0], $0xffff  }
0xe6: {  	v9 =	vld.idx.msk [tilespmem:v8+s31+$0x0], $0xffff;
	_ =	sdelay $0x4  }
0xe7: {  	v7 =	vadd.f32 v9, v7;
	_ =	sdelay $0x1  }
0xe8: {  	v9 =	vmul.f32 $2.000000030e-01, v7  }
0xe9: {  	vm0 =	vge.f32 v7, $0.0e+00  }
0xea: {  	v7 =	vsel vm0, v7, v9  }
0xeb: {  	v7 =	vmul.f32 $1.442695020e+00, v7;
	_ =	sdelay $0x1  }
0xec: {  	(erf) = vpow2.f32 v7;
	_ =	sdelay $0x8  }
0xed: {  	v7 =	vpop (erf)  }
0xee: {  	[tilespmem:$0x1D780] =	vst v7  }
0xef: {  	[tilespmem:v8+s15+$0x0] =	vst.idx.add.f32.msk $0xffff, v7  }
0xf0: {  	v7 =	vld [tilespmem:$0x1D190]  }
0xf1: {  	v9 =	vld [tilespmem:$0x1D390];
	_ =	sdelay $0x5  }
0xf2: {  	[tilespmem:$0x1D580] =	vst v8  }
0xf3: {  	v7 =	vld.idx.msk [tilespmem:v7+s30+$0x0], $0xffff  }
0xf4: {  	v8 =	vld.idx.msk [tilespmem:v9+s31+$0x0], $0xffff;
	_ =	sdelay $0x4  }
0xf5: {  	v7 =	vadd.f32 v8, v7;
	_ =	sdelay $0x1  }
0xf6: {  	v8 =	vmul.f32 $2.000000030e-01, v7  }
0xf7: {  	vm15 =	vge.f32 v7, $0.0e+00  }
0xf8: {  	v7 =	vsel vm15, v7, v8  }
0xf9: {  	v7 =	vmul.f32 $1.442695020e+00, v7;
	_ =	sdelay $0x1  }
0xfa: {  	(erf) = vpow2.f32 v7;
	_ =	sdelay $0x8  }
0xfb: {  	v7 =	vpop (erf)  }
0xfc: {  	[tilespmem:$0x1D790] =	vst v7  }
0xfd: {  	[tilespmem:v9+s15+$0x0] =	vst.idx.add.f32.msk $0xffff, v7;
	v7 =	vmov s21  }
0xfe: {  	s10 =	simm.s32 $0x191C0;
	[tilespmem:$0x1D590] =	vst v9  }
0xff: {  	v11 =	vld [tilespmem:s10+$0x30]  }
0x100: {  	v14 =	vld [tilespmem:s10+$0x10]  }
0x101: {  	v12 =	vld [tilespmem:s10+$0xFFFFFFC0]  }
0x102: {  	v8 =	vld.idx.msk [tilespmem:v7+s16+$0x0], $0xffff  }
0x103: {  	v16 =	vld [tilespmem:s10+$0xFFFFFFE0]  }
0x104: {  	v9 =	vld [tilespmem:s10+$0x20]  }
0x105: {  	v10 =	vld [tilespmem:s10+$0xFFFFFFD0]  }
0x106: {  	v7 =	vld [tilespmem:s10+$0xFFFFFFF0]  }
0x107: {  	v15 =	vmul.f32 v11, v8;
	v11 =	vld [tilespmem:s10+$0x0]  }
0x108: {  	v13 =	vmul.f32 v12, v8  }
0x109: {  	s28 =	simm.s32 $0x1;
	s20 =	simm.s32 $0x191C0;
	v12 =	vmul.f32 v16, v8;
	v14 =	vmul.f32 v14, v8  }
.LBB2_7:
0x10a: {  	p1 =	sne.s32 s28, $0x1F  }
0x10b: {  	v10 =	vmul.f32 v10, v8;
	v9 =	vmul.f32 v9, v8;
	[tilespmem:s10+$0x30] =	vst v15;
	s20 =	sadd.s32 $0x80, s20;
	s17 =	smov.u32 s28;
	s28 =	sadd.s32 $0x1, s28  }
0x10c: {  	[tilespmem:s10+$0xFFFFFFC0] =	vst v13;
	v13 =	vmul.f32 v7, v8;
	v8 =	vmul.f32 v11, v8  }
0x10d: {  	[tilespmem:s10+$0x10] =	vst v14  }
0x10e: {  	v11 =	vmov s17;
	[tilespmem:s10+$0xFFFFFFE0] =	vst v12  }
0x10f: {  	v7 =	vld [tilespmem:s20+$0xFFFFFFF0];
	[tilespmem:s10+$0xFFFFFFF0] =	vst v13  }
0x110: {  	v12 =	vld [tilespmem:s20+$0x30];
	[tilespmem:s10+$0x0] =	vst v8  }
0x111: {  	v14 =	vld [tilespmem:s20+$0x10];
	[tilespmem:s10+$0x20] =	vst v9  }
0x112: {  	v13 =	vld [tilespmem:s20+$0xFFFFFFC0];
	[tilespmem:s10+$0xFFFFFFD0] =	vst v10;
	s10 =	smov.u32 s20  }
0x113: {  	v8 =	vld.idx.msk [tilespmem:v11+s16+$0x0], $0xffff  }
0x114: {  	v16 =	vld [tilespmem:s20+$0xFFFFFFE0]  }
0x115: {  	v9 =	vld [tilespmem:s20+$0x20]  }
.Ltmp2:
0x116: {  	v10 =	vld [tilespmem:s20+$0xFFFFFFD0];
	(pc) =	sbr.rel @p1 .LBB2_7-.Ltmp2, $3  }
0x117: {  	v11 =	vld [tilespmem:s20+$0x0];
	_ =	sdelay $0x1  }
0x118: {  	v13 =	vmul.f32 v13, v8;
	v15 =	vmul.f32 v12, v8  }
0x119: {  	v14 =	vmul.f32 v14, v8;
	v12 =	vmul.f32 v16, v8  }
0x11a: {  	[tilespmem:s10+$0x30] =	vst v15  }
0x11b: {  	[tilespmem:s10+$0xFFFFFFC0] =	vst v13  }
0x11c: {  	v7 =	vmul.f32 v7, v8;
	[tilespmem:s10+$0x10] =	vst v14  }
0x11d: {  	v9 =	vmul.f32 v9, v8;
	[tilespmem:s10+$0xFFFFFFE0] =	vst v12  }
0x11e: {  	v11 =	vmul.f32 v11, v8;
	[tilespmem:s10+$0xFFFFFFF0] =	vst v7  }
0x11f: {  	v7 =	vmul.f32 v10, v8;
	[tilespmem:s10+$0x20] =	vst v9  }
0x120: {  	s20 =	simm.s32 $0x19180;
	[tilespmem:s10+$0x0] =	vst v11  }
0x121: {  	s17 =	simm.s32 $0x1D580;
	s18 =	rddreg [dreg:$0xe];
	[tilespmem:s10+$0xFFFFFFD0] =	vst v7;
	s10 =	sshll.u32 s26, $0x7  }
0x122: {  	[spmem:s2] =	stream.indirect.scatter.add.f32 [tilespmem:s20], [sflag:$0x5], $0x80, s17, s12, $0xb8;
	v63 =	vld [tilespmem:$0x0]  }
0x123: {  	s17 =	sadd.s32 s10, s18  }
0x124: {  	s17 =	sshrl.u32 s17, $0x3  }
0x125: {  	s20 =	sadd.s32 s6, s17  }
0x126: {  	[tilespmem:s22], [sflag:$0xC] =	stream.linear.gather [hbm4b:s20+s4], $0x20, $0x38;
	v63 =	vld [tilespmem:$0x0]  }
0x127: {  	p2 =	seq.s32 s26, $0x0;
	s18 =	simm.s32 $0x1D500;
	s17 =	sadd.s32 s7, s17  }
0x128: {  	[tilespmem:s18], [sflag:$0xC] =	stream.linear.gather [hbm4b:s17+s4], $0x20, $0x38;
	v63 =	vld [tilespmem:$0x0]  }
0x129: {  	s17 =	simm.s32 @!p2 $0xB  }
0x12a: {  	_ =	swait.ge @!p2 [sflag:s17], $0x20  }
0x12b: {  	[sflag:s17] =	ssyncset.done @!p2 $0x0  }
0x12c: {  	[sflag:s17] =	ssyncadd.s32 @!p2 $0xFFFFFFE0  }
0x12d: {  	_ =	swait.ge @!p2 [sflag:s17], $0x20  }
0x12e: {  	[sflag:s17] =	ssyncset.done @!p2 $0x0  }
0x12f: {  	[sflag:s17] =	ssyncadd.s32 @!p2 $0xFFFFFFE0;
	s17 =	simm.s32 @!p2 $0x7  }
0x130: {  	_ =	swait.ge @!p2 [sflag:s17], $0x1000  }
0x131: {  	[sflag:s17] =	ssyncset.done @!p2 $0x0  }
0x132: {  	[sflag:s17] =	ssyncadd.s32 @!p2 $0xFFFFF000  }
0x133: {  	[tilespmem:s24], [sflag:$0x3] =	stream.indirect.gather [hbm4b:s1+s12], $0x80, s9, s12, $0xb8;
	v63 =	vld [tilespmem:$0x0]  }
0x134: {  	_ =	swait.ge [sflag:s25], $0x1000  }
0x135: {  	[sflag:s25] =	ssyncset.done $0x0  }
0x136: {  	[sflag:s25] =	ssyncadd.s32 $0xFFFFF000  }
0x137: {  	v7 =	vld [tilespmem:$0x1D200]  }
0x138: {  	v8 =	vld [tilespmem:$0x1D400];
	_ =	sdelay $0x6  }
0x139: {  	v7 =	vld.idx.msk [tilespmem:v7+s30+$0x0], $0xffff  }
0x13a: {  	v9 =	vld.idx.msk [tilespmem:v8+s31+$0x0], $0xffff;
	_ =	sdelay $0x4  }
0x13b: {  	v7 =	vadd.f32 v9, v7;
	_ =	sdelay $0x1  }
0x13c: {  	v9 =	vmul.f32 $2.000000030e-01, v7  }
0x13d: {  	vm0 =	vge.f32 v7, $0.0e+00  }
0x13e: {  	v7 =	vsel vm0, v7, v9  }
0x13f: {  	v7 =	vmul.f32 $1.442695020e+00, v7;
	_ =	sdelay $0x1  }
0x140: {  	(erf) = vpow2.f32 v7;
	_ =	sdelay $0x8  }
0x141: {  	v7 =	vpop (erf)  }
0x142: {  	[tilespmem:$0x1D780] =	vst v7  }
0x143: {  	[tilespmem:v8+s15+$0x0] =	vst.idx.add.f32.msk $0xffff, v7  }
0x144: {  	v7 =	vld [tilespmem:$0x1D210]  }
0x145: {  	v9 =	vld [tilespmem:$0x1D410];
	_ =	sdelay $0x5  }
0x146: {  	[tilespmem:$0x1D600] =	vst v8  }
0x147: {  	v7 =	vld.idx.msk [tilespmem:v7+s30+$0x0], $0xffff  }
0x148: {  	v8 =	vld.idx.msk [tilespmem:v9+s31+$0x0], $0xffff;
	_ =	sdelay $0x4  }
0x149: {  	v7 =	vadd.f32 v8, v7;
	_ =	sdelay $0x1  }
0x14a: {  	v8 =	vmul.f32 $2.000000030e-01, v7  }
0x14b: {  	vm15 =	vge.f32 v7, $0.0e+00  }
0x14c: {  	v7 =	vsel vm15, v7, v8  }
0x14d: {  	v7 =	vmul.f32 $1.442695020e+00, v7;
	_ =	sdelay $0x1  }
0x14e: {  	(erf) = vpow2.f32 v7;
	_ =	sdelay $0x8  }
0x14f: {  	v7 =	vpop (erf)  }
0x150: {  	s20 =	simm.s32 $0x0;
	[tilespmem:$0x1D790] =	vst v7  }
0x151: {  	[tilespmem:v9+s15+$0x0] =	vst.idx.add.f32.msk $0xffff, v7;
	v7 =	vmov s20  }
0x152: {  	s28 =	simm.s32 $0x1A1C0;
	[tilespmem:$0x1D610] =	vst v9  }
0x153: {  	v11 =	vld [tilespmem:s28+$0x30]  }
0x154: {  	v14 =	vld [tilespmem:s28+$0x10]  }
0x155: {  	v12 =	vld [tilespmem:s28+$0xFFFFFFC0]  }
0x156: {  	v8 =	vld.idx.msk [tilespmem:v7+s16+$0x0], $0xffff  }
0x157: {  	v16 =	vld [tilespmem:s28+$0xFFFFFFE0]  }
0x158: {  	v9 =	vld [tilespmem:s28+$0x20]  }
0x159: {  	v10 =	vld [tilespmem:s28+$0xFFFFFFD0]  }
0x15a: {  	v7 =	vld [tilespmem:s28+$0xFFFFFFF0]  }
0x15b: {  	v15 =	vmul.f32 v11, v8;
	v11 =	vld [tilespmem:s28+$0x0]  }
0x15c: {  	v13 =	vmul.f32 v12, v8  }
0x15d: {  	s17 =	simm.s32 $0x1A1C0;
	s20 =	simm.s32 $0x1;
	v12 =	vmul.f32 v16, v8;
	v14 =	vmul.f32 v14, v8  }
.LBB2_9:
0x15e: {  	p1 =	sne.s32 s20, $0x1F  }
0x15f: {  	v10 =	vmul.f32 v10, v8;
	v9 =	vmul.f32 v9, v8;
	[tilespmem:s28+$0x30] =	vst v15;
	s17 =	sadd.s32 $0x80, s17;
	s18 =	smov.u32 s20;
	s20 =	sadd.s32 $0x1, s20  }
0x160: {  	[tilespmem:s28+$0xFFFFFFC0] =	vst v13;
	v13 =	vmul.f32 v7, v8;
	v8 =	vmul.f32 v11, v8  }
0x161: {  	[tilespmem:s28+$0x10] =	vst v14  }
0x162: {  	v11 =	vmov s18;
	[tilespmem:s28+$0xFFFFFFE0] =	vst v12  }
0x163: {  	v7 =	vld [tilespmem:s17+$0xFFFFFFF0];
	[tilespmem:s28+$0xFFFFFFF0] =	vst v13  }
0x164: {  	v12 =	vld [tilespmem:s17+$0x30];
	[tilespmem:s28+$0x0] =	vst v8  }
0x165: {  	v14 =	vld [tilespmem:s17+$0x10];
	[tilespmem:s28+$0x20] =	vst v9  }
0x166: {  	v13 =	vld [tilespmem:s17+$0xFFFFFFC0];
	[tilespmem:s28+$0xFFFFFFD0] =	vst v10;
	s28 =	smov.u32 s17  }
0x167: {  	v8 =	vld.idx.msk [tilespmem:v11+s16+$0x0], $0xffff  }
0x168: {  	v16 =	vld [tilespmem:s17+$0xFFFFFFE0]  }
0x169: {  	v9 =	vld [tilespmem:s17+$0x20]  }
.Ltmp3:
0x16a: {  	v10 =	vld [tilespmem:s17+$0xFFFFFFD0];
	(pc) =	sbr.rel @p1 .LBB2_9-.Ltmp3, $3  }
0x16b: {  	v11 =	vld [tilespmem:s17+$0x0];
	_ =	sdelay $0x1  }
0x16c: {  	v13 =	vmul.f32 v13, v8;
	v15 =	vmul.f32 v12, v8  }
0x16d: {  	v14 =	vmul.f32 v14, v8;
	v12 =	vmul.f32 v16, v8  }
0x16e: {  	[tilespmem:s28+$0x30] =	vst v15  }
0x16f: {  	[tilespmem:s28+$0xFFFFFFC0] =	vst v13  }
0x170: {  	v7 =	vmul.f32 v7, v8;
	[tilespmem:s28+$0x10] =	vst v14  }
0x171: {  	v9 =	vmul.f32 v9, v8;
	[tilespmem:s28+$0xFFFFFFE0] =	vst v12  }
0x172: {  	v11 =	vmul.f32 v11, v8;
	[tilespmem:s28+$0xFFFFFFF0] =	vst v7  }
0x173: {  	v7 =	vmul.f32 v10, v8;
	[tilespmem:s28+$0x20] =	vst v9  }
0x174: {  	[tilespmem:s28+$0x0] =	vst v11  }
0x175: {  	s17 =	simm.s32 $0x1D600;
	[tilespmem:s28+$0xFFFFFFD0] =	vst v7  }
0x176: {  	[spmem:s2] =	stream.indirect.scatter.add.f32 [tilespmem:s13], [sflag:$0x6], $0x80, s17, s12, $0xb8;
	v63 =	vld [tilespmem:$0x0]  }
0x177: {  	p1 =	seq.s32 s26, $0x4D;
	s17 =	rddreg [dreg:$0xf]  }
0x178: {  	s17 =	sadd.s32 @!p1 s10, s17  }
0x179: {  	s17 =	sshrl.u32 @!p1 s17, $0x3  }
0x17a: {  	s20 =	simm.s32 @!p1 $0x0;
	s28 =	simm.s32 @!p1 $0x1D180;
	s18 =	sadd.s32 @!p1 s6, s17  }
0x17b: {  	[tilespmem:s28], [sflag:$0x9] =	stream.linear.gather @!p1 [hbm4b:s18+s20], $0x20, $0x38;
	v63 =	vld [tilespmem:$0x0]  }
0x17c: {  	s17 =	sadd.s32 @!p1 s7, s17;
	s18 =	simm.s32 @!p1 $0x1D380  }
0x17d: {  	[tilespmem:s18], [sflag:$0x9] =	stream.linear.gather @!p1 [hbm4b:s17+s20], $0x20, $0x38;
	v63 =	vld [tilespmem:$0x0]  }
0x17e: {  	_ =	swait.ge [sflag:s5], $0x20  }
0x17f: {  	[sflag:s5] =	ssyncset.done $0x0  }
0x180: {  	[sflag:s5] =	ssyncadd.s32 $0xFFFFFFE0  }
0x181: {  	_ =	swait.ge [sflag:s5], $0x20  }
0x182: {  	[sflag:s5] =	ssyncset.done $0x0  }
0x183: {  	s17 =	simm.s32 @!p2 $0x8;
	[sflag:s5] =	ssyncadd.s32 $0xFFFFFFE0  }
0x184: {  	_ =	swait.ge @!p2 [sflag:s17], $0x1000  }
0x185: {  	[sflag:s17] =	ssyncset.done @!p2 $0x0  }
0x186: {  	[sflag:s17] =	ssyncadd.s32 @!p2 $0xFFFFF000  }
0x187: {  	[tilespmem:s0], [sflag:$0x4] =	stream.indirect.gather [hbm4b:s1+s12], $0x80, s22, s12, $0xb8;
	v63 =	vld [tilespmem:$0x0]  }
0x188: {  	_ =	swait.ge [sflag:s3], $0x1000  }
0x189: {  	[sflag:s3] =	ssyncset.done $0x0  }
0x18a: {  	[sflag:s3] =	ssyncadd.s32 $0xFFFFF000  }
0x18b: {  	v7 =	vld [tilespmem:$0x1D280]  }
0x18c: {  	v8 =	vld [tilespmem:$0x1D480];
	_ =	sdelay $0x6  }
0x18d: {  	v7 =	vld.idx.msk [tilespmem:v7+s30+$0x0], $0xffff  }
0x18e: {  	v9 =	vld.idx.msk [tilespmem:v8+s31+$0x0], $0xffff;
	_ =	sdelay $0x4  }
0x18f: {  	v7 =	vadd.f32 v9, v7;
	_ =	sdelay $0x1  }
0x190: {  	v9 =	vmul.f32 $2.000000030e-01, v7  }
0x191: {  	vm0 =	vge.f32 v7, $0.0e+00  }
0x192: {  	v7 =	vsel vm0, v7, v9  }
0x193: {  	v7 =	vmul.f32 $1.442695020e+00, v7;
	_ =	sdelay $0x1  }
0x194: {  	(erf) = vpow2.f32 v7;
	_ =	sdelay $0x8  }
0x195: {  	v7 =	vpop (erf)  }
0x196: {  	[tilespmem:$0x1D780] =	vst v7  }
0x197: {  	[tilespmem:v8+s15+$0x0] =	vst.idx.add.f32.msk $0xffff, v7  }
0x198: {  	v7 =	vld [tilespmem:$0x1D290]  }
0x199: {  	v9 =	vld [tilespmem:$0x1D490];
	_ =	sdelay $0x5  }
0x19a: {  	[tilespmem:$0x1D680] =	vst v8  }
0x19b: {  	v7 =	vld.idx.msk [tilespmem:v7+s30+$0x0], $0xffff  }
0x19c: {  	v8 =	vld.idx.msk [tilespmem:v9+s31+$0x0], $0xffff;
	_ =	sdelay $0x4  }
0x19d: {  	v7 =	vadd.f32 v8, v7;
	_ =	sdelay $0x1  }
0x19e: {  	v8 =	vmul.f32 $2.000000030e-01, v7  }
0x19f: {  	vm15 =	vge.f32 v7, $0.0e+00  }
0x1a0: {  	v7 =	vsel vm15, v7, v8  }
0x1a1: {  	v7 =	vmul.f32 $1.442695020e+00, v7;
	_ =	sdelay $0x1  }
0x1a2: {  	(erf) = vpow2.f32 v7;
	_ =	sdelay $0x8  }
0x1a3: {  	v7 =	vpop (erf)  }
0x1a4: {  	s20 =	simm.s32 $0x0;
	[tilespmem:$0x1D790] =	vst v7  }
0x1a5: {  	[tilespmem:v9+s15+$0x0] =	vst.idx.add.f32.msk $0xffff, v7;
	v7 =	vmov s20  }
0x1a6: {  	s28 =	simm.s32 $0x1B1C0;
	[tilespmem:$0x1D690] =	vst v9  }
0x1a7: {  	v11 =	vld [tilespmem:s28+$0x30]  }
0x1a8: {  	v14 =	vld [tilespmem:s28+$0x10]  }
0x1a9: {  	v12 =	vld [tilespmem:s28+$0xFFFFFFC0]  }
0x1aa: {  	v8 =	vld.idx.msk [tilespmem:v7+s16+$0x0], $0xffff  }
0x1ab: {  	v16 =	vld [tilespmem:s28+$0xFFFFFFE0]  }
0x1ac: {  	v9 =	vld [tilespmem:s28+$0x20]  }
0x1ad: {  	v10 =	vld [tilespmem:s28+$0xFFFFFFD0]  }
0x1ae: {  	v7 =	vld [tilespmem:s28+$0xFFFFFFF0]  }
0x1af: {  	v15 =	vmul.f32 v11, v8;
	v11 =	vld [tilespmem:s28+$0x0]  }
0x1b0: {  	v13 =	vmul.f32 v12, v8  }
0x1b1: {  	s17 =	simm.s32 $0x1B1C0;
	s20 =	simm.s32 $0x1;
	v12 =	vmul.f32 v16, v8;
	v14 =	vmul.f32 v14, v8  }
.LBB2_11:
0x1b2: {  	p2 =	sne.s32 s20, $0x1F  }
0x1b3: {  	v10 =	vmul.f32 v10, v8;
	v9 =	vmul.f32 v9, v8;
	[tilespmem:s28+$0x30] =	vst v15;
	s17 =	sadd.s32 $0x80, s17;
	s18 =	smov.u32 s20;
	s20 =	sadd.s32 $0x1, s20  }
0x1b4: {  	[tilespmem:s28+$0xFFFFFFC0] =	vst v13;
	v13 =	vmul.f32 v7, v8;
	v8 =	vmul.f32 v11, v8  }
0x1b5: {  	[tilespmem:s28+$0x10] =	vst v14  }
0x1b6: {  	v11 =	vmov s18;
	[tilespmem:s28+$0xFFFFFFE0] =	vst v12  }
0x1b7: {  	v7 =	vld [tilespmem:s17+$0xFFFFFFF0];
	[tilespmem:s28+$0xFFFFFFF0] =	vst v13  }
0x1b8: {  	v12 =	vld [tilespmem:s17+$0x30];
	[tilespmem:s28+$0x0] =	vst v8  }
0x1b9: {  	v14 =	vld [tilespmem:s17+$0x10];
	[tilespmem:s28+$0x20] =	vst v9  }
0x1ba: {  	v13 =	vld [tilespmem:s17+$0xFFFFFFC0];
	[tilespmem:s28+$0xFFFFFFD0] =	vst v10;
	s28 =	smov.u32 s17  }
0x1bb: {  	v8 =	vld.idx.msk [tilespmem:v11+s16+$0x0], $0xffff  }
0x1bc: {  	v16 =	vld [tilespmem:s17+$0xFFFFFFE0]  }
0x1bd: {  	v9 =	vld [tilespmem:s17+$0x20]  }
.Ltmp4:
0x1be: {  	v10 =	vld [tilespmem:s17+$0xFFFFFFD0];
	(pc) =	sbr.rel @p2 .LBB2_11-.Ltmp4, $3  }
0x1bf: {  	v11 =	vld [tilespmem:s17+$0x0];
	_ =	sdelay $0x1  }
0x1c0: {  	v13 =	vmul.f32 v13, v8;
	v15 =	vmul.f32 v12, v8  }
0x1c1: {  	v14 =	vmul.f32 v14, v8;
	v12 =	vmul.f32 v16, v8  }
0x1c2: {  	[tilespmem:s28+$0x30] =	vst v15  }
0x1c3: {  	[tilespmem:s28+$0xFFFFFFC0] =	vst v13  }
0x1c4: {  	v7 =	vmul.f32 v7, v8;
	[tilespmem:s28+$0x10] =	vst v14  }
0x1c5: {  	v9 =	vmul.f32 v9, v8;
	[tilespmem:s28+$0xFFFFFFE0] =	vst v12  }
0x1c6: {  	v11 =	vmul.f32 v11, v8;
	[tilespmem:s28+$0xFFFFFFF0] =	vst v7  }
0x1c7: {  	v7 =	vmul.f32 v10, v8;
	[tilespmem:s28+$0x20] =	vst v9  }
0x1c8: {  	[tilespmem:s28+$0x0] =	vst v11  }
0x1c9: {  	s17 =	simm.s32 $0x1D680;
	[tilespmem:s28+$0xFFFFFFD0] =	vst v7  }
0x1ca: {  	[spmem:s2] =	stream.indirect.scatter.add.f32 [tilespmem:s24], [sflag:$0x7], $0x80, s17, s12, $0xb8;
	v63 =	vld [tilespmem:$0x0]  }
0x1cb: {  	s17 =	sadd.s32 @!p1 s10, s19  }
0x1cc: {  	s17 =	sshrl.u32 @!p1 s17, $0x3  }
0x1cd: {  	s20 =	simm.s32 @!p1 $0x0;
	s28 =	simm.s32 @!p1 $0x1D200;
	s18 =	sadd.s32 @!p1 s6, s17  }
0x1ce: {  	[tilespmem:s28], [sflag:$0xA] =	stream.linear.gather @!p1 [hbm4b:s18+s20], $0x20, $0x38;
	v63 =	vld [tilespmem:$0x0]  }
0x1cf: {  	s17 =	sadd.s32 @!p1 s7, s17;
	s18 =	simm.s32 @!p1 $0x1D400  }
0x1d0: {  	[tilespmem:s18], [sflag:$0xA] =	stream.linear.gather @!p1 [hbm4b:s17+s20], $0x20, $0x38;
	v63 =	vld [tilespmem:$0x0]  }
0x1d1: {  	s17 =	simm.s32 @!p1 $0x9  }
0x1d2: {  	_ =	swait.ge @!p1 [sflag:s17], $0x20  }
0x1d3: {  	[sflag:s17] =	ssyncset.done @!p1 $0x0  }
0x1d4: {  	[sflag:s17] =	ssyncadd.s32 @!p1 $0xFFFFFFE0  }
0x1d5: {  	_ =	swait.ge @!p1 [sflag:s17], $0x20  }
0x1d6: {  	[sflag:s17] =	ssyncset.done @!p1 $0x0  }
0x1d7: {  	[sflag:s17] =	ssyncadd.s32 @!p1 $0xFFFFFFE0;
	s17 =	simm.s32 @!p1 $0x5  }
0x1d8: {  	_ =	swait.ge @!p1 [sflag:s17], $0x1000  }
0x1d9: {  	s18 =	simm.s32 @!p1 $0x1D180;
	[sflag:s17] =	ssyncset.done @!p1 $0x0  }
0x1da: {  	s20 =	simm.s32 @!p1 $0x19180;
	[sflag:s17] =	ssyncadd.s32 @!p1 $0xFFFFF000;
	s17 =	simm.s32 @!p1 $0x20  }
0x1db: {  	[tilespmem:s20], [sflag:$0x1] =	stream.indirect.gather @!p1 [hbm4b:s1+s17], $0x80, s18, s17, $0xb8;
	v63 =	vld [tilespmem:$0x0]  }
0x1dc: {  	_ =	swait.ge [sflag:s11], $0x1000  }
0x1dd: {  	[sflag:s11] =	ssyncset.done $0x0  }
0x1de: {  	[sflag:s11] =	ssyncadd.s32 $0xFFFFF000  }
0x1df: {  	v7 =	vld [tilespmem:$0x1D300]  }
0x1e0: {  	v8 =	vld [tilespmem:$0x1D500];
	_ =	sdelay $0x6  }
0x1e1: {  	v7 =	vld.idx.msk [tilespmem:v7+s30+$0x0], $0xffff  }
0x1e2: {  	v9 =	vld.idx.msk [tilespmem:v8+s31+$0x0], $0xffff;
	_ =	sdelay $0x4  }
0x1e3: {  	v7 =	vadd.f32 v9, v7;
	_ =	sdelay $0x1  }
0x1e4: {  	v9 =	vmul.f32 $2.000000030e-01, v7  }
0x1e5: {  	vm0 =	vge.f32 v7, $0.0e+00  }
0x1e6: {  	v7 =	vsel vm0, v7, v9  }
0x1e7: {  	v7 =	vmul.f32 $1.442695020e+00, v7;
	_ =	sdelay $0x1  }
0x1e8: {  	(erf) = vpow2.f32 v7;
	_ =	sdelay $0x8  }
0x1e9: {  	v7 =	vpop (erf)  }
0x1ea: {  	[tilespmem:$0x1D780] =	vst v7  }
0x1eb: {  	[tilespmem:v8+s15+$0x0] =	vst.idx.add.f32.msk $0xffff, v7  }
0x1ec: {  	v7 =	vld [tilespmem:$0x1D310]  }
0x1ed: {  	v9 =	vld [tilespmem:$0x1D510];
	_ =	sdelay $0x5  }
0x1ee: {  	[tilespmem:$0x1D700] =	vst v8  }
0x1ef: {  	v7 =	vld.idx.msk [tilespmem:v7+s30+$0x0], $0xffff  }
0x1f0: {  	v8 =	vld.idx.msk [tilespmem:v9+s31+$0x0], $0xffff;
	_ =	sdelay $0x4  }
0x1f1: {  	v7 =	vadd.f32 v8, v7;
	_ =	sdelay $0x1  }
0x1f2: {  	v8 =	vmul.f32 $2.000000030e-01, v7  }
0x1f3: {  	vm15 =	vge.f32 v7, $0.0e+00  }
0x1f4: {  	v7 =	vsel vm15, v7, v8  }
0x1f5: {  	v7 =	vmul.f32 $1.442695020e+00, v7;
	_ =	sdelay $0x1  }
0x1f6: {  	(erf) = vpow2.f32 v7;
	_ =	sdelay $0x8  }
0x1f7: {  	v7 =	vpop (erf)  }
0x1f8: {  	s20 =	simm.s32 $0x0;
	[tilespmem:$0x1D790] =	vst v7  }
0x1f9: {  	[tilespmem:v9+s15+$0x0] =	vst.idx.add.f32.msk $0xffff, v7;
	v7 =	vmov s20  }
0x1fa: {  	s28 =	simm.s32 $0x1C1C0;
	[tilespmem:$0x1D710] =	vst v9  }
0x1fb: {  	v11 =	vld [tilespmem:s28+$0x30]  }
0x1fc: {  	v14 =	vld [tilespmem:s28+$0x10]  }
0x1fd: {  	v12 =	vld [tilespmem:s28+$0xFFFFFFC0]  }
0x1fe: {  	v8 =	vld.idx.msk [tilespmem:v7+s16+$0x0], $0xffff  }
0x1ff: {  	v16 =	vld [tilespmem:s28+$0xFFFFFFE0]  }
0x200: {  	v9 =	vld [tilespmem:s28+$0x20]  }
0x201: {  	v10 =	vld [tilespmem:s28+$0xFFFFFFD0]  }
0x202: {  	v7 =	vld [tilespmem:s28+$0xFFFFFFF0]  }
0x203: {  	v15 =	vmul.f32 v11, v8;
	v11 =	vld [tilespmem:s28+$0x0]  }
0x204: {  	v13 =	vmul.f32 v12, v8  }
0x205: {  	s17 =	simm.s32 $0x1C1C0;
	s20 =	simm.s32 $0x1;
	v12 =	vmul.f32 v16, v8;
	v14 =	vmul.f32 v14, v8  }
.LBB2_13:
0x206: {  	p2 =	sne.s32 s20, $0x1F  }
0x207: {  	v10 =	vmul.f32 v10, v8;
	v9 =	vmul.f32 v9, v8;
	[tilespmem:s28+$0x30] =	vst v15;
	s17 =	sadd.s32 $0x80, s17;
	s18 =	smov.u32 s20;
	s20 =	sadd.s32 $0x1, s20  }
0x208: {  	[tilespmem:s28+$0xFFFFFFC0] =	vst v13;
	v13 =	vmul.f32 v7, v8;
	v8 =	vmul.f32 v11, v8  }
0x209: {  	[tilespmem:s28+$0x10] =	vst v14  }
0x20a: {  	v11 =	vmov s18;
	[tilespmem:s28+$0xFFFFFFE0] =	vst v12  }
0x20b: {  	v7 =	vld [tilespmem:s17+$0xFFFFFFF0];
	[tilespmem:s28+$0xFFFFFFF0] =	vst v13  }
0x20c: {  	v12 =	vld [tilespmem:s17+$0x30];
	[tilespmem:s28+$0x0] =	vst v8  }
0x20d: {  	v14 =	vld [tilespmem:s17+$0x10];
	[tilespmem:s28+$0x20] =	vst v9  }
0x20e: {  	v13 =	vld [tilespmem:s17+$0xFFFFFFC0];
	[tilespmem:s28+$0xFFFFFFD0] =	vst v10;
	s28 =	smov.u32 s17  }
0x20f: {  	v8 =	vld.idx.msk [tilespmem:v11+s16+$0x0], $0xffff  }
0x210: {  	v16 =	vld [tilespmem:s17+$0xFFFFFFE0]  }
0x211: {  	v9 =	vld [tilespmem:s17+$0x20]  }
.Ltmp5:
0x212: {  	v10 =	vld [tilespmem:s17+$0xFFFFFFD0];
	(pc) =	sbr.rel @p2 .LBB2_13-.Ltmp5, $3  }
0x213: {  	v11 =	vld [tilespmem:s17+$0x0];
	_ =	sdelay $0x1  }
0x214: {  	v13 =	vmul.f32 v13, v8;
	v15 =	vmul.f32 v12, v8  }
0x215: {  	v14 =	vmul.f32 v14, v8;
	v12 =	vmul.f32 v16, v8  }
0x216: {  	[tilespmem:s28+$0x30] =	vst v15  }
0x217: {  	[tilespmem:s28+$0xFFFFFFC0] =	vst v13  }
0x218: {  	v7 =	vmul.f32 v7, v8;
	[tilespmem:s28+$0x10] =	vst v14  }
0x219: {  	v9 =	vmul.f32 v9, v8;
	[tilespmem:s28+$0xFFFFFFE0] =	vst v12  }
.Ltmp6:
0x21a: {  	v11 =	vmul.f32 v11, v8;
	[tilespmem:s28+$0xFFFFFFF0] =	vst v7;
	(pc) =	sbr.rel @p1 .LBB2_16-.Ltmp6, $4  }
0x21b: {  	v7 =	vmul.f32 v10, v8;
	[tilespmem:s28+$0x20] =	vst v9  }
0x21c: {  	[tilespmem:s28+$0x0] =	vst v11  }
0x21d: {  	s17 =	simm.s32 $0x1D700;
	[tilespmem:s28+$0xFFFFFFD0] =	vst v7  }
0x21e: {  	[spmem:s2] =	stream.indirect.scatter.add.f32 [tilespmem:s0], [sflag:$0x8], $0x80, s17, s12, $0xb8;
	v63 =	vld [tilespmem:$0x0]  }
0x21f: {  	s17 =	rddreg [dreg:$0x10]  }
0x220: {  	s10 =	sadd.s32 s10, s17  }
0x221: {  	s10 =	sshrl.u32 s10, $0x3  }
0x222: {  	s18 =	sadd.s32 s6, s10  }
0x223: {  	[tilespmem:s9], [sflag:$0xB] =	stream.linear.gather [hbm4b:s18+s4], $0x20, $0x38;
	v63 =	vld [tilespmem:$0x0]  }
0x224: {  	s20 =	simm.s32 $0x1D480;
	s10 =	sadd.s32 s7, s10  }
0x225: {  	[tilespmem:s20], [sflag:$0xB] =	stream.linear.gather [hbm4b:s10+s4], $0x20, $0x38;
	v63 =	vld [tilespmem:$0x0]  }
0x226: {  	_ =	swait.ge [sflag:s8], $0x20  }
0x227: {  	[sflag:s8] =	ssyncset.done $0x0  }
0x228: {  	[sflag:s8] =	ssyncadd.s32 $0xFFFFFFE0  }
0x229: {  	_ =	swait.ge [sflag:s8], $0x20  }
0x22a: {  	[sflag:s8] =	ssyncset.done $0x0  }
.Ltmp7:
0x22b: {  	[sflag:s8] =	ssyncadd.s32 $0xFFFFFFE0;
	(pc) =	sbr.rel .LBB2_6-.Ltmp7, $4  }
0x22c: {  	_ =	swait.ge [sflag:s23], $0x1000  }
0x22d: {  	[sflag:s23] =	ssyncset.done $0x0  }
0x22e: {  	s28 =	simm.s32 $0x1D200;
	s26 =	sadd.s32 $0x1, s26;
	[sflag:s23] =	ssyncadd.s32 $0xFFFFF000  }
0x22f: {  	[tilespmem:s13], [sflag:$0x2] =	stream.indirect.gather [hbm4b:s1+s12], $0x80, s28, s12, $0xb8;
	v63 =	vld [tilespmem:$0x0]  }
.LBB2_16:
0x230: {  	s10 =	simm.s32 $0x5  }
0x231: {  	_ =	swait.ge [sflag:s10], $0x1000  }
0x232: {  	[sflag:s10] =	ssyncset.done $0x0  }
0x233: {  	[sflag:s10] =	ssyncadd.s32 $0xFFFFF000  }
0x234: {  	_ =	swait.ge [sflag:s23], $0x1000  }
0x235: {  	[sflag:s23] =	ssyncset.done $0x0  }
0x236: {  	s17 =	simm.s32 $0x7;
	[sflag:s23] =	ssyncadd.s32 $0xFFFFF000  }
0x237: {  	_ =	swait.ge [sflag:s17], $0x1000  }
0x238: {  	[sflag:s17] =	ssyncset.done $0x0  }
0x239: {  	s18 =	simm.s32 $0x8;
	[sflag:s17] =	ssyncadd.s32 $0xFFFFF000  }
0x23a: {  	_ =	swait.ge [sflag:s18], $0x1000  }
0x23b: {  	s20 =	simm.s32 $0x0;
	[sflag:s18] =	ssyncset.done $0x0  }
0x23c: {  	s28 =	simm.s32 $0x1D180;
	s17 =	rddreg [dreg:$0x11];
	[sflag:s18] =	ssyncadd.s32 $0xFFFFF000  }
0x23d: {  	[tilespmem:s28], [sflag:$0xD] =	stream.linear.gather [hbm4b:s17+s20], $0x10, $0x38;
	v63 =	vld [tilespmem:$0x0]  }
0x23e: {  	_ =	swait.ge [sflag:s29], $0x10  }
0x23f: {  	[sflag:s29] =	ssyncset.done $0x0  }
0x240: {  	s18 =	simm.s32 $0x1D380;
	s21 =	rddreg [dreg:$0x12];
	[sflag:s29] =	ssyncadd.s32 $0xFFFFFFF0  }
0x241: {  	[tilespmem:s18], [sflag:$0xD] =	stream.linear.gather [hbm4b:s21+s20], $0x10, $0x38;
	v63 =	vld [tilespmem:$0x0]  }
0x242: {  	_ =	swait.ge [sflag:s29], $0x10  }
0x243: {  	[sflag:s29] =	ssyncset.done $0x0  }
0x244: {  	[sflag:s29] =	ssyncadd.s32 $0xFFFFFFF0  }
0x245: {  	v7 =	vld [tilespmem:$0x1D180]  }
0x246: {  	v8 =	vld [tilespmem:$0x1D380];
	_ =	sdelay $0x4  }
0x247: {  	[tilespmem:$0x1D190] =	vst v2  }
0x248: {  	[tilespmem:$0x1D390] =	vst v2  }
0x249: {  	v7 =	vld.idx.msk [tilespmem:v7+s30+$0x0], $0xffff  }
0x24a: {  	v9 =	vld.idx.msk [tilespmem:v8+s31+$0x0], $0xffff;
	_ =	sdelay $0x4  }
0x24b: {  	v7 =	vadd.f32 v9, v7;
	_ =	sdelay $0x1  }
0x24c: {  	v9 =	vmul.f32 $2.000000030e-01, v7  }
0x24d: {  	vm0 =	vge.f32 v7, $0.0e+00  }
0x24e: {  	v7 =	vsel vm0, v7, v9  }
0x24f: {  	v7 =	vmul.f32 $1.442695020e+00, v7;
	_ =	sdelay $0x1  }
0x250: {  	(erf) = vpow2.f32 v7;
	_ =	sdelay $0x8  }
0x251: {  	[tilespmem:$0x1D790] =	vst v1;
	v7 =	vpop (erf)  }
0x252: {  	[tilespmem:$0x1D780] =	vst v7  }
0x253: {  	s26 =	simm.s32 $0x19180;
	[tilespmem:v8+s15+$0x0] =	vst.idx.add.f32.msk $0xffff, v7  }
0x254: {  	[tilespmem:s26], [sflag:$0x1] =	stream.indirect.gather [hbm4b:s1+s12], $0x80, s28, s12, $0xb8;
	v63 =	vld [tilespmem:$0x0]  }
0x255: {  	_ =	swait.ge [sflag:s14], $0x1000  }
0x256: {  	v7 =	vmov s20;
	[sflag:s14] =	ssyncset.done $0x0  }
0x257: {  	s10 =	simm.s32 $0x191C0;
	[sflag:s14] =	ssyncadd.s32 $0xFFFFF000  }
0x258: {  	v11 =	vld [tilespmem:s10+$0x30]  }
0x259: {  	v14 =	vld [tilespmem:s10+$0x10]  }
0x25a: {  	v12 =	vld [tilespmem:s10+$0xFFFFFFC0]  }
0x25b: {  	v8 =	vld.idx.msk [tilespmem:v7+s16+$0x0], $0xffff  }
0x25c: {  	v16 =	vld [tilespmem:s10+$0xFFFFFFE0]  }
0x25d: {  	v7 =	vld [tilespmem:s10+$0xFFFFFFF0]  }
0x25e: {  	v9 =	vld [tilespmem:s10+$0x20]  }
0x25f: {  	v10 =	vld [tilespmem:s10+$0xFFFFFFD0]  }
0x260: {  	v15 =	vmul.f32 v11, v8;
	v11 =	vld [tilespmem:s10+$0x0]  }
0x261: {  	v13 =	vmul.f32 v12, v8  }
0x262: {  	s17 =	simm.s32 $0x191C0;
	s20 =	simm.s32 $0x1;
	v12 =	vmul.f32 v16, v8;
	v14 =	vmul.f32 v14, v8  }
.LBB2_17:
0x263: {  	p1 =	sne.s32 s20, $0x1F  }
0x264: {  	v10 =	vmul.f32 v10, v8;
	v9 =	vmul.f32 v9, v8;
	[tilespmem:s10+$0x30] =	vst v15;
	s17 =	sadd.s32 $0x80, s17;
	s18 =	smov.u32 s20;
	s20 =	sadd.s32 $0x1, s20  }
0x265: {  	[tilespmem:s10+$0xFFFFFFC0] =	vst v13;
	v13 =	vmul.f32 v7, v8;
	v8 =	vmul.f32 v11, v8  }
0x266: {  	[tilespmem:s10+$0x10] =	vst v14  }
0x267: {  	v11 =	vmov s18;
	[tilespmem:s10+$0xFFFFFFE0] =	vst v12  }
0x268: {  	v7 =	vld [tilespmem:s17+$0xFFFFFFF0];
	[tilespmem:s10+$0xFFFFFFF0] =	vst v13  }
0x269: {  	v12 =	vld [tilespmem:s17+$0x30];
	[tilespmem:s10+$0x0] =	vst v8  }
0x26a: {  	v14 =	vld [tilespmem:s17+$0x10];
	[tilespmem:s10+$0x20] =	vst v9  }
0x26b: {  	v13 =	vld [tilespmem:s17+$0xFFFFFFC0];
	[tilespmem:s10+$0xFFFFFFD0] =	vst v10;
	s10 =	smov.u32 s17  }
0x26c: {  	v8 =	vld.idx.msk [tilespmem:v11+s16+$0x0], $0xffff  }
0x26d: {  	v16 =	vld [tilespmem:s17+$0xFFFFFFE0]  }
0x26e: {  	v9 =	vld [tilespmem:s17+$0x20]  }
.Ltmp8:
0x26f: {  	v10 =	vld [tilespmem:s17+$0xFFFFFFD0];
	(pc) =	sbr.rel @p1 .LBB2_17-.Ltmp8, $3  }
0x270: {  	v11 =	vld [tilespmem:s17+$0x0];
	_ =	sdelay $0x1  }
0x271: {  	v13 =	vmul.f32 v13, v8;
	v15 =	vmul.f32 v12, v8  }
0x272: {  	v14 =	vmul.f32 v14, v8;
	v12 =	vmul.f32 v16, v8  }
0x273: {  	[tilespmem:s10+$0x30] =	vst v15  }
0x274: {  	[tilespmem:s10+$0xFFFFFFC0] =	vst v13  }
0x275: {  	v7 =	vmul.f32 v7, v8;
	[tilespmem:s10+$0x10] =	vst v14  }
0x276: {  	v9 =	vmul.f32 v9, v8;
	[tilespmem:s10+$0xFFFFFFE0] =	vst v12  }
0x277: {  	v11 =	vmul.f32 v11, v8;
	[tilespmem:s10+$0xFFFFFFF0] =	vst v7  }
0x278: {  	v7 =	vmul.f32 v10, v8;
	[tilespmem:s10+$0x20] =	vst v9  }
0x279: {  	[tilespmem:s10+$0x0] =	vst v11  }
0x27a: {  	s21 =	simm.s32 $0x19180;
	s17 =	simm.s32 $0x1D380;
	[tilespmem:s10+$0xFFFFFFD0] =	vst v7  }
0x27b: {  	[spmem:s2] =	stream.indirect.scatter.add.f32 [tilespmem:s21], [sflag:$0xD], $0x80, s17, s12, $0xb8;
	v63 =	vld [tilespmem:$0x0]  }
0x27c: {  	_ =	swait.ge [sflag:s29], $0x1000  }
0x27d: {  	[sflag:s29] =	ssyncset.done $0x0  }
0x27e: {  	[sflag:s29] =	ssyncadd.s32 $0xFFFFF000  }
0x27f: {  	[tilespmem:$0x1D580] =	vst v0  }
0x280: {  	[tilespmem:$0x1D590] =	vst v3  }
0x281: {  	[tilespmem:$0x1D600] =	vst v4  }
0x282: {  	[tilespmem:$0x1D610] =	vst v5  }
0x283: {  	s26 =	simm.s32 $0x1D580;
	[tilespmem:$0x1D680] =	vst v6;
	s18 =	rddreg [dreg:$0x3]  }
0x284: {  	[spmem:s18] =	stream.indirect.scatter.add.f32 [tilespmem:s15], [sflag:$0xD], $0x80, s26, s12, $0xb8;
	v63 =	vld [tilespmem:$0x0]  }
0x285: {  	_ =	swait.ge [sflag:s29], $0x1000  }
0x286: {  	[sflag:s29] =	ssyncset.done $0x0  }
0x287: {  	s20 =	simm.s32 $0x1E800;
	s17 =	simm.s32 $0x1D600;
	[sflag:s29] =	ssyncadd.s32 $0xFFFFF000  }
0x288: {  	[spmem:s18] =	stream.indirect.scatter.add.f32 [tilespmem:s20], [sflag:$0xD], $0x80, s17, s12, $0xb8;
	v63 =	vld [tilespmem:$0x0]  }
0x289: {  	_ =	swait.ge [sflag:s29], $0x1000  }
0x28a: {  	s21 =	simm.s32 $0x1D680;
	[sflag:s29] =	ssyncset.done $0x0  }
0x28b: {  	s26 =	simm.s32 $0x10;
	s20 =	simm.s32 $0x1F800;
	[sflag:s29] =	ssyncadd.s32 $0xFFFFF000  }
0x28c: {  	[spmem:s18] =	stream.indirect.scatter.add.f32 [tilespmem:s20], [sflag:$0xD], $0x80, s21, s26, $0xb8;
	v63 =	vld [tilespmem:$0x0]  }
0x28d: {  	_ =	swait.ge [sflag:s29], $0x800  }
0x28e: {  	[sflag:s29] =	ssyncset.done $0x0  }
0x28f: {  	[sflag:s29] =	ssyncadd.s32 $0xFFFFF800  }
0x290: {  	s21 =	stileid.u32;
	[bflag:$0x0] =	sbarrier.arrive $0xFFFF  }
0x291: {  	s10 =	sshll.u32 s21, $0x6;
	s20 =	rddreg [dreg:$0x7]  }
0x292: {  	s10 =	sor.u32 $0x1C0D, s10;
	s21 =	rddreg [dreg:$0x13];
	s26 =	sshrl.u32 s20, $0x3  }
0x293: {  	[hbm:s21], [sflag:s10] =	dma.local [spmem:s26], $0x2800  }
0x294: {  	_ =	swait.ge [sflag:s29], $0x2800  }
0x295: {  	[sflag:s29] =	ssyncset.done $0x0  }
0x296: {  	s17 =	sshrl.u32 @!p0 s18, $0x3;
	s21 =	rddreg [dreg:$0x14];
	[sflag:s29] =	ssyncadd.s32 $0xFFFFD800  }
0x297: {  	[hbm:s21], [sflag:s10] =	dma.local @!p0 [spmem:s17], $0x500  }
0x298: {  	s10 =	simm.s32 @!p0 $0xD  }
0x299: {  	_ =	swait.ge @!p0 [sflag:s10], $0x500  }
0x29a: {  	s17 =	sld [smem:$0x7F2];
	_ =	sdelay $0x2  }
0x29b: {  	s26 =	rddreg [dreg:$0x15];
	s21 =	sadd.s32 $0x1, s17  }
0x29c: {  	p1 =	sne.s32 s21, s26  }
.Ltmp9:
0x29d: {  	_ = 	snop;
	(pc) =	sbr.rel @p1 .LBB2_1-.Ltmp9, $3  }
0x29e: {  	_ =	sdelay $0x1  }
0x29f: {  	[sflag:s10] =	ssyncset.done @!p0 $0x0  }
0x2a0: {  	[sflag:s10] =	ssyncadd.s32 @!p0 $0xFFFFFB00  }
0x2a1: {  	_ =	sfence.sel $0x180000  }
0x2a2: {  	[bflag:$0x0] =	sbarrier.arrive $0xFFFF  }
0x2a3: {  	_ =	strace $0x90000047  }
0x2a4: {  	[bflag:$0x2] =	sbarrier.arrive $0xFFFF  }
0x2a5: {  	s0 =	rddreg [dreg:$0x4]  }
0x2a6: {  	s0 =	sadd.s32 @!p0 $0x100000, s0  }
0x2a7: {  	[sflag:s0] =	ssyncadd.tile.s32 @!p0 $0x1;
	_ =	shalt  }
.Lfunc_end2:
_tile_overlayer_lowered:
.L_overlay_start_2:
0x2a8: {  	(tag) =	ssettag $0x2  }
0x2a9: {  	s0 =	rddreg [dreg:$0x0];
	s2 =	stileid.u32  }
0x2aa: {  	s1 =	rddreg [dreg:$0x1];
	p0 =	sne.s32 s2, $0x0  }
0x2ab: {  	s3 =	rddreg [dreg:$0x2];
	[bflag:$0x3] =	sbarrier.arrive $0xFFFF;
	s2 =	simm.s32 @!p0 $0x1C0D  }
0x2ac: {  	[timem:s3], [sflag:s2] =	dma.local @!p0 [hbm:s0], s1  }
0x2ad: {  	s0 =	simm.s32 @!p0 $0xD  }
0x2ae: {  	_ =	swait.ge @!p0 [sflag:s0], s1  }
0x2af: {  	s1 =	ssub.s32 @!p0 $0x0, s1;
	[sflag:s0] =	ssyncset.done @!p0 $0x0  }
0x2b0: {  	[sflag:s0] =	ssyncadd.s32 @!p0 s1  }
0x2b1: {  	[bflag:$0x3] =	sbarrier.arrive $0xFFFF  }
0x2b2: {  	_ =	shalt  }

</sc_bundles>
